<compile_context>
chip_gen: v7x
topology: tpu7x:2x2x1
jax: 0.10.2.dev20260603
libtpu: 0.0.44.dev20260713+nightly
codegen_flags: <defaults>
</compile_context>

<pallas_src>
import functools

import jax
import jax.numpy as jnp
from jax import lax
from jax.experimental import pallas as pl
from jax.experimental.pallas import tpu as pltpu
import jax.experimental.pallas.tpu_sc as plsc

MAX_REL = 2048
Q_LEN = 32
K_LEN = 2048
D_MODEL = 1024

NC, NS = 2, 16
NW = NC * NS
LANES = 16

CHUNK = 32
NSLOT = 3
NK = K_LEN // CHUNK


def _sc_body(rel_hbm, out_hbm, idx_v, buf, *sems):
    ga, wa = sems[0:NSLOT], sems[NSLOT:2 * NSLOT]
    w = lax.axis_index("s") * NC + lax.axis_index("c")
    row0 = w * K_LEN
    iota = lax.iota(jnp.int32, LANES)

    for v in range(K_LEN // LANES):
        idx_v[pl.ds(v * LANES, LANES)] = (
            jnp.full((LANES,), w + MAX_REL - v * LANES, jnp.int32) - iota)

    def issue_gather(k, ss):
        pltpu.async_copy(
            rel_hbm.at[idx_v.at[pl.ds(k * CHUNK, CHUNK)]],
            buf.at[pl.ds(ss * CHUNK, CHUNK)], ga[ss])

    def issue_write(k, ss):
        off = pl.multiple_of(row0 + k * CHUNK, 8)
        pltpu.async_copy(buf.at[pl.ds(ss * CHUNK, CHUNK)],
                         out_hbm.at[pl.ds(off, CHUNK)], wa[ss])

    def wait_in(sem):
        pltpu.make_async_copy(rel_hbm.at[pl.ds(0, CHUNK)],
                              buf.at[pl.ds(0, CHUNK)], sem).wait()

    def wait_out(sem):
        pltpu.make_async_copy(buf.at[pl.ds(0, CHUNK)],
                              out_hbm.at[pl.ds(0, CHUNK)], sem).wait()

    for d in range(NSLOT):
        issue_gather(d, d)

    def step(k, carry):
        s = lax.rem(k, NSLOT)
        p = lax.rem(k + NSLOT - 1, NSLOT)

        for ss in range(NSLOT):
            @pl.when(jnp.logical_and(p == ss,
                                     jnp.logical_and(k >= 1, k <= NK - 3)))
            def _():
                wait_out(wa[ss])
                issue_gather(k + 2, ss)

            @pl.when(s == ss)
            def _():
                wait_in(ga[ss])
                issue_write(k, ss)

        return carry

    lax.fori_loop(0, NK, step, 0)

    for ss in range(NSLOT):
        wait_out(wa[ss])


@functools.partial(jax.jit, static_argnames=())
def _sc_gather(rel_emb):
    mesh = plsc.VectorSubcoreMesh(core_axis_name="c", subcore_axis_name="s")
    run = pl.kernel(
        _sc_body,
        out_type=jax.ShapeDtypeStruct((Q_LEN * K_LEN, D_MODEL), jnp.float32),
        mesh=mesh,
        scratch_types=(
            [pltpu.VMEM((K_LEN,), jnp.int32),
             pltpu.VMEM((NSLOT * CHUNK, D_MODEL), jnp.float32)]
            + [pltpu.SemaphoreType.DMA] * (2 * NSLOT)
        ),
    )
    return run(rel_emb)


def kernel(q, k, rel_emb):
    del q, k
    return _sc_gather(rel_emb).reshape(Q_LEN, K_LEN, D_MODEL)

# --- scband reference (transcript-rebuilt; emitter-appended) ---
"""Pipeline reference for scband-relative-positional-embedding-8804682956841 (READ-ONLY COPY).

The authoritative reference and input builder live on the scoring server;
editing this copy changes nothing except your own understanding.
"""

import jax, jax.numpy as jnp
import numpy as np

MAX_LEN = 2048
D_MODEL = 1024

def setup_inputs(seed: int = 0) -> dict:
    key = jax.random.key(seed)
    k1, k2, k3 = jax.random.split(key, 3)
    q = jax.random.normal(k1, (32, 32, D_MODEL), dtype=jnp.float32)
    k = jax.random.normal(k2, (32, 2048, D_MODEL), dtype=jnp.float32)
    rel_emb = jax.random.normal(k3, (2 * MAX_LEN, D_MODEL), dtype=jnp.float32)
    return {"q": q, "k": k, "rel_emb": rel_emb}

def reference(q, k, rel_emb):
    q_len = q.shape[1]
    k_len = k.shape[1]
    position_ids = jnp.arange(q_len)[:, None] - jnp.arange(k_len)[None, :]
    position_ids = position_ids + MAX_LEN
    return jnp.take(rel_emb, position_ids, axis=0)

if __name__ == "__main__":
    import jax
    _d = setup_inputs()
    print(jax.jit(kernel)(*tuple(_d.values())))

</pallas_src>

<mosaic_0001>
#map = affine_map<(d0, d1) -> (0, 0)>
module attributes {stable_mosaic.version = 14 : i64} {
  func.func @_sc_body(%arg0: i32, %arg1: i32, %arg2: memref<4096x1024xf32, #tpu.memory_space<hbm>>, %arg3: memref<65536x1024xf32, #tpu.memory_space<hbm>>, %arg4: memref<2048xi32, #tpu.memory_space<vmem>>, %arg5: memref<96x1024xf32, #tpu.memory_space<vmem>>, %arg6: memref<!tpu.dma_semaphore, #tpu.memory_space<semaphore_mem>>, %arg7: memref<!tpu.dma_semaphore, #tpu.memory_space<semaphore_mem>>, %arg8: memref<!tpu.dma_semaphore, #tpu.memory_space<semaphore_mem>>, %arg9: memref<!tpu.dma_semaphore, #tpu.memory_space<semaphore_mem>>, %arg10: memref<!tpu.dma_semaphore, #tpu.memory_space<semaphore_mem>>, %arg11: memref<!tpu.dma_semaphore, #tpu.memory_space<semaphore_mem>>) attributes {dimension_semantics = [#tpu.dimension_semantics<core_parallel>, #tpu.dimension_semantics<subcore_parallel>], iteration_bounds = array<i64: 2, 16>, scalar_prefetch = 0 : i64, scratch_operands = 8 : i64, tpu.core_type = #tpu.core_type<sc_vector_subcore>, window_params = [{transform_indices = #map}, {transform_indices = #map}]} {
    %mul3A = arith.constant 2 : i32
    %mul3A_0 = arith.muli %arg1, %mul3A : i32
    %add3A = arith.addi %mul3A_0, %arg0 : i32
    %mul3A_1 = arith.constant 2048 : i32
    %mul3A_2 = arith.muli %add3A, %mul3A_1 : i32
    %iota3A = tpu.iota {dimensions = array<i32: 0>} : vector<16xi32>
    %add3A_3 = arith.constant 2048 : i32
    %add3A_4 = arith.addi %add3A, %add3A_3 : i32
    %sub3A = arith.constant 0 : i32
    %sub3A_5 = arith.subi %add3A_4, %sub3A : i32
    %broadcast_in_dim3A = vector.broadcast %sub3A_5 : i32 to vector<16xi32>
    %sub3A_6 = arith.subi %broadcast_in_dim3A, %iota3A : vector<16xi32>
    %swap3A = arith.constant 0 : index
    %swap3A_7 = tpu.vector_load %arg4[%swap3A] {strides = array<i32>} : memref<2048xi32, #tpu.memory_space<vmem>>, vector<16xi32>,
    %swap3A_8 = vector.shape_cast %swap3A_7 : vector<16xi32> to vector<16xi32>
    %swap3A_9 = vector.shape_cast %sub3A_6 : vector<16xi32> to vector<16xi32>
    tpu.vector_store %arg4[%swap3A], %swap3A_9 {strides = array<i32>} : memref<2048xi32, #tpu.memory_space<vmem>>, vector<16xi32>,
    %add3A_10 = arith.constant 2048 : i32
    %add3A_11 = arith.addi %add3A, %add3A_10 : i32
    %sub3A_12 = arith.constant 16 : i32
    %sub3A_13 = arith.subi %add3A_11, %sub3A_12 : i32
    %broadcast_in_dim3A_14 = vector.broadcast %sub3A_13 : i32 to vector<16xi32>
    %sub3A_15 = arith.subi %broadcast_in_dim3A_14, %iota3A : vector<16xi32>
    %swap3A_16 = arith.constant 16 : index
    %swap3A_17 = tpu.vector_load %arg4[%swap3A_16] {strides = array<i32>} : memref<2048xi32, #tpu.memory_space<vmem>>, vector<16xi32>,
    %swap3A_18 = vector.shape_cast %swap3A_17 : vector<16xi32> to vector<16xi32>
    %swap3A_19 = vector.shape_cast %sub3A_15 : vector<16xi32> to vector<16xi32>
    tpu.vector_store %arg4[%swap3A_16], %swap3A_19 {strides = array<i32>} : memref<2048xi32, #tpu.memory_space<vmem>>, vector<16xi32>,
    %add3A_20 = arith.constant 2048 : i32
    %add3A_21 = arith.addi %add3A, %add3A_20 : i32
    %sub3A_22 = arith.constant 32 : i32
    %sub3A_23 = arith.subi %add3A_21, %sub3A_22 : i32
    %broadcast_in_dim3A_24 = vector.broadcast %sub3A_23 : i32 to vector<16xi32>
    %sub3A_25 = arith.subi %broadcast_in_dim3A_24, %iota3A : vector<16xi32>
    %swap3A_26 = arith.constant 32 : index
    %swap3A_27 = tpu.vector_load %arg4[%swap3A_26] {strides = array<i32>} : memref<2048xi32, #tpu.memory_space<vmem>>, vector<16xi32>,
    %swap3A_28 = vector.shape_cast %swap3A_27 : vector<16xi32> to vector<16xi32>
    %swap3A_29 = vector.shape_cast %sub3A_25 : vector<16xi32> to vector<16xi32>
    tpu.vector_store %arg4[%swap3A_26], %swap3A_29 {strides = array<i32>} : memref<2048xi32, #tpu.memory_space<vmem>>, vector<16xi32>,
    %add3A_30 = arith.constant 2048 : i32
    %add3A_31 = arith.addi %add3A, %add3A_30 : i32
    %sub3A_32 = arith.constant 48 : i32
    %sub3A_33 = arith.subi %add3A_31, %sub3A_32 : i32
    %broadcast_in_dim3A_34 = vector.broadcast %sub3A_33 : i32 to vector<16xi32>
    %sub3A_35 = arith.subi %broadcast_in_dim3A_34, %iota3A : vector<16xi32>
    %swap3A_36 = arith.constant 48 : index
    %swap3A_37 = tpu.vector_load %arg4[%swap3A_36] {strides = array<i32>} : memref<2048xi32, #tpu.memory_space<vmem>>, vector<16xi32>,
    %swap3A_38 = vector.shape_cast %swap3A_37 : vector<16xi32> to vector<16xi32>
    %swap3A_39 = vector.shape_cast %sub3A_35 : vector<16xi32> to vector<16xi32>
    tpu.vector_store %arg4[%swap3A_36], %swap3A_39 {strides = array<i32>} : memref<2048xi32, #tpu.memory_space<vmem>>, vector<16xi32>,
    %add3A_40 = arith.constant 2048 : i32
    %add3A_41 = arith.addi %add3A, %add3A_40 : i32
    %sub3A_42 = arith.constant 64 : i32
    %sub3A_43 = arith.subi %add3A_41, %sub3A_42 : i32
    %broadcast_in_dim3A_44 = vector.broadcast %sub3A_43 : i32 to vector<16xi32>
    %sub3A_45 = arith.subi %broadcast_in_dim3A_44, %iota3A : vector<16xi32>
    %swap3A_46 = arith.constant 64 : index
    %swap3A_47 = tpu.vector_load %arg4[%swap3A_46] {strides = array<i32>} : memref<2048xi32, #tpu.memory_space<vmem>>, vector<16xi32>,
    %swap3A_48 = vector.shape_cast %swap3A_47 : vector<16xi32> to vector<16xi32>
    %swap3A_49 = vector.shape_cast %sub3A_45 : vector<16xi32> to vector<16xi32>
    tpu.vector_store %arg4[%swap3A_46], %swap3A_49 {strides = array<i32>} : memref<2048xi32, #tpu.memory_space<vmem>>, vector<16xi32>,
    %add3A_50 = arith.constant 2048 : i32
    %add3A_51 = arith.addi %add3A, %add3A_50 : i32
    %sub3A_52 = arith.constant 80 : i32
    %sub3A_53 = arith.subi %add3A_51, %sub3A_52 : i32
    %broadcast_in_dim3A_54 = vector.broadcast %sub3A_53 : i32 to vector<16xi32>
    %sub3A_55 = arith.subi %broadcast_in_dim3A_54, %iota3A : vector<16xi32>
    %swap3A_56 = arith.constant 80 : index
    %swap3A_57 = tpu.vector_load %arg4[%swap3A_56] {strides = array<i32>} : memref<2048xi32, #tpu.memory_space<vmem>>, vector<16xi32>,
    %swap3A_58 = vector.shape_cast %swap3A_57 : vector<16xi32> to vector<16xi32>
    %swap3A_59 = vector.shape_cast %sub3A_55 : vector<16xi32> to vector<16xi32>
    tpu.vector_store %arg4[%swap3A_56], %swap3A_59 {strides = array<i32>} : memref<2048xi32, #tpu.memory_space<vmem>>, vector<16xi32>,
    %add3A_60 = arith.constant 2048 : i32
    %add3A_61 = arith.addi %add3A, %add3A_60 : i32
    %sub3A_62 = arith.constant 96 : i32
    %sub3A_63 = arith.subi %add3A_61, %sub3A_62 : i32
    %broadcast_in_dim3A_64 = vector.broadcast %sub3A_63 : i32 to vector<16xi32>
    %sub3A_65 = arith.subi %broadcast_in_dim3A_64, %iota3A : vector<16xi32>
    %swap3A_66 = arith.constant 96 : index
    %swap3A_67 = tpu.vector_load %arg4[%swap3A_66] {strides = array<i32>} : memref<2048xi32, #tpu.memory_space<vmem>>, vector<16xi32>,
    %swap3A_68 = vector.shape_cast %swap3A_67 : vector<16xi32> to vector<16xi32>
    %swap3A_69 = vector.shape_cast %sub3A_65 : vector<16xi32> to vector<16xi32>
    tpu.vector_store %arg4[%swap3A_66], %swap3A_69 {strides = array<i32>} : memref<2048xi32, #tpu.memory_space<vmem>>, vector<16xi32>,
    %add3A_70 = arith.constant 2048 : i32
    %add3A_71 = arith.addi %add3A, %add3A_70 : i32
    %sub3A_72 = arith.constant 112 : i32
    %sub3A_73 = arith.subi %add3A_71, %sub3A_72 : i32
    %broadcast_in_dim3A_74 = vector.broadcast %sub3A_73 : i32 to vector<16xi32>
    %sub3A_75 = arith.subi %broadcast_in_dim3A_74, %iota3A : vector<16xi32>
    %swap3A_76 = arith.constant 112 : index
    %swap3A_77 = tpu.vector_load %arg4[%swap3A_76] {strides = array<i32>} : memref<2048xi32, #tpu.memory_space<vmem>>, vector<16xi32>,
    %swap3A_78 = vector.shape_cast %swap3A_77 : vector<16xi32> to vector<16xi32>
    %swap3A_79 = vector.shape_cast %sub3A_75 : vector<16xi32> to vector<16xi32>
    tpu.vector_store %arg4[%swap3A_76], %swap3A_79 {strides = array<i32>} : memref<2048xi32, #tpu.memory_space<vmem>>, vector<16xi32>,
    %add3A_80 = arith.constant 2048 : i32
    %add3A_81 = arith.addi %add3A, %add3A_80 : i32
    %sub3A_82 = arith.constant 128 : i32
    %sub3A_83 = arith.subi %add3A_81, %sub3A_82 : i32
    %broadcast_in_dim3A_84 = vector.broadcast %sub3A_83 : i32 to vector<16xi32>
    %sub3A_85 = arith.subi %broadcast_in_dim3A_84, %iota3A : vector<16xi32>
    %swap3A_86 = arith.constant 128 : index
    %swap3A_87 = tpu.vector_load %arg4[%swap3A_86] {strides = array<i32>} : memref<2048xi32, #tpu.memory_space<vmem>>, vector<16xi32>,
    %swap3A_88 = vector.shape_cast %swap3A_87 : vector<16xi32> to vector<16xi32>
    %swap3A_89 = vector.shape_cast %sub3A_85 : vector<16xi32> to vector<16xi32>
    tpu.vector_store %arg4[%swap3A_86], %swap3A_89 {strides = array<i32>} : memref<2048xi32, #tpu.memory_space<vmem>>, vector<16xi32>,
    %add3A_90 = arith.constant 2048 : i32
    %add3A_91 = arith.addi %add3A, %add3A_90 : i32
    %sub3A_92 = arith.constant 144 : i32
    %sub3A_93 = arith.subi %add3A_91, %sub3A_92 : i32
    %broadcast_in_dim3A_94 = vector.broadcast %sub3A_93 : i32 to vector<16xi32>
    %sub3A_95 = arith.subi %broadcast_in_dim3A_94, %iota3A : vector<16xi32>
    %swap3A_96 = arith.constant 144 : index
    %swap3A_97 = tpu.vector_load %arg4[%swap3A_96] {strides = array<i32>} : memref<2048xi32, #tpu.memory_space<vmem>>, vector<16xi32>,
    %swap3A_98 = vector.shape_cast %swap3A_97 : vector<16xi32> to vector<16xi32>
    %swap3A_99 = vector.shape_cast %sub3A_95 : vector<16xi32> to vector<16xi32>
    tpu.vector_store %arg4[%swap3A_96], %swap3A_99 {strides = array<i32>} : memref<2048xi32, #tpu.memory_space<vmem>>, vector<16xi32>,
    %add3A_100 = arith.constant 2048 : i32
    %add3A_101 = arith.addi %add3A, %add3A_100 : i32
    %sub3A_102 = arith.constant 160 : i32
    %sub3A_103 = arith.subi %add3A_101, %sub3A_102 : i32
    %broadcast_in_dim3A_104 = vector.broadcast %sub3A_103 : i32 to vector<16xi32>
    %sub3A_105 = arith.subi %broadcast_in_dim3A_104, %iota3A : vector<16xi32>
    %swap3A_106 = arith.constant 160 : index
    %swap3A_107 = tpu.vector_load %arg4[%swap3A_106] {strides = array<i32>} : memref<2048xi32, #tpu.memory_space<vmem>>, vector<16xi32>,
    %swap3A_108 = vector.shape_cast %swap3A_107 : vector<16xi32> to vector<16xi32>
    %swap3A_109 = vector.shape_cast %sub3A_105 : vector<16xi32> to vector<16xi32>
    tpu.vector_store %arg4[%swap3A_106], %swap3A_109 {strides = array<i32>} : memref<2048xi32, #tpu.memory_space<vmem>>, vector<16xi32>,
    %add3A_110 = arith.constant 2048 : i32
    %add3A_111 = arith.addi %add3A, %add3A_110 : i32
    %sub3A_112 = arith.constant 176 : i32
    %sub3A_113 = arith.subi %add3A_111, %sub3A_112 : i32
    %broadcast_in_dim3A_114 = vector.broadcast %sub3A_113 : i32 to vector<16xi32>
    %sub3A_115 = arith.subi %broadcast_in_dim3A_114, %iota3A : vector<16xi32>
    %swap3A_116 = arith.constant 176 : index
    %swap3A_117 = tpu.vector_load %arg4[%swap3A_116] {strides = array<i32>} : memref<2048xi32, #tpu.memory_space<vmem>>, vector<16xi32>,
    %swap3A_118 = vector.shape_cast %swap3A_117 : vector<16xi32> to vector<16xi32>
    %swap3A_119 = vector.shape_cast %sub3A_115 : vector<16xi32> to vector<16xi32>
    tpu.vector_store %arg4[%swap3A_116], %swap3A_119 {strides = array<i32>} : memref<2048xi32, #tpu.memory_space<vmem>>, vector<16xi32>,
    %add3A_120 = arith.constant 2048 : i32
    %add3A_121 = arith.addi %add3A, %add3A_120 : i32
    %sub3A_122 = arith.constant 192 : i32
    %sub3A_123 = arith.subi %add3A_121, %sub3A_122 : i32
    %broadcast_in_dim3A_124 = vector.broadcast %sub3A_123 : i32 to vector<16xi32>
    %sub3A_125 = arith.subi %broadcast_in_dim3A_124, %iota3A : vector<16xi32>
    %swap3A_126 = arith.constant 192 : index
    %swap3A_127 = tpu.vector_load %arg4[%swap3A_126] {strides = array<i32>} : memref<2048xi32, #tpu.memory_space<vmem>>, vector<16xi32>,
    %swap3A_128 = vector.shape_cast %swap3A_127 : vector<16xi32> to vector<16xi32>
    %swap3A_129 = vector.shape_cast %sub3A_125 : vector<16xi32> to vector<16xi32>
    tpu.vector_store %arg4[%swap3A_126], %swap3A_129 {strides = array<i32>} : memref<2048xi32, #tpu.memory_space<vmem>>, vector<16xi32>,
    %add3A_130 = arith.constant 2048 : i32
    %add3A_131 = arith.addi %add3A, %add3A_130 : i32
    %sub3A_132 = arith.constant 208 : i32
    %sub3A_133 = arith.subi %add3A_131, %sub3A_132 : i32
    %broadcast_in_dim3A_134 = vector.broadcast %sub3A_133 : i32 to vector<16xi32>
    %sub3A_135 = arith.subi %broadcast_in_dim3A_134, %iota3A : vector<16xi32>
    %swap3A_136 = arith.constant 208 : index
    %swap3A_137 = tpu.vector_load %arg4[%swap3A_136] {strides = array<i32>} : memref<2048xi32, #tpu.memory_space<vmem>>, vector<16xi32>,
    %swap3A_138 = vector.shape_cast %swap3A_137 : vector<16xi32> to vector<16xi32>
    %swap3A_139 = vector.shape_cast %sub3A_135 : vector<16xi32> to vector<16xi32>
    tpu.vector_store %arg4[%swap3A_136], %swap3A_139 {strides = array<i32>} : memref<2048xi32, #tpu.memory_space<vmem>>, vector<16xi32>,
    %add3A_140 = arith.constant 2048 : i32
    %add3A_141 = arith.addi %add3A, %add3A_140 : i32
    %sub3A_142 = arith.constant 224 : i32
    %sub3A_143 = arith.subi %add3A_141, %sub3A_142 : i32
    %broadcast_in_dim3A_144 = vector.broadcast %sub3A_143 : i32 to vector<16xi32>
    %sub3A_145 = arith.subi %broadcast_in_dim3A_144, %iota3A : vector<16xi32>
    %swap3A_146 = arith.constant 224 : index
    %swap3A_147 = tpu.vector_load %arg4[%swap3A_146] {strides = array<i32>} : memref<2048xi32, #tpu.memory_space<vmem>>, vector<16xi32>,
    %swap3A_148 = vector.shape_cast %swap3A_147 : vector<16xi32> to vector<16xi32>
    %swap3A_149 = vector.shape_cast %sub3A_145 : vector<16xi32> to vector<16xi32>
    tpu.vector_store %arg4[%swap3A_146], %swap3A_149 {strides = array<i32>} : memref<2048xi32, #tpu.memory_space<vmem>>, vector<16xi32>,
    %add3A_150 = arith.constant 2048 : i32
    %add3A_151 = arith.addi %add3A, %add3A_150 : i32
    %sub3A_152 = arith.constant 240 : i32
    %sub3A_153 = arith.subi %add3A_151, %sub3A_152 : i32
    %broadcast_in_dim3A_154 = vector.broadcast %sub3A_153 : i32 to vector<16xi32>
    %sub3A_155 = arith.subi %broadcast_in_dim3A_154, %iota3A : vector<16xi32>
    %swap3A_156 = arith.constant 240 : index
    %swap3A_157 = tpu.vector_load %arg4[%swap3A_156] {strides = array<i32>} : memref<2048xi32, #tpu.memory_space<vmem>>, vector<16xi32>,
    %swap3A_158 = vector.shape_cast %swap3A_157 : vector<16xi32> to vector<16xi32>
    %swap3A_159 = vector.shape_cast %sub3A_155 : vector<16xi32> to vector<16xi32>
    tpu.vector_store %arg4[%swap3A_156], %swap3A_159 {strides = array<i32>} : memref<2048xi32, #tpu.memory_space<vmem>>, vector<16xi32>,
    %add3A_160 = arith.constant 2048 : i32
    %add3A_161 = arith.addi %add3A, %add3A_160 : i32
    %sub3A_162 = arith.constant 256 : i32
    %sub3A_163 = arith.subi %add3A_161, %sub3A_162 : i32
    %broadcast_in_dim3A_164 = vector.broadcast %sub3A_163 : i32 to vector<16xi32>
    %sub3A_165 = arith.subi %broadcast_in_dim3A_164, %iota3A : vector<16xi32>
    %swap3A_166 = arith.constant 256 : index
    %swap3A_167 = tpu.vector_load %arg4[%swap3A_166] {strides = array<i32>} : memref<2048xi32, #tpu.memory_space<vmem>>, vector<16xi32>,
    %swap3A_168 = vector.shape_cast %swap3A_167 : vector<16xi32> to vector<16xi32>
    %swap3A_169 = vector.shape_cast %sub3A_165 : vector<16xi32> to vector<16xi32>
    tpu.vector_store %arg4[%swap3A_166], %swap3A_169 {strides = array<i32>} : memref<2048xi32, #tpu.memory_space<vmem>>, vector<16xi32>,
    %add3A_170 = arith.constant 2048 : i32
    %add3A_171 = arith.addi %add3A, %add3A_170 : i32
    %sub3A_172 = arith.constant 272 : i32
    %sub3A_173 = arith.subi %add3A_171, %sub3A_172 : i32
    %broadcast_in_dim3A_174 = vector.broadcast %sub3A_173 : i32 to vector<16xi32>
    %sub3A_175 = arith.subi %broadcast_in_dim3A_174, %iota3A : vector<16xi32>
    %swap3A_176 = arith.constant 272 : index
    %swap3A_177 = tpu.vector_load %arg4[%swap3A_176] {strides = array<i32>} : memref<2048xi32, #tpu.memory_space<vmem>>, vector<16xi32>,
    %swap3A_178 = vector.shape_cast %swap3A_177 : vector<16xi32> to vector<16xi32>
    %swap3A_179 = vector.shape_cast %sub3A_175 : vector<16xi32> to vector<16xi32>
    tpu.vector_store %arg4[%swap3A_176], %swap3A_179 {strides = array<i32>} : memref<2048xi32, #tpu.memory_space<vmem>>, vector<16xi32>,
    %add3A_180 = arith.constant 2048 : i32
    %add3A_181 = arith.addi %add3A, %add3A_180 : i32
    %sub3A_182 = arith.constant 288 : i32
    %sub3A_183 = arith.subi %add3A_181, %sub3A_182 : i32
    %broadcast_in_dim3A_184 = vector.broadcast %sub3A_183 : i32 to vector<16xi32>
    %sub3A_185 = arith.subi %broadcast_in_dim3A_184, %iota3A : vector<16xi32>
    %swap3A_186 = arith.constant 288 : index
    %swap3A_187 = tpu.vector_load %arg4[%swap3A_186] {strides = array<i32>} : memref<2048xi32, #tpu.memory_space<vmem>>, vector<16xi32>,
    %swap3A_188 = vector.shape_cast %swap3A_187 : vector<16xi32> to vector<16xi32>
    %swap3A_189 = vector.shape_cast %sub3A_185 : vector<16xi32> to vector<16xi32>
    tpu.vector_store %arg4[%swap3A_186], %swap3A_189 {strides = array<i32>} : memref<2048xi32, #tpu.memory_space<vmem>>, vector<16xi32>,
    %add3A_190 = arith.constant 2048 : i32
    %add3A_191 = arith.addi %add3A, %add3A_190 : i32
    %sub3A_192 = arith.constant 304 : i32
    %sub3A_193 = arith.subi %add3A_191, %sub3A_192 : i32
    %broadcast_in_dim3A_194 = vector.broadcast %sub3A_193 : i32 to vector<16xi32>
    %sub3A_195 = arith.subi %broadcast_in_dim3A_194, %iota3A : vector<16xi32>
    %swap3A_196 = arith.constant 304 : index
    %swap3A_197 = tpu.vector_load %arg4[%swap3A_196] {strides = array<i32>} : memref<2048xi32, #tpu.memory_space<vmem>>, vector<16xi32>,
    %swap3A_198 = vector.shape_cast %swap3A_197 : vector<16xi32> to vector<16xi32>
    %swap3A_199 = vector.shape_cast %sub3A_195 : vector<16xi32> to vector<16xi32>
    tpu.vector_store %arg4[%swap3A_196], %swap3A_199 {strides = array<i32>} : memref<2048xi32, #tpu.memory_space<vmem>>, vector<16xi32>,
    %add3A_200 = arith.constant 2048 : i32
    %add3A_201 = arith.addi %add3A, %add3A_200 : i32
    %sub3A_202 = arith.constant 320 : i32
    %sub3A_203 = arith.subi %add3A_201, %sub3A_202 : i32
    %broadcast_in_dim3A_204 = vector.broadcast %sub3A_203 : i32 to vector<16xi32>
    %sub3A_205 = arith.subi %broadcast_in_dim3A_204, %iota3A : vector<16xi32>
    %swap3A_206 = arith.constant 320 : index
    %swap3A_207 = tpu.vector_load %arg4[%swap3A_206] {strides = array<i32>} : memref<2048xi32, #tpu.memory_space<vmem>>, vector<16xi32>,
    %swap3A_208 = vector.shape_cast %swap3A_207 : vector<16xi32> to vector<16xi32>
    %swap3A_209 = vector.shape_cast %sub3A_205 : vector<16xi32> to vector<16xi32>
    tpu.vector_store %arg4[%swap3A_206], %swap3A_209 {strides = array<i32>} : memref<2048xi32, #tpu.memory_space<vmem>>, vector<16xi32>,
    %add3A_210 = arith.constant 2048 : i32
    %add3A_211 = arith.addi %add3A, %add3A_210 : i32
    %sub3A_212 = arith.constant 336 : i32
    %sub3A_213 = arith.subi %add3A_211, %sub3A_212 : i32
    %broadcast_in_dim3A_214 = vector.broadcast %sub3A_213 : i32 to vector<16xi32>
    %sub3A_215 = arith.subi %broadcast_in_dim3A_214, %iota3A : vector<16xi32>
    %swap3A_216 = arith.constant 336 : index
    %swap3A_217 = tpu.vector_load %arg4[%swap3A_216] {strides = array<i32>} : memref<2048xi32, #tpu.memory_space<vmem>>, vector<16xi32>,
    %swap3A_218 = vector.shape_cast %swap3A_217 : vector<16xi32> to vector<16xi32>
    %swap3A_219 = vector.shape_cast %sub3A_215 : vector<16xi32> to vector<16xi32>
    tpu.vector_store %arg4[%swap3A_216], %swap3A_219 {strides = array<i32>} : memref<2048xi32, #tpu.memory_space<vmem>>, vector<16xi32>,
    %add3A_220 = arith.constant 2048 : i32
    %add3A_221 = arith.addi %add3A, %add3A_220 : i32
    %sub3A_222 = arith.constant 352 : i32
    %sub3A_223 = arith.subi %add3A_221, %sub3A_222 : i32
    %broadcast_in_dim3A_224 = vector.broadcast %sub3A_223 : i32 to vector<16xi32>
    %sub3A_225 = arith.subi %broadcast_in_dim3A_224, %iota3A : vector<16xi32>
    %swap3A_226 = arith.constant 352 : index
    %swap3A_227 = tpu.vector_load %arg4[%swap3A_226] {strides = array<i32>} : memref<2048xi32, #tpu.memory_space<vmem>>, vector<16xi32>,
    %swap3A_228 = vector.shape_cast %swap3A_227 : vector<16xi32> to vector<16xi32>
    %swap3A_229 = vector.shape_cast %sub3A_225 : vector<16xi32> to vector<16xi32>
    tpu.vector_store %arg4[%swap3A_226], %swap3A_229 {strides = array<i32>} : memref<2048xi32, #tpu.memory_space<vmem>>, vector<16xi32>,
    %add3A_230 = arith.constant 2048 : i32
    %add3A_231 = arith.addi %add3A, %add3A_230 : i32
    %sub3A_232 = arith.constant 368 : i32
    %sub3A_233 = arith.subi %add3A_231, %sub3A_232 : i32
    %broadcast_in_dim3A_234 = vector.broadcast %sub3A_233 : i32 to vector<16xi32>
    %sub3A_235 = arith.subi %broadcast_in_dim3A_234, %iota3A : vector<16xi32>
    %swap3A_236 = arith.constant 368 : index
    %swap3A_237 = tpu.vector_load %arg4[%swap3A_236] {strides = array<i32>} : memref<2048xi32, #tpu.memory_space<vmem>>, vector<16xi32>,
    %swap3A_238 = vector.shape_cast %swap3A_237 : vector<16xi32> to vector<16xi32>
    %swap3A_239 = vector.shape_cast %sub3A_235 : vector<16xi32> to vector<16xi32>
    tpu.vector_store %arg4[%swap3A_236], %swap3A_239 {strides = array<i32>} : memref<2048xi32, #tpu.memory_space<vmem>>, vector<16xi32>,
    %add3A_240 = arith.constant 2048 : i32
    %add3A_241 = arith.addi %add3A, %add3A_240 : i32
    %sub3A_242 = arith.constant 384 : i32
    %sub3A_243 = arith.subi %add3A_241, %sub3A_242 : i32
    %broadcast_in_dim3A_244 = vector.broadcast %sub3A_243 : i32 to vector<16xi32>
    %sub3A_245 = arith.subi %broadcast_in_dim3A_244, %iota3A : vector<16xi32>
    %swap3A_246 = arith.constant 384 : index
    %swap3A_247 = tpu.vector_load %arg4[%swap3A_246] {strides = array<i32>} : memref<2048xi32, #tpu.memory_space<vmem>>, vector<16xi32>,
    %swap3A_248 = vector.shape_cast %swap3A_247 : vector<16xi32> to vector<16xi32>
    %swap3A_249 = vector.shape_cast %sub3A_245 : vector<16xi32> to vector<16xi32>
    tpu.vector_store %arg4[%swap3A_246], %swap3A_249 {strides = array<i32>} : memref<2048xi32, #tpu.memory_space<vmem>>, vector<16xi32>,
    %add3A_250 = arith.constant 2048 : i32
    %add3A_251 = arith.addi %add3A, %add3A_250 : i32
    %sub3A_252 = arith.constant 400 : i32
    %sub3A_253 = arith.subi %add3A_251, %sub3A_252 : i32
    %broadcast_in_dim3A_254 = vector.broadcast %sub3A_253 : i32 to vector<16xi32>
    %sub3A_255 = arith.subi %broadcast_in_dim3A_254, %iota3A : vector<16xi32>
    %swap3A_256 = arith.constant 400 : index
    %swap3A_257 = tpu.vector_load %arg4[%swap3A_256] {strides = array<i32>} : memref<2048xi32, #tpu.memory_space<vmem>>, vector<16xi32>,
    %swap3A_258 = vector.shape_cast %swap3A_257 : vector<16xi32> to vector<16xi32>
    %swap3A_259 = vector.shape_cast %sub3A_255 : vector<16xi32> to vector<16xi32>
    tpu.vector_store %arg4[%swap3A_256], %swap3A_259 {strides = array<i32>} : memref<2048xi32, #tpu.memory_space<vmem>>, vector<16xi32>,
    %add3A_260 = arith.constant 2048 : i32
    %add3A_261 = arith.addi %add3A, %add3A_260 : i32
    %sub3A_262 = arith.constant 416 : i32
    %sub3A_263 = arith.subi %add3A_261, %sub3A_262 : i32
    %broadcast_in_dim3A_264 = vector.broadcast %sub3A_263 : i32 to vector<16xi32>
    %sub3A_265 = arith.subi %broadcast_in_dim3A_264, %iota3A : vector<16xi32>
    %swap3A_266 = arith.constant 416 : index
    %swap3A_267 = tpu.vector_load %arg4[%swap3A_266] {strides = array<i32>} : memref<2048xi32, #tpu.memory_space<vmem>>, vector<16xi32>,
    %swap3A_268 = vector.shape_cast %swap3A_267 : vector<16xi32> to vector<16xi32>
    %swap3A_269 = vector.shape_cast %sub3A_265 : vector<16xi32> to vector<16xi32>
    tpu.vector_store %arg4[%swap3A_266], %swap3A_269 {strides = array<i32>} : memref<2048xi32, #tpu.memory_space<vmem>>, vector<16xi32>,
    %add3A_270 = arith.constant 2048 : i32
    %add3A_271 = arith.addi %add3A, %add3A_270 : i32
    %sub3A_272 = arith.constant 432 : i32
    %sub3A_273 = arith.subi %add3A_271, %sub3A_272 : i32
    %broadcast_in_dim3A_274 = vector.broadcast %sub3A_273 : i32 to vector<16xi32>
    %sub3A_275 = arith.subi %broadcast_in_dim3A_274, %iota3A : vector<16xi32>
    %swap3A_276 = arith.constant 432 : index
    %swap3A_277 = tpu.vector_load %arg4[%swap3A_276] {strides = array<i32>} : memref<2048xi32, #tpu.memory_space<vmem>>, vector<16xi32>,
    %swap3A_278 = vector.shape_cast %swap3A_277 : vector<16xi32> to vector<16xi32>
    %swap3A_279 = vector.shape_cast %sub3A_275 : vector<16xi32> to vector<16xi32>
    tpu.vector_store %arg4[%swap3A_276], %swap3A_279 {strides = array<i32>} : memref<2048xi32, #tpu.memory_space<vmem>>, vector<16xi32>,
    %add3A_280 = arith.constant 2048 : i32
    %add3A_281 = arith.addi %add3A, %add3A_280 : i32
    %sub3A_282 = arith.constant 448 : i32
    %sub3A_283 = arith.subi %add3A_281, %sub3A_282 : i32
    %broadcast_in_dim3A_284 = vector.broadcast %sub3A_283 : i32 to vector<16xi32>
    %sub3A_285 = arith.subi %broadcast_in_dim3A_284, %iota3A : vector<16xi32>
    %swap3A_286 = arith.constant 448 : index
    %swap3A_287 = tpu.vector_load %arg4[%swap3A_286] {strides = array<i32>} : memref<2048xi32, #tpu.memory_space<vmem>>, vector<16xi32>,
    %swap3A_288 = vector.shape_cast %swap3A_287 : vector<16xi32> to vector<16xi32>
    %swap3A_289 = vector.shape_cast %sub3A_285 : vector<16xi32> to vector<16xi32>
    tpu.vector_store %arg4[%swap3A_286], %swap3A_289 {strides = array<i32>} : memref<2048xi32, #tpu.memory_space<vmem>>, vector<16xi32>,
    %add3A_290 = arith.constant 2048 : i32
    %add3A_291 = arith.addi %add3A, %add3A_290 : i32
    %sub3A_292 = arith.constant 464 : i32
    %sub3A_293 = arith.subi %add3A_291, %sub3A_292 : i32
    %broadcast_in_dim3A_294 = vector.broadcast %sub3A_293 : i32 to vector<16xi32>
    %sub3A_295 = arith.subi %broadcast_in_dim3A_294, %iota3A : vector<16xi32>
    %swap3A_296 = arith.constant 464 : index
    %swap3A_297 = tpu.vector_load %arg4[%swap3A_296] {strides = array<i32>} : memref<2048xi32, #tpu.memory_space<vmem>>, vector<16xi32>,
    %swap3A_298 = vector.shape_cast %swap3A_297 : vector<16xi32> to vector<16xi32>
    %swap3A_299 = vector.shape_cast %sub3A_295 : vector<16xi32> to vector<16xi32>
    tpu.vector_store %arg4[%swap3A_296], %swap3A_299 {strides = array<i32>} : memref<2048xi32, #tpu.memory_space<vmem>>, vector<16xi32>,
    %add3A_300 = arith.constant 2048 : i32
    %add3A_301 = arith.addi %add3A, %add3A_300 : i32
    %sub3A_302 = arith.constant 480 : i32
    %sub3A_303 = arith.subi %add3A_301, %sub3A_302 : i32
    %broadcast_in_dim3A_304 = vector.broadcast %sub3A_303 : i32 to vector<16xi32>
    %sub3A_305 = arith.subi %broadcast_in_dim3A_304, %iota3A : vector<16xi32>
    %swap3A_306 = arith.constant 480 : index
    %swap3A_307 = tpu.vector_load %arg4[%swap3A_306] {strides = array<i32>} : memref<2048xi32, #tpu.memory_space<vmem>>, vector<16xi32>,
    %swap3A_308 = vector.shape_cast %swap3A_307 : vector<16xi32> to vector<16xi32>
    %swap3A_309 = vector.shape_cast %sub3A_305 : vector<16xi32> to vector<16xi32>
    tpu.vector_store %arg4[%swap3A_306], %swap3A_309 {strides = array<i32>} : memref<2048xi32, #tpu.memory_space<vmem>>, vector<16xi32>,
    %add3A_310 = arith.constant 2048 : i32
    %add3A_311 = arith.addi %add3A, %add3A_310 : i32
    %sub3A_312 = arith.constant 496 : i32
    %sub3A_313 = arith.subi %add3A_311, %sub3A_312 : i32
    %broadcast_in_dim3A_314 = vector.broadcast %sub3A_313 : i32 to vector<16xi32>
    %sub3A_315 = arith.subi %broadcast_in_dim3A_314, %iota3A : vector<16xi32>
    %swap3A_316 = arith.constant 496 : index
    %swap3A_317 = tpu.vector_load %arg4[%swap3A_316] {strides = array<i32>} : memref<2048xi32, #tpu.memory_space<vmem>>, vector<16xi32>,
    %swap3A_318 = vector.shape_cast %swap3A_317 : vector<16xi32> to vector<16xi32>
    %swap3A_319 = vector.shape_cast %sub3A_315 : vector<16xi32> to vector<16xi32>
    tpu.vector_store %arg4[%swap3A_316], %swap3A_319 {strides = array<i32>} : memref<2048xi32, #tpu.memory_space<vmem>>, vector<16xi32>,
    %add3A_320 = arith.constant 2048 : i32
    %add3A_321 = arith.addi %add3A, %add3A_320 : i32
    %sub3A_322 = arith.constant 512 : i32
    %sub3A_323 = arith.subi %add3A_321, %sub3A_322 : i32
    %broadcast_in_dim3A_324 = vector.broadcast %sub3A_323 : i32 to vector<16xi32>
    %sub3A_325 = arith.subi %broadcast_in_dim3A_324, %iota3A : vector<16xi32>
    %swap3A_326 = arith.constant 512 : index
    %swap3A_327 = tpu.vector_load %arg4[%swap3A_326] {strides = array<i32>} : memref<2048xi32, #tpu.memory_space<vmem>>, vector<16xi32>,
    %swap3A_328 = vector.shape_cast %swap3A_327 : vector<16xi32> to vector<16xi32>
    %swap3A_329 = vector.shape_cast %sub3A_325 : vector<16xi32> to vector<16xi32>
    tpu.vector_store %arg4[%swap3A_326], %swap3A_329 {strides = array<i32>} : memref<2048xi32, #tpu.memory_space<vmem>>, vector<16xi32>,
    %add3A_330 = arith.constant 2048 : i32
    %add3A_331 = arith.addi %add3A, %add3A_330 : i32
    %sub3A_332 = arith.constant 528 : i32
    %sub3A_333 = arith.subi %add3A_331, %sub3A_332 : i32
    %broadcast_in_dim3A_334 = vector.broadcast %sub3A_333 : i32 to vector<16xi32>
    %sub3A_335 = arith.subi %broadcast_in_dim3A_334, %iota3A : vector<16xi32>
    %swap3A_336 = arith.constant 528 : index
    %swap3A_337 = tpu.vector_load %arg4[%swap3A_336] {strides = array<i32>} : memref<2048xi32, #tpu.memory_space<vmem>>, vector<16xi32>,
    %swap3A_338 = vector.shape_cast %swap3A_337 : vector<16xi32> to vector<16xi32>
    %swap3A_339 = vector.shape_cast %sub3A_335 : vector<16xi32> to vector<16xi32>
    tpu.vector_store %arg4[%swap3A_336], %swap3A_339 {strides = array<i32>} : memref<2048xi32, #tpu.memory_space<vmem>>, vector<16xi32>,
    %add3A_340 = arith.constant 2048 : i32
    %add3A_341 = arith.addi %add3A, %add3A_340 : i32
    %sub3A_342 = arith.constant 544 : i32
    %sub3A_343 = arith.subi %add3A_341, %sub3A_342 : i32
    %broadcast_in_dim3A_344 = vector.broadcast %sub3A_343 : i32 to vector<16xi32>
    %sub3A_345 = arith.subi %broadcast_in_dim3A_344, %iota3A : vector<16xi32>
    %swap3A_346 = arith.constant 544 : index
    %swap3A_347 = tpu.vector_load %arg4[%swap3A_346] {strides = array<i32>} : memref<2048xi32, #tpu.memory_space<vmem>>, vector<16xi32>,
    %swap3A_348 = vector.shape_cast %swap3A_347 : vector<16xi32> to vector<16xi32>
    %swap3A_349 = vector.shape_cast %sub3A_345 : vector<16xi32> to vector<16xi32>
    tpu.vector_store %arg4[%swap3A_346], %swap3A_349 {strides = array<i32>} : memref<2048xi32, #tpu.memory_space<vmem>>, vector<16xi32>,
    %add3A_350 = arith.constant 2048 : i32
    %add3A_351 = arith.addi %add3A, %add3A_350 : i32
    %sub3A_352 = arith.constant 560 : i32
    %sub3A_353 = arith.subi %add3A_351, %sub3A_352 : i32
    %broadcast_in_dim3A_354 = vector.broadcast %sub3A_353 : i32 to vector<16xi32>
    %sub3A_355 = arith.subi %broadcast_in_dim3A_354, %iota3A : vector<16xi32>
    %swap3A_356 = arith.constant 560 : index
    %swap3A_357 = tpu.vector_load %arg4[%swap3A_356] {strides = array<i32>} : memref<2048xi32, #tpu.memory_space<vmem>>, vector<16xi32>,
    %swap3A_358 = vector.shape_cast %swap3A_357 : vector<16xi32> to vector<16xi32>
    %swap3A_359 = vector.shape_cast %sub3A_355 : vector<16xi32> to vector<16xi32>
    tpu.vector_store %arg4[%swap3A_356], %swap3A_359 {strides = array<i32>} : memref<2048xi32, #tpu.memory_space<vmem>>, vector<16xi32>,
    %add3A_360 = arith.constant 2048 : i32
    %add3A_361 = arith.addi %add3A, %add3A_360 : i32
    %sub3A_362 = arith.constant 576 : i32
    %sub3A_363 = arith.subi %add3A_361, %sub3A_362 : i32
    %broadcast_in_dim3A_364 = vector.broadcast %sub3A_363 : i32 to vector<16xi32>
    %sub3A_365 = arith.subi %broadcast_in_dim3A_364, %iota3A : vector<16xi32>
    %swap3A_366 = arith.constant 576 : index
    %swap3A_367 = tpu.vector_load %arg4[%swap3A_366] {strides = array<i32>} : memref<2048xi32, #tpu.memory_space<vmem>>, vector<16xi32>,
    %swap3A_368 = vector.shape_cast %swap3A_367 : vector<16xi32> to vector<16xi32>
    %swap3A_369 = vector.shape_cast %sub3A_365 : vector<16xi32> to vector<16xi32>
    tpu.vector_store %arg4[%swap3A_366], %swap3A_369 {strides = array<i32>} : memref<2048xi32, #tpu.memory_space<vmem>>, vector<16xi32>,
    %add3A_370 = arith.constant 2048 : i32
    %add3A_371 = arith.addi %add3A, %add3A_370 : i32
    %sub3A_372 = arith.constant 592 : i32
    %sub3A_373 = arith.subi %add3A_371, %sub3A_372 : i32
    %broadcast_in_dim3A_374 = vector.broadcast %sub3A_373 : i32 to vector<16xi32>
    %sub3A_375 = arith.subi %broadcast_in_dim3A_374, %iota3A : vector<16xi32>
    %swap3A_376 = arith.constant 592 : index
    %swap3A_377 = tpu.vector_load %arg4[%swap3A_376] {strides = array<i32>} : memref<2048xi32, #tpu.memory_space<vmem>>, vector<16xi32>,
    %swap3A_378 = vector.shape_cast %swap3A_377 : vector<16xi32> to vector<16xi32>
    %swap3A_379 = vector.shape_cast %sub3A_375 : vector<16xi32> to vector<16xi32>
    tpu.vector_store %arg4[%swap3A_376], %swap3A_379 {strides = array<i32>} : memref<2048xi32, #tpu.memory_space<vmem>>, vector<16xi32>,
    %add3A_380 = arith.constant 2048 : i32
    %add3A_381 = arith.addi %add3A, %add3A_380 : i32
    %sub3A_382 = arith.constant 608 : i32
    %sub3A_383 = arith.subi %add3A_381, %sub3A_382 : i32
    %broadcast_in_dim3A_384 = vector.broadcast %sub3A_383 : i32 to vector<16xi32>
    %sub3A_385 = arith.subi %broadcast_in_dim3A_384, %iota3A : vector<16xi32>
    %swap3A_386 = arith.constant 608 : index
    %swap3A_387 = tpu.vector_load %arg4[%swap3A_386] {strides = array<i32>} : memref<2048xi32, #tpu.memory_space<vmem>>, vector<16xi32>,
    %swap3A_388 = vector.shape_cast %swap3A_387 : vector<16xi32> to vector<16xi32>
    %swap3A_389 = vector.shape_cast %sub3A_385 : vector<16xi32> to vector<16xi32>
    tpu.vector_store %arg4[%swap3A_386], %swap3A_389 {strides = array<i32>} : memref<2048xi32, #tpu.memory_space<vmem>>, vector<16xi32>,
    %add3A_390 = arith.constant 2048 : i32
    %add3A_391 = arith.addi %add3A, %add3A_390 : i32
    %sub3A_392 = arith.constant 624 : i32
    %sub3A_393 = arith.subi %add3A_391, %sub3A_392 : i32
    %broadcast_in_dim3A_394 = vector.broadcast %sub3A_393 : i32 to vector<16xi32>
    %sub3A_395 = arith.subi %broadcast_in_dim3A_394, %iota3A : vector<16xi32>
    %swap3A_396 = arith.constant 624 : index
    %swap3A_397 = tpu.vector_load %arg4[%swap3A_396] {strides = array<i32>} : memref<2048xi32, #tpu.memory_space<vmem>>, vector<16xi32>,
    %swap3A_398 = vector.shape_cast %swap3A_397 : vector<16xi32> to vector<16xi32>
    %swap3A_399 = vector.shape_cast %sub3A_395 : vector<16xi32> to vector<16xi32>
    tpu.vector_store %arg4[%swap3A_396], %swap3A_399 {strides = array<i32>} : memref<2048xi32, #tpu.memory_space<vmem>>, vector<16xi32>,
    %add3A_400 = arith.constant 2048 : i32
    %add3A_401 = arith.addi %add3A, %add3A_400 : i32
    %sub3A_402 = arith.constant 640 : i32
    %sub3A_403 = arith.subi %add3A_401, %sub3A_402 : i32
    %broadcast_in_dim3A_404 = vector.broadcast %sub3A_403 : i32 to vector<16xi32>
    %sub3A_405 = arith.subi %broadcast_in_dim3A_404, %iota3A : vector<16xi32>
    %swap3A_406 = arith.constant 640 : index
    %swap3A_407 = tpu.vector_load %arg4[%swap3A_406] {strides = array<i32>} : memref<2048xi32, #tpu.memory_space<vmem>>, vector<16xi32>,
    %swap3A_408 = vector.shape_cast %swap3A_407 : vector<16xi32> to vector<16xi32>
    %swap3A_409 = vector.shape_cast %sub3A_405 : vector<16xi32> to vector<16xi32>
    tpu.vector_store %arg4[%swap3A_406], %swap3A_409 {strides = array<i32>} : memref<2048xi32, #tpu.memory_space<vmem>>, vector<16xi32>,
    %add3A_410 = arith.constant 2048 : i32
    %add3A_411 = arith.addi %add3A, %add3A_410 : i32
    %sub3A_412 = arith.constant 656 : i32
    %sub3A_413 = arith.subi %add3A_411, %sub3A_412 : i32
    %broadcast_in_dim3A_414 = vector.broadcast %sub3A_413 : i32 to vector<16xi32>
    %sub3A_415 = arith.subi %broadcast_in_dim3A_414, %iota3A : vector<16xi32>
    %swap3A_416 = arith.constant 656 : index
    %swap3A_417 = tpu.vector_load %arg4[%swap3A_416] {strides = array<i32>} : memref<2048xi32, #tpu.memory_space<vmem>>, vector<16xi32>,
    %swap3A_418 = vector.shape_cast %swap3A_417 : vector<16xi32> to vector<16xi32>
    %swap3A_419 = vector.shape_cast %sub3A_415 : vector<16xi32> to vector<16xi32>
    tpu.vector_store %arg4[%swap3A_416], %swap3A_419 {strides = array<i32>} : memref<2048xi32, #tpu.memory_space<vmem>>, vector<16xi32>,
    %add3A_420 = arith.constant 2048 : i32
    %add3A_421 = arith.addi %add3A, %add3A_420 : i32
    %sub3A_422 = arith.constant 672 : i32
    %sub3A_423 = arith.subi %add3A_421, %sub3A_422 : i32
    %broadcast_in_dim3A_424 = vector.broadcast %sub3A_423 : i32 to vector<16xi32>
    %sub3A_425 = arith.subi %broadcast_in_dim3A_424, %iota3A : vector<16xi32>
    %swap3A_426 = arith.constant 672 : index
    %swap3A_427 = tpu.vector_load %arg4[%swap3A_426] {strides = array<i32>} : memref<2048xi32, #tpu.memory_space<vmem>>, vector<16xi32>,
    %swap3A_428 = vector.shape_cast %swap3A_427 : vector<16xi32> to vector<16xi32>
    %swap3A_429 = vector.shape_cast %sub3A_425 : vector<16xi32> to vector<16xi32>
    tpu.vector_store %arg4[%swap3A_426], %swap3A_429 {strides = array<i32>} : memref<2048xi32, #tpu.memory_space<vmem>>, vector<16xi32>,
    %add3A_430 = arith.constant 2048 : i32
    %add3A_431 = arith.addi %add3A, %add3A_430 : i32
    %sub3A_432 = arith.constant 688 : i32
    %sub3A_433 = arith.subi %add3A_431, %sub3A_432 : i32
    %broadcast_in_dim3A_434 = vector.broadcast %sub3A_433 : i32 to vector<16xi32>
    %sub3A_435 = arith.subi %broadcast_in_dim3A_434, %iota3A : vector<16xi32>
    %swap3A_436 = arith.constant 688 : index
    %swap3A_437 = tpu.vector_load %arg4[%swap3A_436] {strides = array<i32>} : memref<2048xi32, #tpu.memory_space<vmem>>, vector<16xi32>,
    %swap3A_438 = vector.shape_cast %swap3A_437 : vector<16xi32> to vector<16xi32>
    %swap3A_439 = vector.shape_cast %sub3A_435 : vector<16xi32> to vector<16xi32>
    tpu.vector_store %arg4[%swap3A_436], %swap3A_439 {strides = array<i32>} : memref<2048xi32, #tpu.memory_space<vmem>>, vector<16xi32>,
    %add3A_440 = arith.constant 2048 : i32
    %add3A_441 = arith.addi %add3A, %add3A_440 : i32
    %sub3A_442 = arith.constant 704 : i32
    %sub3A_443 = arith.subi %add3A_441, %sub3A_442 : i32
    %broadcast_in_dim3A_444 = vector.broadcast %sub3A_443 : i32 to vector<16xi32>
    %sub3A_445 = arith.subi %broadcast_in_dim3A_444, %iota3A : vector<16xi32>
    %swap3A_446 = arith.constant 704 : index
    %swap3A_447 = tpu.vector_load %arg4[%swap3A_446] {strides = array<i32>} : memref<2048xi32, #tpu.memory_space<vmem>>, vector<16xi32>,
    %swap3A_448 = vector.shape_cast %swap3A_447 : vector<16xi32> to vector<16xi32>
    %swap3A_449 = vector.shape_cast %sub3A_445 : vector<16xi32> to vector<16xi32>
    tpu.vector_store %arg4[%swap3A_446], %swap3A_449 {strides = array<i32>} : memref<2048xi32, #tpu.memory_space<vmem>>, vector<16xi32>,
    %add3A_450 = arith.constant 2048 : i32
    %add3A_451 = arith.addi %add3A, %add3A_450 : i32
    %sub3A_452 = arith.constant 720 : i32
    %sub3A_453 = arith.subi %add3A_451, %sub3A_452 : i32
    %broadcast_in_dim3A_454 = vector.broadcast %sub3A_453 : i32 to vector<16xi32>
    %sub3A_455 = arith.subi %broadcast_in_dim3A_454, %iota3A : vector<16xi32>
    %swap3A_456 = arith.constant 720 : index
    %swap3A_457 = tpu.vector_load %arg4[%swap3A_456] {strides = array<i32>} : memref<2048xi32, #tpu.memory_space<vmem>>, vector<16xi32>,
    %swap3A_458 = vector.shape_cast %swap3A_457 : vector<16xi32> to vector<16xi32>
    %swap3A_459 = vector.shape_cast %sub3A_455 : vector<16xi32> to vector<16xi32>
    tpu.vector_store %arg4[%swap3A_456], %swap3A_459 {strides = array<i32>} : memref<2048xi32, #tpu.memory_space<vmem>>, vector<16xi32>,
    %add3A_460 = arith.constant 2048 : i32
    %add3A_461 = arith.addi %add3A, %add3A_460 : i32
    %sub3A_462 = arith.constant 736 : i32
    %sub3A_463 = arith.subi %add3A_461, %sub3A_462 : i32
    %broadcast_in_dim3A_464 = vector.broadcast %sub3A_463 : i32 to vector<16xi32>
    %sub3A_465 = arith.subi %broadcast_in_dim3A_464, %iota3A : vector<16xi32>
    %swap3A_466 = arith.constant 736 : index
    %swap3A_467 = tpu.vector_load %arg4[%swap3A_466] {strides = array<i32>} : memref<2048xi32, #tpu.memory_space<vmem>>, vector<16xi32>,
    %swap3A_468 = vector.shape_cast %swap3A_467 : vector<16xi32> to vector<16xi32>
    %swap3A_469 = vector.shape_cast %sub3A_465 : vector<16xi32> to vector<16xi32>
    tpu.vector_store %arg4[%swap3A_466], %swap3A_469 {strides = array<i32>} : memref<2048xi32, #tpu.memory_space<vmem>>, vector<16xi32>,
    %add3A_470 = arith.constant 2048 : i32
    %add3A_471 = arith.addi %add3A, %add3A_470 : i32
    %sub3A_472 = arith.constant 752 : i32
    %sub3A_473 = arith.subi %add3A_471, %sub3A_472 : i32
    %broadcast_in_dim3A_474 = vector.broadcast %sub3A_473 : i32 to vector<16xi32>
    %sub3A_475 = arith.subi %broadcast_in_dim3A_474, %iota3A : vector<16xi32>
    %swap3A_476 = arith.constant 752 : index
    %swap3A_477 = tpu.vector_load %arg4[%swap3A_476] {strides = array<i32>} : memref<2048xi32, #tpu.memory_space<vmem>>, vector<16xi32>,
    %swap3A_478 = vector.shape_cast %swap3A_477 : vector<16xi32> to vector<16xi32>
    %swap3A_479 = vector.shape_cast %sub3A_475 : vector<16xi32> to vector<16xi32>
    tpu.vector_store %arg4[%swap3A_476], %swap3A_479 {strides = array<i32>} : memref<2048xi32, #tpu.memory_space<vmem>>, vector<16xi32>,
    %add3A_480 = arith.constant 2048 : i32
    %add3A_481 = arith.addi %add3A, %add3A_480 : i32
    %sub3A_482 = arith.constant 768 : i32
    %sub3A_483 = arith.subi %add3A_481, %sub3A_482 : i32
    %broadcast_in_dim3A_484 = vector.broadcast %sub3A_483 : i32 to vector<16xi32>
    %sub3A_485 = arith.subi %broadcast_in_dim3A_484, %iota3A : vector<16xi32>
    %swap3A_486 = arith.constant 768 : index
    %swap3A_487 = tpu.vector_load %arg4[%swap3A_486] {strides = array<i32>} : memref<2048xi32, #tpu.memory_space<vmem>>, vector<16xi32>,
    %swap3A_488 = vector.shape_cast %swap3A_487 : vector<16xi32> to vector<16xi32>
    %swap3A_489 = vector.shape_cast %sub3A_485 : vector<16xi32> to vector<16xi32>
    tpu.vector_store %arg4[%swap3A_486], %swap3A_489 {strides = array<i32>} : memref<2048xi32, #tpu.memory_space<vmem>>, vector<16xi32>,
    %add3A_490 = arith.constant 2048 : i32
    %add3A_491 = arith.addi %add3A, %add3A_490 : i32
    %sub3A_492 = arith.constant 784 : i32
    %sub3A_493 = arith.subi %add3A_491, %sub3A_492 : i32
    %broadcast_in_dim3A_494 = vector.broadcast %sub3A_493 : i32 to vector<16xi32>
    %sub3A_495 = arith.subi %broadcast_in_dim3A_494, %iota3A : vector<16xi32>
    %swap3A_496 = arith.constant 784 : index
    %swap3A_497 = tpu.vector_load %arg4[%swap3A_496] {strides = array<i32>} : memref<2048xi32, #tpu.memory_space<vmem>>, vector<16xi32>,
    %swap3A_498 = vector.shape_cast %swap3A_497 : vector<16xi32> to vector<16xi32>
    %swap3A_499 = vector.shape_cast %sub3A_495 : vector<16xi32> to vector<16xi32>
    tpu.vector_store %arg4[%swap3A_496], %swap3A_499 {strides = array<i32>} : memref<2048xi32, #tpu.memory_space<vmem>>, vector<16xi32>,
    %add3A_500 = arith.constant 2048 : i32
    %add3A_501 = arith.addi %add3A, %add3A_500 : i32
    %sub3A_502 = arith.constant 800 : i32
    %sub3A_503 = arith.subi %add3A_501, %sub3A_502 : i32
    %broadcast_in_dim3A_504 = vector.broadcast %sub3A_503 : i32 to vector<16xi32>
    %sub3A_505 = arith.subi %broadcast_in_dim3A_504, %iota3A : vector<16xi32>
    %swap3A_506 = arith.constant 800 : index
    %swap3A_507 = tpu.vector_load %arg4[%swap3A_506] {strides = array<i32>} : memref<2048xi32, #tpu.memory_space<vmem>>, vector<16xi32>,
    %swap3A_508 = vector.shape_cast %swap3A_507 : vector<16xi32> to vector<16xi32>
    %swap3A_509 = vector.shape_cast %sub3A_505 : vector<16xi32> to vector<16xi32>
    tpu.vector_store %arg4[%swap3A_506], %swap3A_509 {strides = array<i32>} : memref<2048xi32, #tpu.memory_space<vmem>>, vector<16xi32>,
    %add3A_510 = arith.constant 2048 : i32
    %add3A_511 = arith.addi %add3A, %add3A_510 : i32
    %sub3A_512 = arith.constant 816 : i32
    %sub3A_513 = arith.subi %add3A_511, %sub3A_512 : i32
    %broadcast_in_dim3A_514 = vector.broadcast %sub3A_513 : i32 to vector<16xi32>
    %sub3A_515 = arith.subi %broadcast_in_dim3A_514, %iota3A : vector<16xi32>
    %swap3A_516 = arith.constant 816 : index
    %swap3A_517 = tpu.vector_load %arg4[%swap3A_516] {strides = array<i32>} : memref<2048xi32, #tpu.memory_space<vmem>>, vector<16xi32>,
    %swap3A_518 = vector.shape_cast %swap3A_517 : vector<16xi32> to vector<16xi32>
    %swap3A_519 = vector.shape_cast %sub3A_515 : vector<16xi32> to vector<16xi32>
    tpu.vector_store %arg4[%swap3A_516], %swap3A_519 {strides = array<i32>} : memref<2048xi32, #tpu.memory_space<vmem>>, vector<16xi32>,
    %add3A_520 = arith.constant 2048 : i32
    %add3A_521 = arith.addi %add3A, %add3A_520 : i32
    %sub3A_522 = arith.constant 832 : i32
    %sub3A_523 = arith.subi %add3A_521, %sub3A_522 : i32
    %broadcast_in_dim3A_524 = vector.broadcast %sub3A_523 : i32 to vector<16xi32>
    %sub3A_525 = arith.subi %broadcast_in_dim3A_524, %iota3A : vector<16xi32>
    %swap3A_526 = arith.constant 832 : index
    %swap3A_527 = tpu.vector_load %arg4[%swap3A_526] {strides = array<i32>} : memref<2048xi32, #tpu.memory_space<vmem>>, vector<16xi32>,
    %swap3A_528 = vector.shape_cast %swap3A_527 : vector<16xi32> to vector<16xi32>
    %swap3A_529 = vector.shape_cast %sub3A_525 : vector<16xi32> to vector<16xi32>
    tpu.vector_store %arg4[%swap3A_526], %swap3A_529 {strides = array<i32>} : memref<2048xi32, #tpu.memory_space<vmem>>, vector<16xi32>,
    %add3A_530 = arith.constant 2048 : i32
    %add3A_531 = arith.addi %add3A, %add3A_530 : i32
    %sub3A_532 = arith.constant 848 : i32
    %sub3A_533 = arith.subi %add3A_531, %sub3A_532 : i32
    %broadcast_in_dim3A_534 = vector.broadcast %sub3A_533 : i32 to vector<16xi32>
    %sub3A_535 = arith.subi %broadcast_in_dim3A_534, %iota3A : vector<16xi32>
    %swap3A_536 = arith.constant 848 : index
    %swap3A_537 = tpu.vector_load %arg4[%swap3A_536] {strides = array<i32>} : memref<2048xi32, #tpu.memory_space<vmem>>, vector<16xi32>,
    %swap3A_538 = vector.shape_cast %swap3A_537 : vector<16xi32> to vector<16xi32>
    %swap3A_539 = vector.shape_cast %sub3A_535 : vector<16xi32> to vector<16xi32>
    tpu.vector_store %arg4[%swap3A_536], %swap3A_539 {strides = array<i32>} : memref<2048xi32, #tpu.memory_space<vmem>>, vector<16xi32>,
    %add3A_540 = arith.constant 2048 : i32
    %add3A_541 = arith.addi %add3A, %add3A_540 : i32
    %sub3A_542 = arith.constant 864 : i32
    %sub3A_543 = arith.subi %add3A_541, %sub3A_542 : i32
    %broadcast_in_dim3A_544 = vector.broadcast %sub3A_543 : i32 to vector<16xi32>
    %sub3A_545 = arith.subi %broadcast_in_dim3A_544, %iota3A : vector<16xi32>
    %swap3A_546 = arith.constant 864 : index
    %swap3A_547 = tpu.vector_load %arg4[%swap3A_546] {strides = array<i32>} : memref<2048xi32, #tpu.memory_space<vmem>>, vector<16xi32>,
    %swap3A_548 = vector.shape_cast %swap3A_547 : vector<16xi32> to vector<16xi32>
    %swap3A_549 = vector.shape_cast %sub3A_545 : vector<16xi32> to vector<16xi32>
    tpu.vector_store %arg4[%swap3A_546], %swap3A_549 {strides = array<i32>} : memref<2048xi32, #tpu.memory_space<vmem>>, vector<16xi32>,
    %add3A_550 = arith.constant 2048 : i32
    %add3A_551 = arith.addi %add3A, %add3A_550 : i32
    %sub3A_552 = arith.constant 880 : i32
    %sub3A_553 = arith.subi %add3A_551, %sub3A_552 : i32
    %broadcast_in_dim3A_554 = vector.broadcast %sub3A_553 : i32 to vector<16xi32>
    %sub3A_555 = arith.subi %broadcast_in_dim3A_554, %iota3A : vector<16xi32>
    %swap3A_556 = arith.constant 880 : index
    %swap3A_557 = tpu.vector_load %arg4[%swap3A_556] {strides = array<i32>} : memref<2048xi32, #tpu.memory_space<vmem>>, vector<16xi32>,
    %swap3A_558 = vector.shape_cast %swap3A_557 : vector<16xi32> to vector<16xi32>
    %swap3A_559 = vector.shape_cast %sub3A_555 : vector<16xi32> to vector<16xi32>
    tpu.vector_store %arg4[%swap3A_556], %swap3A_559 {strides = array<i32>} : memref<2048xi32, #tpu.memory_space<vmem>>, vector<16xi32>,
    %add3A_560 = arith.constant 2048 : i32
    %add3A_561 = arith.addi %add3A, %add3A_560 : i32
    %sub3A_562 = arith.constant 896 : i32
    %sub3A_563 = arith.subi %add3A_561, %sub3A_562 : i32
    %broadcast_in_dim3A_564 = vector.broadcast %sub3A_563 : i32 to vector<16xi32>
    %sub3A_565 = arith.subi %broadcast_in_dim3A_564, %iota3A : vector<16xi32>
    %swap3A_566 = arith.constant 896 : index
    %swap3A_567 = tpu.vector_load %arg4[%swap3A_566] {strides = array<i32>} : memref<2048xi32, #tpu.memory_space<vmem>>, vector<16xi32>,
    %swap3A_568 = vector.shape_cast %swap3A_567 : vector<16xi32> to vector<16xi32>
    %swap3A_569 = vector.shape_cast %sub3A_565 : vector<16xi32> to vector<16xi32>
    tpu.vector_store %arg4[%swap3A_566], %swap3A_569 {strides = array<i32>} : memref<2048xi32, #tpu.memory_space<vmem>>, vector<16xi32>,
    %add3A_570 = arith.constant 2048 : i32
    %add3A_571 = arith.addi %add3A, %add3A_570 : i32
    %sub3A_572 = arith.constant 912 : i32
    %sub3A_573 = arith.subi %add3A_571, %sub3A_572 : i32
    %broadcast_in_dim3A_574 = vector.broadcast %sub3A_573 : i32 to vector<16xi32>
    %sub3A_575 = arith.subi %broadcast_in_dim3A_574, %iota3A : vector<16xi32>
    %swap3A_576 = arith.constant 912 : index
    %swap3A_577 = tpu.vector_load %arg4[%swap3A_576] {strides = array<i32>} : memref<2048xi32, #tpu.memory_space<vmem>>, vector<16xi32>,
    %swap3A_578 = vector.shape_cast %swap3A_577 : vector<16xi32> to vector<16xi32>
    %swap3A_579 = vector.shape_cast %sub3A_575 : vector<16xi32> to vector<16xi32>
    tpu.vector_store %arg4[%swap3A_576], %swap3A_579 {strides = array<i32>} : memref<2048xi32, #tpu.memory_space<vmem>>, vector<16xi32>,
    %add3A_580 = arith.constant 2048 : i32
    %add3A_581 = arith.addi %add3A, %add3A_580 : i32
    %sub3A_582 = arith.constant 928 : i32
    %sub3A_583 = arith.subi %add3A_581, %sub3A_582 : i32
    %broadcast_in_dim3A_584 = vector.broadcast %sub3A_583 : i32 to vector<16xi32>
    %sub3A_585 = arith.subi %broadcast_in_dim3A_584, %iota3A : vector<16xi32>
    %swap3A_586 = arith.constant 928 : index
    %swap3A_587 = tpu.vector_load %arg4[%swap3A_586] {strides = array<i32>} : memref<2048xi32, #tpu.memory_space<vmem>>, vector<16xi32>,
    %swap3A_588 = vector.shape_cast %swap3A_587 : vector<16xi32> to vector<16xi32>
    %swap3A_589 = vector.shape_cast %sub3A_585 : vector<16xi32> to vector<16xi32>
    tpu.vector_store %arg4[%swap3A_586], %swap3A_589 {strides = array<i32>} : memref<2048xi32, #tpu.memory_space<vmem>>, vector<16xi32>,
    %add3A_590 = arith.constant 2048 : i32
    %add3A_591 = arith.addi %add3A, %add3A_590 : i32
    %sub3A_592 = arith.constant 944 : i32
    %sub3A_593 = arith.subi %add3A_591, %sub3A_592 : i32
    %broadcast_in_dim3A_594 = vector.broadcast %sub3A_593 : i32 to vector<16xi32>
    %sub3A_595 = arith.subi %broadcast_in_dim3A_594, %iota3A : vector<16xi32>
    %swap3A_596 = arith.constant 944 : index
    %swap3A_597 = tpu.vector_load %arg4[%swap3A_596] {strides = array<i32>} : memref<2048xi32, #tpu.memory_space<vmem>>, vector<16xi32>,
    %swap3A_598 = vector.shape_cast %swap3A_597 : vector<16xi32> to vector<16xi32>
    %swap3A_599 = vector.shape_cast %sub3A_595 : vector<16xi32> to vector<16xi32>
    tpu.vector_store %arg4[%swap3A_596], %swap3A_599 {strides = array<i32>} : memref<2048xi32, #tpu.memory_space<vmem>>, vector<16xi32>,
    %add3A_600 = arith.constant 2048 : i32
    %add3A_601 = arith.addi %add3A, %add3A_600 : i32
    %sub3A_602 = arith.constant 960 : i32
    %sub3A_603 = arith.subi %add3A_601, %sub3A_602 : i32
    %broadcast_in_dim3A_604 = vector.broadcast %sub3A_603 : i32 to vector<16xi32>
    %sub3A_605 = arith.subi %broadcast_in_dim3A_604, %iota3A : vector<16xi32>
    %swap3A_606 = arith.constant 960 : index
    %swap3A_607 = tpu.vector_load %arg4[%swap3A_606] {strides = array<i32>} : memref<2048xi32, #tpu.memory_space<vmem>>, vector<16xi32>,
    %swap3A_608 = vector.shape_cast %swap3A_607 : vector<16xi32> to vector<16xi32>
    %swap3A_609 = vector.shape_cast %sub3A_605 : vector<16xi32> to vector<16xi32>
    tpu.vector_store %arg4[%swap3A_606], %swap3A_609 {strides = array<i32>} : memref<2048xi32, #tpu.memory_space<vmem>>, vector<16xi32>,
    %add3A_610 = arith.constant 2048 : i32
    %add3A_611 = arith.addi %add3A, %add3A_610 : i32
    %sub3A_612 = arith.constant 976 : i32
    %sub3A_613 = arith.subi %add3A_611, %sub3A_612 : i32
    %broadcast_in_dim3A_614 = vector.broadcast %sub3A_613 : i32 to vector<16xi32>
    %sub3A_615 = arith.subi %broadcast_in_dim3A_614, %iota3A : vector<16xi32>
    %swap3A_616 = arith.constant 976 : index
    %swap3A_617 = tpu.vector_load %arg4[%swap3A_616] {strides = array<i32>} : memref<2048xi32, #tpu.memory_space<vmem>>, vector<16xi32>,
    %swap3A_618 = vector.shape_cast %swap3A_617 : vector<16xi32> to vector<16xi32>
    %swap3A_619 = vector.shape_cast %sub3A_615 : vector<16xi32> to vector<16xi32>
    tpu.vector_store %arg4[%swap3A_616], %swap3A_619 {strides = array<i32>} : memref<2048xi32, #tpu.memory_space<vmem>>, vector<16xi32>,
    %add3A_620 = arith.constant 2048 : i32
    %add3A_621 = arith.addi %add3A, %add3A_620 : i32
    %sub3A_622 = arith.constant 992 : i32
    %sub3A_623 = arith.subi %add3A_621, %sub3A_622 : i32
    %broadcast_in_dim3A_624 = vector.broadcast %sub3A_623 : i32 to vector<16xi32>
    %sub3A_625 = arith.subi %broadcast_in_dim3A_624, %iota3A : vector<16xi32>
    %swap3A_626 = arith.constant 992 : index
    %swap3A_627 = tpu.vector_load %arg4[%swap3A_626] {strides = array<i32>} : memref<2048xi32, #tpu.memory_space<vmem>>, vector<16xi32>,
    %swap3A_628 = vector.shape_cast %swap3A_627 : vector<16xi32> to vector<16xi32>
    %swap3A_629 = vector.shape_cast %sub3A_625 : vector<16xi32> to vector<16xi32>
    tpu.vector_store %arg4[%swap3A_626], %swap3A_629 {strides = array<i32>} : memref<2048xi32, #tpu.memory_space<vmem>>, vector<16xi32>,
    %add3A_630 = arith.constant 2048 : i32
    %add3A_631 = arith.addi %add3A, %add3A_630 : i32
    %sub3A_632 = arith.constant 1008 : i32
    %sub3A_633 = arith.subi %add3A_631, %sub3A_632 : i32
    %broadcast_in_dim3A_634 = vector.broadcast %sub3A_633 : i32 to vector<16xi32>
    %sub3A_635 = arith.subi %broadcast_in_dim3A_634, %iota3A : vector<16xi32>
    %swap3A_636 = arith.constant 1008 : index
    %swap3A_637 = tpu.vector_load %arg4[%swap3A_636] {strides = array<i32>} : memref<2048xi32, #tpu.memory_space<vmem>>, vector<16xi32>,
    %swap3A_638 = vector.shape_cast %swap3A_637 : vector<16xi32> to vector<16xi32>
    %swap3A_639 = vector.shape_cast %sub3A_635 : vector<16xi32> to vector<16xi32>
    tpu.vector_store %arg4[%swap3A_636], %swap3A_639 {strides = array<i32>} : memref<2048xi32, #tpu.memory_space<vmem>>, vector<16xi32>,
    %add3A_640 = arith.constant 2048 : i32
    %add3A_641 = arith.addi %add3A, %add3A_640 : i32
    %sub3A_642 = arith.constant 1024 : i32
    %sub3A_643 = arith.subi %add3A_641, %sub3A_642 : i32
    %broadcast_in_dim3A_644 = vector.broadcast %sub3A_643 : i32 to vector<16xi32>
    %sub3A_645 = arith.subi %broadcast_in_dim3A_644, %iota3A : vector<16xi32>
    %swap3A_646 = arith.constant 1024 : index
    %swap3A_647 = tpu.vector_load %arg4[%swap3A_646] {strides = array<i32>} : memref<2048xi32, #tpu.memory_space<vmem>>, vector<16xi32>,
    %swap3A_648 = vector.shape_cast %swap3A_647 : vector<16xi32> to vector<16xi32>
    %swap3A_649 = vector.shape_cast %sub3A_645 : vector<16xi32> to vector<16xi32>
    tpu.vector_store %arg4[%swap3A_646], %swap3A_649 {strides = array<i32>} : memref<2048xi32, #tpu.memory_space<vmem>>, vector<16xi32>,
    %add3A_650 = arith.constant 2048 : i32
    %add3A_651 = arith.addi %add3A, %add3A_650 : i32
    %sub3A_652 = arith.constant 1040 : i32
    %sub3A_653 = arith.subi %add3A_651, %sub3A_652 : i32
    %broadcast_in_dim3A_654 = vector.broadcast %sub3A_653 : i32 to vector<16xi32>
    %sub3A_655 = arith.subi %broadcast_in_dim3A_654, %iota3A : vector<16xi32>
    %swap3A_656 = arith.constant 1040 : index
    %swap3A_657 = tpu.vector_load %arg4[%swap3A_656] {strides = array<i32>} : memref<2048xi32, #tpu.memory_space<vmem>>, vector<16xi32>,
    %swap3A_658 = vector.shape_cast %swap3A_657 : vector<16xi32> to vector<16xi32>
    %swap3A_659 = vector.shape_cast %sub3A_655 : vector<16xi32> to vector<16xi32>
    tpu.vector_store %arg4[%swap3A_656], %swap3A_659 {strides = array<i32>} : memref<2048xi32, #tpu.memory_space<vmem>>, vector<16xi32>,
    %add3A_660 = arith.constant 2048 : i32
    %add3A_661 = arith.addi %add3A, %add3A_660 : i32
    %sub3A_662 = arith.constant 1056 : i32
    %sub3A_663 = arith.subi %add3A_661, %sub3A_662 : i32
    %broadcast_in_dim3A_664 = vector.broadcast %sub3A_663 : i32 to vector<16xi32>
    %sub3A_665 = arith.subi %broadcast_in_dim3A_664, %iota3A : vector<16xi32>
    %swap3A_666 = arith.constant 1056 : index
    %swap3A_667 = tpu.vector_load %arg4[%swap3A_666] {strides = array<i32>} : memref<2048xi32, #tpu.memory_space<vmem>>, vector<16xi32>,
    %swap3A_668 = vector.shape_cast %swap3A_667 : vector<16xi32> to vector<16xi32>
    %swap3A_669 = vector.shape_cast %sub3A_665 : vector<16xi32> to vector<16xi32>
    tpu.vector_store %arg4[%swap3A_666], %swap3A_669 {strides = array<i32>} : memref<2048xi32, #tpu.memory_space<vmem>>, vector<16xi32>,
    %add3A_670 = arith.constant 2048 : i32
    %add3A_671 = arith.addi %add3A, %add3A_670 : i32
    %sub3A_672 = arith.constant 1072 : i32
    %sub3A_673 = arith.subi %add3A_671, %sub3A_672 : i32
    %broadcast_in_dim3A_674 = vector.broadcast %sub3A_673 : i32 to vector<16xi32>
    %sub3A_675 = arith.subi %broadcast_in_dim3A_674, %iota3A : vector<16xi32>
    %swap3A_676 = arith.constant 1072 : index
    %swap3A_677 = tpu.vector_load %arg4[%swap3A_676] {strides = array<i32>} : memref<2048xi32, #tpu.memory_space<vmem>>, vector<16xi32>,
    %swap3A_678 = vector.shape_cast %swap3A_677 : vector<16xi32> to vector<16xi32>
    %swap3A_679 = vector.shape_cast %sub3A_675 : vector<16xi32> to vector<16xi32>
    tpu.vector_store %arg4[%swap3A_676], %swap3A_679 {strides = array<i32>} : memref<2048xi32, #tpu.memory_space<vmem>>, vector<16xi32>,
    %add3A_680 = arith.constant 2048 : i32
    %add3A_681 = arith.addi %add3A, %add3A_680 : i32
    %sub3A_682 = arith.constant 1088 : i32
    %sub3A_683 = arith.subi %add3A_681, %sub3A_682 : i32
    %broadcast_in_dim3A_684 = vector.broadcast %sub3A_683 : i32 to vector<16xi32>
    %sub3A_685 = arith.subi %broadcast_in_dim3A_684, %iota3A : vector<16xi32>
    %swap3A_686 = arith.constant 1088 : index
    %swap3A_687 = tpu.vector_load %arg4[%swap3A_686] {strides = array<i32>} : memref<2048xi32, #tpu.memory_space<vmem>>, vector<16xi32>,
    %swap3A_688 = vector.shape_cast %swap3A_687 : vector<16xi32> to vector<16xi32>
    %swap3A_689 = vector.shape_cast %sub3A_685 : vector<16xi32> to vector<16xi32>
    tpu.vector_store %arg4[%swap3A_686], %swap3A_689 {strides = array<i32>} : memref<2048xi32, #tpu.memory_space<vmem>>, vector<16xi32>,
    %add3A_690 = arith.constant 2048 : i32
    %add3A_691 = arith.addi %add3A, %add3A_690 : i32
    %sub3A_692 = arith.constant 1104 : i32
    %sub3A_693 = arith.subi %add3A_691, %sub3A_692 : i32
    %broadcast_in_dim3A_694 = vector.broadcast %sub3A_693 : i32 to vector<16xi32>
    %sub3A_695 = arith.subi %broadcast_in_dim3A_694, %iota3A : vector<16xi32>
    %swap3A_696 = arith.constant 1104 : index
    %swap3A_697 = tpu.vector_load %arg4[%swap3A_696] {strides = array<i32>} : memref<2048xi32, #tpu.memory_space<vmem>>, vector<16xi32>,
    %swap3A_698 = vector.shape_cast %swap3A_697 : vector<16xi32> to vector<16xi32>
    %swap3A_699 = vector.shape_cast %sub3A_695 : vector<16xi32> to vector<16xi32>
    tpu.vector_store %arg4[%swap3A_696], %swap3A_699 {strides = array<i32>} : memref<2048xi32, #tpu.memory_space<vmem>>, vector<16xi32>,
    %add3A_700 = arith.constant 2048 : i32
    %add3A_701 = arith.addi %add3A, %add3A_700 : i32
    %sub3A_702 = arith.constant 1120 : i32
    %sub3A_703 = arith.subi %add3A_701, %sub3A_702 : i32
    %broadcast_in_dim3A_704 = vector.broadcast %sub3A_703 : i32 to vector<16xi32>
    %sub3A_705 = arith.subi %broadcast_in_dim3A_704, %iota3A : vector<16xi32>
    %swap3A_706 = arith.constant 1120 : index
    %swap3A_707 = tpu.vector_load %arg4[%swap3A_706] {strides = array<i32>} : memref<2048xi32, #tpu.memory_space<vmem>>, vector<16xi32>,
    %swap3A_708 = vector.shape_cast %swap3A_707 : vector<16xi32> to vector<16xi32>
    %swap3A_709 = vector.shape_cast %sub3A_705 : vector<16xi32> to vector<16xi32>
    tpu.vector_store %arg4[%swap3A_706], %swap3A_709 {strides = array<i32>} : memref<2048xi32, #tpu.memory_space<vmem>>, vector<16xi32>,
    %add3A_710 = arith.constant 2048 : i32
    %add3A_711 = arith.addi %add3A, %add3A_710 : i32
    %sub3A_712 = arith.constant 1136 : i32
    %sub3A_713 = arith.subi %add3A_711, %sub3A_712 : i32
    %broadcast_in_dim3A_714 = vector.broadcast %sub3A_713 : i32 to vector<16xi32>
    %sub3A_715 = arith.subi %broadcast_in_dim3A_714, %iota3A : vector<16xi32>
    %swap3A_716 = arith.constant 1136 : index
    %swap3A_717 = tpu.vector_load %arg4[%swap3A_716] {strides = array<i32>} : memref<2048xi32, #tpu.memory_space<vmem>>, vector<16xi32>,
    %swap3A_718 = vector.shape_cast %swap3A_717 : vector<16xi32> to vector<16xi32>
    %swap3A_719 = vector.shape_cast %sub3A_715 : vector<16xi32> to vector<16xi32>
    tpu.vector_store %arg4[%swap3A_716], %swap3A_719 {strides = array<i32>} : memref<2048xi32, #tpu.memory_space<vmem>>, vector<16xi32>,
    %add3A_720 = arith.constant 2048 : i32
    %add3A_721 = arith.addi %add3A, %add3A_720 : i32
    %sub3A_722 = arith.constant 1152 : i32
    %sub3A_723 = arith.subi %add3A_721, %sub3A_722 : i32
    %broadcast_in_dim3A_724 = vector.broadcast %sub3A_723 : i32 to vector<16xi32>
    %sub3A_725 = arith.subi %broadcast_in_dim3A_724, %iota3A : vector<16xi32>
    %swap3A_726 = arith.constant 1152 : index
    %swap3A_727 = tpu.vector_load %arg4[%swap3A_726] {strides = array<i32>} : memref<2048xi32, #tpu.memory_space<vmem>>, vector<16xi32>,
    %swap3A_728 = vector.shape_cast %swap3A_727 : vector<16xi32> to vector<16xi32>
    %swap3A_729 = vector.shape_cast %sub3A_725 : vector<16xi32> to vector<16xi32>
    tpu.vector_store %arg4[%swap3A_726], %swap3A_729 {strides = array<i32>} : memref<2048xi32, #tpu.memory_space<vmem>>, vector<16xi32>,
    %add3A_730 = arith.constant 2048 : i32
    %add3A_731 = arith.addi %add3A, %add3A_730 : i32
    %sub3A_732 = arith.constant 1168 : i32
    %sub3A_733 = arith.subi %add3A_731, %sub3A_732 : i32
    %broadcast_in_dim3A_734 = vector.broadcast %sub3A_733 : i32 to vector<16xi32>
    %sub3A_735 = arith.subi %broadcast_in_dim3A_734, %iota3A : vector<16xi32>
    %swap3A_736 = arith.constant 1168 : index
    %swap3A_737 = tpu.vector_load %arg4[%swap3A_736] {strides = array<i32>} : memref<2048xi32, #tpu.memory_space<vmem>>, vector<16xi32>,
    %swap3A_738 = vector.shape_cast %swap3A_737 : vector<16xi32> to vector<16xi32>
    %swap3A_739 = vector.shape_cast %sub3A_735 : vector<16xi32> to vector<16xi32>
    tpu.vector_store %arg4[%swap3A_736], %swap3A_739 {strides = array<i32>} : memref<2048xi32, #tpu.memory_space<vmem>>, vector<16xi32>,
    %add3A_740 = arith.constant 2048 : i32
    %add3A_741 = arith.addi %add3A, %add3A_740 : i32
    %sub3A_742 = arith.constant 1184 : i32
    %sub3A_743 = arith.subi %add3A_741, %sub3A_742 : i32
    %broadcast_in_dim3A_744 = vector.broadcast %sub3A_743 : i32 to vector<16xi32>
    %sub3A_745 = arith.subi %broadcast_in_dim3A_744, %iota3A : vector<16xi32>
    %swap3A_746 = arith.constant 1184 : index
    %swap3A_747 = tpu.vector_load %arg4[%swap3A_746] {strides = array<i32>} : memref<2048xi32, #tpu.memory_space<vmem>>, vector<16xi32>,
    %swap3A_748 = vector.shape_cast %swap3A_747 : vector<16xi32> to vector<16xi32>
    %swap3A_749 = vector.shape_cast %sub3A_745 : vector<16xi32> to vector<16xi32>
    tpu.vector_store %arg4[%swap3A_746], %swap3A_749 {strides = array<i32>} : memref<2048xi32, #tpu.memory_space<vmem>>, vector<16xi32>,
    %add3A_750 = arith.constant 2048 : i32
    %add3A_751 = arith.addi %add3A, %add3A_750 : i32
    %sub3A_752 = arith.constant 1200 : i32
    %sub3A_753 = arith.subi %add3A_751, %sub3A_752 : i32
    %broadcast_in_dim3A_754 = vector.broadcast %sub3A_753 : i32 to vector<16xi32>
    %sub3A_755 = arith.subi %broadcast_in_dim3A_754, %iota3A : vector<16xi32>
    %swap3A_756 = arith.constant 1200 : index
    %swap3A_757 = tpu.vector_load %arg4[%swap3A_756] {strides = array<i32>} : memref<2048xi32, #tpu.memory_space<vmem>>, vector<16xi32>,
    %swap3A_758 = vector.shape_cast %swap3A_757 : vector<16xi32> to vector<16xi32>
    %swap3A_759 = vector.shape_cast %sub3A_755 : vector<16xi32> to vector<16xi32>
    tpu.vector_store %arg4[%swap3A_756], %swap3A_759 {strides = array<i32>} : memref<2048xi32, #tpu.memory_space<vmem>>, vector<16xi32>,
    %add3A_760 = arith.constant 2048 : i32
    %add3A_761 = arith.addi %add3A, %add3A_760 : i32
    %sub3A_762 = arith.constant 1216 : i32
    %sub3A_763 = arith.subi %add3A_761, %sub3A_762 : i32
    %broadcast_in_dim3A_764 = vector.broadcast %sub3A_763 : i32 to vector<16xi32>
    %sub3A_765 = arith.subi %broadcast_in_dim3A_764, %iota3A : vector<16xi32>
    %swap3A_766 = arith.constant 1216 : index
    %swap3A_767 = tpu.vector_load %arg4[%swap3A_766] {strides = array<i32>} : memref<2048xi32, #tpu.memory_space<vmem>>, vector<16xi32>,
    %swap3A_768 = vector.shape_cast %swap3A_767 : vector<16xi32> to vector<16xi32>
    %swap3A_769 = vector.shape_cast %sub3A_765 : vector<16xi32> to vector<16xi32>
    tpu.vector_store %arg4[%swap3A_766], %swap3A_769 {strides = array<i32>} : memref<2048xi32, #tpu.memory_space<vmem>>, vector<16xi32>,
    %add3A_770 = arith.constant 2048 : i32
    %add3A_771 = arith.addi %add3A, %add3A_770 : i32
    %sub3A_772 = arith.constant 1232 : i32
    %sub3A_773 = arith.subi %add3A_771, %sub3A_772 : i32
    %broadcast_in_dim3A_774 = vector.broadcast %sub3A_773 : i32 to vector<16xi32>
    %sub3A_775 = arith.subi %broadcast_in_dim3A_774, %iota3A : vector<16xi32>
    %swap3A_776 = arith.constant 1232 : index
    %swap3A_777 = tpu.vector_load %arg4[%swap3A_776] {strides = array<i32>} : memref<2048xi32, #tpu.memory_space<vmem>>, vector<16xi32>,
    %swap3A_778 = vector.shape_cast %swap3A_777 : vector<16xi32> to vector<16xi32>
    %swap3A_779 = vector.shape_cast %sub3A_775 : vector<16xi32> to vector<16xi32>
    tpu.vector_store %arg4[%swap3A_776], %swap3A_779 {strides = array<i32>} : memref<2048xi32, #tpu.memory_space<vmem>>, vector<16xi32>,
    %add3A_780 = arith.constant 2048 : i32
    %add3A_781 = arith.addi %add3A, %add3A_780 : i32
    %sub3A_782 = arith.constant 1248 : i32
    %sub3A_783 = arith.subi %add3A_781, %sub3A_782 : i32
    %broadcast_in_dim3A_784 = vector.broadcast %sub3A_783 : i32 to vector<16xi32>
    %sub3A_785 = arith.subi %broadcast_in_dim3A_784, %iota3A : vector<16xi32>
    %swap3A_786 = arith.constant 1248 : index
    %swap3A_787 = tpu.vector_load %arg4[%swap3A_786] {strides = array<i32>} : memref<2048xi32, #tpu.memory_space<vmem>>, vector<16xi32>,
    %swap3A_788 = vector.shape_cast %swap3A_787 : vector<16xi32> to vector<16xi32>
    %swap3A_789 = vector.shape_cast %sub3A_785 : vector<16xi32> to vector<16xi32>
    tpu.vector_store %arg4[%swap3A_786], %swap3A_789 {strides = array<i32>} : memref<2048xi32, #tpu.memory_space<vmem>>, vector<16xi32>,
    %add3A_790 = arith.constant 2048 : i32
    %add3A_791 = arith.addi %add3A, %add3A_790 : i32
    %sub3A_792 = arith.constant 1264 : i32
    %sub3A_793 = arith.subi %add3A_791, %sub3A_792 : i32
    %broadcast_in_dim3A_794 = vector.broadcast %sub3A_793 : i32 to vector<16xi32>
    %sub3A_795 = arith.subi %broadcast_in_dim3A_794, %iota3A : vector<16xi32>
    %swap3A_796 = arith.constant 1264 : index
    %swap3A_797 = tpu.vector_load %arg4[%swap3A_796] {strides = array<i32>} : memref<2048xi32, #tpu.memory_space<vmem>>, vector<16xi32>,
    %swap3A_798 = vector.shape_cast %swap3A_797 : vector<16xi32> to vector<16xi32>
    %swap3A_799 = vector.shape_cast %sub3A_795 : vector<16xi32> to vector<16xi32>
    tpu.vector_store %arg4[%swap3A_796], %swap3A_799 {strides = array<i32>} : memref<2048xi32, #tpu.memory_space<vmem>>, vector<16xi32>,
    %add3A_800 = arith.constant 2048 : i32
    %add3A_801 = arith.addi %add3A, %add3A_800 : i32
    %sub3A_802 = arith.constant 1280 : i32
    %sub3A_803 = arith.subi %add3A_801, %sub3A_802 : i32
    %broadcast_in_dim3A_804 = vector.broadcast %sub3A_803 : i32 to vector<16xi32>
    %sub3A_805 = arith.subi %broadcast_in_dim3A_804, %iota3A : vector<16xi32>
    %swap3A_806 = arith.constant 1280 : index
    %swap3A_807 = tpu.vector_load %arg4[%swap3A_806] {strides = array<i32>} : memref<2048xi32, #tpu.memory_space<vmem>>, vector<16xi32>,
    %swap3A_808 = vector.shape_cast %swap3A_807 : vector<16xi32> to vector<16xi32>
    %swap3A_809 = vector.shape_cast %sub3A_805 : vector<16xi32> to vector<16xi32>
    tpu.vector_store %arg4[%swap3A_806], %swap3A_809 {strides = array<i32>} : memref<2048xi32, #tpu.memory_space<vmem>>, vector<16xi32>,
    %add3A_810 = arith.constant 2048 : i32
    %add3A_811 = arith.addi %add3A, %add3A_810 : i32
    %sub3A_812 = arith.constant 1296 : i32
    %sub3A_813 = arith.subi %add3A_811, %sub3A_812 : i32
    %broadcast_in_dim3A_814 = vector.broadcast %sub3A_813 : i32 to vector<16xi32>
    %sub3A_815 = arith.subi %broadcast_in_dim3A_814, %iota3A : vector<16xi32>
    %swap3A_816 = arith.constant 1296 : index
    %swap3A_817 = tpu.vector_load %arg4[%swap3A_816] {strides = array<i32>} : memref<2048xi32, #tpu.memory_space<vmem>>, vector<16xi32>,
    %swap3A_818 = vector.shape_cast %swap3A_817 : vector<16xi32> to vector<16xi32>
    %swap3A_819 = vector.shape_cast %sub3A_815 : vector<16xi32> to vector<16xi32>
    tpu.vector_store %arg4[%swap3A_816], %swap3A_819 {strides = array<i32>} : memref<2048xi32, #tpu.memory_space<vmem>>, vector<16xi32>,
    %add3A_820 = arith.constant 2048 : i32
    %add3A_821 = arith.addi %add3A, %add3A_820 : i32
    %sub3A_822 = arith.constant 1312 : i32
    %sub3A_823 = arith.subi %add3A_821, %sub3A_822 : i32
    %broadcast_in_dim3A_824 = vector.broadcast %sub3A_823 : i32 to vector<16xi32>
    %sub3A_825 = arith.subi %broadcast_in_dim3A_824, %iota3A : vector<16xi32>
    %swap3A_826 = arith.constant 1312 : index
    %swap3A_827 = tpu.vector_load %arg4[%swap3A_826] {strides = array<i32>} : memref<2048xi32, #tpu.memory_space<vmem>>, vector<16xi32>,
    %swap3A_828 = vector.shape_cast %swap3A_827 : vector<16xi32> to vector<16xi32>
    %swap3A_829 = vector.shape_cast %sub3A_825 : vector<16xi32> to vector<16xi32>
    tpu.vector_store %arg4[%swap3A_826], %swap3A_829 {strides = array<i32>} : memref<2048xi32, #tpu.memory_space<vmem>>, vector<16xi32>,
    %add3A_830 = arith.constant 2048 : i32
    %add3A_831 = arith.addi %add3A, %add3A_830 : i32
    %sub3A_832 = arith.constant 1328 : i32
    %sub3A_833 = arith.subi %add3A_831, %sub3A_832 : i32
    %broadcast_in_dim3A_834 = vector.broadcast %sub3A_833 : i32 to vector<16xi32>
    %sub3A_835 = arith.subi %broadcast_in_dim3A_834, %iota3A : vector<16xi32>
    %swap3A_836 = arith.constant 1328 : index
    %swap3A_837 = tpu.vector_load %arg4[%swap3A_836] {strides = array<i32>} : memref<2048xi32, #tpu.memory_space<vmem>>, vector<16xi32>,
    %swap3A_838 = vector.shape_cast %swap3A_837 : vector<16xi32> to vector<16xi32>
    %swap3A_839 = vector.shape_cast %sub3A_835 : vector<16xi32> to vector<16xi32>
    tpu.vector_store %arg4[%swap3A_836], %swap3A_839 {strides = array<i32>} : memref<2048xi32, #tpu.memory_space<vmem>>, vector<16xi32>,
    %add3A_840 = arith.constant 2048 : i32
    %add3A_841 = arith.addi %add3A, %add3A_840 : i32
    %sub3A_842 = arith.constant 1344 : i32
    %sub3A_843 = arith.subi %add3A_841, %sub3A_842 : i32
    %broadcast_in_dim3A_844 = vector.broadcast %sub3A_843 : i32 to vector<16xi32>
    %sub3A_845 = arith.subi %broadcast_in_dim3A_844, %iota3A : vector<16xi32>
    %swap3A_846 = arith.constant 1344 : index
    %swap3A_847 = tpu.vector_load %arg4[%swap3A_846] {strides = array<i32>} : memref<2048xi32, #tpu.memory_space<vmem>>, vector<16xi32>,
    %swap3A_848 = vector.shape_cast %swap3A_847 : vector<16xi32> to vector<16xi32>
    %swap3A_849 = vector.shape_cast %sub3A_845 : vector<16xi32> to vector<16xi32>
    tpu.vector_store %arg4[%swap3A_846], %swap3A_849 {strides = array<i32>} : memref<2048xi32, #tpu.memory_space<vmem>>, vector<16xi32>,
    %add3A_850 = arith.constant 2048 : i32
    %add3A_851 = arith.addi %add3A, %add3A_850 : i32
    %sub3A_852 = arith.constant 1360 : i32
    %sub3A_853 = arith.subi %add3A_851, %sub3A_852 : i32
    %broadcast_in_dim3A_854 = vector.broadcast %sub3A_853 : i32 to vector<16xi32>
    %sub3A_855 = arith.subi %broadcast_in_dim3A_854, %iota3A : vector<16xi32>
    %swap3A_856 = arith.constant 1360 : index
    %swap3A_857 = tpu.vector_load %arg4[%swap3A_856] {strides = array<i32>} : memref<2048xi32, #tpu.memory_space<vmem>>, vector<16xi32>,
    %swap3A_858 = vector.shape_cast %swap3A_857 : vector<16xi32> to vector<16xi32>
    %swap3A_859 = vector.shape_cast %sub3A_855 : vector<16xi32> to vector<16xi32>
    tpu.vector_store %arg4[%swap3A_856], %swap3A_859 {strides = array<i32>} : memref<2048xi32, #tpu.memory_space<vmem>>, vector<16xi32>,
    %add3A_860 = arith.constant 2048 : i32
    %add3A_861 = arith.addi %add3A, %add3A_860 : i32
    %sub3A_862 = arith.constant 1376 : i32
    %sub3A_863 = arith.subi %add3A_861, %sub3A_862 : i32
    %broadcast_in_dim3A_864 = vector.broadcast %sub3A_863 : i32 to vector<16xi32>
    %sub3A_865 = arith.subi %broadcast_in_dim3A_864, %iota3A : vector<16xi32>
    %swap3A_866 = arith.constant 1376 : index
    %swap3A_867 = tpu.vector_load %arg4[%swap3A_866] {strides = array<i32>} : memref<2048xi32, #tpu.memory_space<vmem>>, vector<16xi32>,
    %swap3A_868 = vector.shape_cast %swap3A_867 : vector<16xi32> to vector<16xi32>
    %swap3A_869 = vector.shape_cast %sub3A_865 : vector<16xi32> to vector<16xi32>
    tpu.vector_store %arg4[%swap3A_866], %swap3A_869 {strides = array<i32>} : memref<2048xi32, #tpu.memory_space<vmem>>, vector<16xi32>,
    %add3A_870 = arith.constant 2048 : i32
    %add3A_871 = arith.addi %add3A, %add3A_870 : i32
    %sub3A_872 = arith.constant 1392 : i32
    %sub3A_873 = arith.subi %add3A_871, %sub3A_872 : i32
    %broadcast_in_dim3A_874 = vector.broadcast %sub3A_873 : i32 to vector<16xi32>
    %sub3A_875 = arith.subi %broadcast_in_dim3A_874, %iota3A : vector<16xi32>
    %swap3A_876 = arith.constant 1392 : index
    %swap3A_877 = tpu.vector_load %arg4[%swap3A_876] {strides = array<i32>} : memref<2048xi32, #tpu.memory_space<vmem>>, vector<16xi32>,
    %swap3A_878 = vector.shape_cast %swap3A_877 : vector<16xi32> to vector<16xi32>
    %swap3A_879 = vector.shape_cast %sub3A_875 : vector<16xi32> to vector<16xi32>
    tpu.vector_store %arg4[%swap3A_876], %swap3A_879 {strides = array<i32>} : memref<2048xi32, #tpu.memory_space<vmem>>, vector<16xi32>,
    %add3A_880 = arith.constant 2048 : i32
    %add3A_881 = arith.addi %add3A, %add3A_880 : i32
    %sub3A_882 = arith.constant 1408 : i32
    %sub3A_883 = arith.subi %add3A_881, %sub3A_882 : i32
    %broadcast_in_dim3A_884 = vector.broadcast %sub3A_883 : i32 to vector<16xi32>
    %sub3A_885 = arith.subi %broadcast_in_dim3A_884, %iota3A : vector<16xi32>
    %swap3A_886 = arith.constant 1408 : index
    %swap3A_887 = tpu.vector_load %arg4[%swap3A_886] {strides = array<i32>} : memref<2048xi32, #tpu.memory_space<vmem>>, vector<16xi32>,
    %swap3A_888 = vector.shape_cast %swap3A_887 : vector<16xi32> to vector<16xi32>
    %swap3A_889 = vector.shape_cast %sub3A_885 : vector<16xi32> to vector<16xi32>
    tpu.vector_store %arg4[%swap3A_886], %swap3A_889 {strides = array<i32>} : memref<2048xi32, #tpu.memory_space<vmem>>, vector<16xi32>,
    %add3A_890 = arith.constant 2048 : i32
    %add3A_891 = arith.addi %add3A, %add3A_890 : i32
    %sub3A_892 = arith.constant 1424 : i32
    %sub3A_893 = arith.subi %add3A_891, %sub3A_892 : i32
    %broadcast_in_dim3A_894 = vector.broadcast %sub3A_893 : i32 to vector<16xi32>
    %sub3A_895 = arith.subi %broadcast_in_dim3A_894, %iota3A : vector<16xi32>
    %swap3A_896 = arith.constant 1424 : index
    %swap3A_897 = tpu.vector_load %arg4[%swap3A_896] {strides = array<i32>} : memref<2048xi32, #tpu.memory_space<vmem>>, vector<16xi32>,
    %swap3A_898 = vector.shape_cast %swap3A_897 : vector<16xi32> to vector<16xi32>
    %swap3A_899 = vector.shape_cast %sub3A_895 : vector<16xi32> to vector<16xi32>
    tpu.vector_store %arg4[%swap3A_896], %swap3A_899 {strides = array<i32>} : memref<2048xi32, #tpu.memory_space<vmem>>, vector<16xi32>,
    %add3A_900 = arith.constant 2048 : i32
    %add3A_901 = arith.addi %add3A, %add3A_900 : i32
    %sub3A_902 = arith.constant 1440 : i32
    %sub3A_903 = arith.subi %add3A_901, %sub3A_902 : i32
    %broadcast_in_dim3A_904 = vector.broadcast %sub3A_903 : i32 to vector<16xi32>
    %sub3A_905 = arith.subi %broadcast_in_dim3A_904, %iota3A : vector<16xi32>
    %swap3A_906 = arith.constant 1440 : index
    %swap3A_907 = tpu.vector_load %arg4[%swap3A_906] {strides = array<i32>} : memref<2048xi32, #tpu.memory_space<vmem>>, vector<16xi32>,
    %swap3A_908 = vector.shape_cast %swap3A_907 : vector<16xi32> to vector<16xi32>
    %swap3A_909 = vector.shape_cast %sub3A_905 : vector<16xi32> to vector<16xi32>
    tpu.vector_store %arg4[%swap3A_906], %swap3A_909 {strides = array<i32>} : memref<2048xi32, #tpu.memory_space<vmem>>, vector<16xi32>,
    %add3A_910 = arith.constant 2048 : i32
    %add3A_911 = arith.addi %add3A, %add3A_910 : i32
    %sub3A_912 = arith.constant 1456 : i32
    %sub3A_913 = arith.subi %add3A_911, %sub3A_912 : i32
    %broadcast_in_dim3A_914 = vector.broadcast %sub3A_913 : i32 to vector<16xi32>
    %sub3A_915 = arith.subi %broadcast_in_dim3A_914, %iota3A : vector<16xi32>
    %swap3A_916 = arith.constant 1456 : index
    %swap3A_917 = tpu.vector_load %arg4[%swap3A_916] {strides = array<i32>} : memref<2048xi32, #tpu.memory_space<vmem>>, vector<16xi32>,
    %swap3A_918 = vector.shape_cast %swap3A_917 : vector<16xi32> to vector<16xi32>
    %swap3A_919 = vector.shape_cast %sub3A_915 : vector<16xi32> to vector<16xi32>
    tpu.vector_store %arg4[%swap3A_916], %swap3A_919 {strides = array<i32>} : memref<2048xi32, #tpu.memory_space<vmem>>, vector<16xi32>,
    %add3A_920 = arith.constant 2048 : i32
    %add3A_921 = arith.addi %add3A, %add3A_920 : i32
    %sub3A_922 = arith.constant 1472 : i32
    %sub3A_923 = arith.subi %add3A_921, %sub3A_922 : i32
    %broadcast_in_dim3A_924 = vector.broadcast %sub3A_923 : i32 to vector<16xi32>
    %sub3A_925 = arith.subi %broadcast_in_dim3A_924, %iota3A : vector<16xi32>
    %swap3A_926 = arith.constant 1472 : index
    %swap3A_927 = tpu.vector_load %arg4[%swap3A_926] {strides = array<i32>} : memref<2048xi32, #tpu.memory_space<vmem>>, vector<16xi32>,
    %swap3A_928 = vector.shape_cast %swap3A_927 : vector<16xi32> to vector<16xi32>
    %swap3A_929 = vector.shape_cast %sub3A_925 : vector<16xi32> to vector<16xi32>
    tpu.vector_store %arg4[%swap3A_926], %swap3A_929 {strides = array<i32>} : memref<2048xi32, #tpu.memory_space<vmem>>, vector<16xi32>,
    %add3A_930 = arith.constant 2048 : i32
    %add3A_931 = arith.addi %add3A, %add3A_930 : i32
    %sub3A_932 = arith.constant 1488 : i32
    %sub3A_933 = arith.subi %add3A_931, %sub3A_932 : i32
    %broadcast_in_dim3A_934 = vector.broadcast %sub3A_933 : i32 to vector<16xi32>
    %sub3A_935 = arith.subi %broadcast_in_dim3A_934, %iota3A : vector<16xi32>
    %swap3A_936 = arith.constant 1488 : index
    %swap3A_937 = tpu.vector_load %arg4[%swap3A_936] {strides = array<i32>} : memref<2048xi32, #tpu.memory_space<vmem>>, vector<16xi32>,
    %swap3A_938 = vector.shape_cast %swap3A_937 : vector<16xi32> to vector<16xi32>
    %swap3A_939 = vector.shape_cast %sub3A_935 : vector<16xi32> to vector<16xi32>
    tpu.vector_store %arg4[%swap3A_936], %swap3A_939 {strides = array<i32>} : memref<2048xi32, #tpu.memory_space<vmem>>, vector<16xi32>,
    %add3A_940 = arith.constant 2048 : i32
    %add3A_941 = arith.addi %add3A, %add3A_940 : i32
    %sub3A_942 = arith.constant 1504 : i32
    %sub3A_943 = arith.subi %add3A_941, %sub3A_942 : i32
    %broadcast_in_dim3A_944 = vector.broadcast %sub3A_943 : i32 to vector<16xi32>
    %sub3A_945 = arith.subi %broadcast_in_dim3A_944, %iota3A : vector<16xi32>
    %swap3A_946 = arith.constant 1504 : index
    %swap3A_947 = tpu.vector_load %arg4[%swap3A_946] {strides = array<i32>} : memref<2048xi32, #tpu.memory_space<vmem>>, vector<16xi32>,
    %swap3A_948 = vector.shape_cast %swap3A_947 : vector<16xi32> to vector<16xi32>
    %swap3A_949 = vector.shape_cast %sub3A_945 : vector<16xi32> to vector<16xi32>
    tpu.vector_store %arg4[%swap3A_946], %swap3A_949 {strides = array<i32>} : memref<2048xi32, #tpu.memory_space<vmem>>, vector<16xi32>,
    %add3A_950 = arith.constant 2048 : i32
    %add3A_951 = arith.addi %add3A, %add3A_950 : i32
    %sub3A_952 = arith.constant 1520 : i32
    %sub3A_953 = arith.subi %add3A_951, %sub3A_952 : i32
    %broadcast_in_dim3A_954 = vector.broadcast %sub3A_953 : i32 to vector<16xi32>
    %sub3A_955 = arith.subi %broadcast_in_dim3A_954, %iota3A : vector<16xi32>
    %swap3A_956 = arith.constant 1520 : index
    %swap3A_957 = tpu.vector_load %arg4[%swap3A_956] {strides = array<i32>} : memref<2048xi32, #tpu.memory_space<vmem>>, vector<16xi32>,
    %swap3A_958 = vector.shape_cast %swap3A_957 : vector<16xi32> to vector<16xi32>
    %swap3A_959 = vector.shape_cast %sub3A_955 : vector<16xi32> to vector<16xi32>
    tpu.vector_store %arg4[%swap3A_956], %swap3A_959 {strides = array<i32>} : memref<2048xi32, #tpu.memory_space<vmem>>, vector<16xi32>,
    %add3A_960 = arith.constant 2048 : i32
    %add3A_961 = arith.addi %add3A, %add3A_960 : i32
    %sub3A_962 = arith.constant 1536 : i32
    %sub3A_963 = arith.subi %add3A_961, %sub3A_962 : i32
    %broadcast_in_dim3A_964 = vector.broadcast %sub3A_963 : i32 to vector<16xi32>
    %sub3A_965 = arith.subi %broadcast_in_dim3A_964, %iota3A : vector<16xi32>
    %swap3A_966 = arith.constant 1536 : index
    %swap3A_967 = tpu.vector_load %arg4[%swap3A_966] {strides = array<i32>} : memref<2048xi32, #tpu.memory_space<vmem>>, vector<16xi32>,
    %swap3A_968 = vector.shape_cast %swap3A_967 : vector<16xi32> to vector<16xi32>
    %swap3A_969 = vector.shape_cast %sub3A_965 : vector<16xi32> to vector<16xi32>
    tpu.vector_store %arg4[%swap3A_966], %swap3A_969 {strides = array<i32>} : memref<2048xi32, #tpu.memory_space<vmem>>, vector<16xi32>,
    %add3A_970 = arith.constant 2048 : i32
    %add3A_971 = arith.addi %add3A, %add3A_970 : i32
    %sub3A_972 = arith.constant 1552 : i32
    %sub3A_973 = arith.subi %add3A_971, %sub3A_972 : i32
    %broadcast_in_dim3A_974 = vector.broadcast %sub3A_973 : i32 to vector<16xi32>
    %sub3A_975 = arith.subi %broadcast_in_dim3A_974, %iota3A : vector<16xi32>
    %swap3A_976 = arith.constant 1552 : index
    %swap3A_977 = tpu.vector_load %arg4[%swap3A_976] {strides = array<i32>} : memref<2048xi32, #tpu.memory_space<vmem>>, vector<16xi32>,
    %swap3A_978 = vector.shape_cast %swap3A_977 : vector<16xi32> to vector<16xi32>
    %swap3A_979 = vector.shape_cast %sub3A_975 : vector<16xi32> to vector<16xi32>
    tpu.vector_store %arg4[%swap3A_976], %swap3A_979 {strides = array<i32>} : memref<2048xi32, #tpu.memory_space<vmem>>, vector<16xi32>,
    %add3A_980 = arith.constant 2048 : i32
    %add3A_981 = arith.addi %add3A, %add3A_980 : i32
    %sub3A_982 = arith.constant 1568 : i32
    %sub3A_983 = arith.subi %add3A_981, %sub3A_982 : i32
    %broadcast_in_dim3A_984 = vector.broadcast %sub3A_983 : i32 to vector<16xi32>
    %sub3A_985 = arith.subi %broadcast_in_dim3A_984, %iota3A : vector<16xi32>
    %swap3A_986 = arith.constant 1568 : index
    %swap3A_987 = tpu.vector_load %arg4[%swap3A_986] {strides = array<i32>} : memref<2048xi32, #tpu.memory_space<vmem>>, vector<16xi32>,
    %swap3A_988 = vector.shape_cast %swap3A_987 : vector<16xi32> to vector<16xi32>
    %swap3A_989 = vector.shape_cast %sub3A_985 : vector<16xi32> to vector<16xi32>
    tpu.vector_store %arg4[%swap3A_986], %swap3A_989 {strides = array<i32>} : memref<2048xi32, #tpu.memory_space<vmem>>, vector<16xi32>,
    %add3A_990 = arith.constant 2048 : i32
    %add3A_991 = arith.addi %add3A, %add3A_990 : i32
    %sub3A_992 = arith.constant 1584 : i32
    %sub3A_993 = arith.subi %add3A_991, %sub3A_992 : i32
    %broadcast_in_dim3A_994 = vector.broadcast %sub3A_993 : i32 to vector<16xi32>
    %sub3A_995 = arith.subi %broadcast_in_dim3A_994, %iota3A : vector<16xi32>
    %swap3A_996 = arith.constant 1584 : index
    %swap3A_997 = tpu.vector_load %arg4[%swap3A_996] {strides = array<i32>} : memref<2048xi32, #tpu.memory_space<vmem>>, vector<16xi32>,
    %swap3A_998 = vector.shape_cast %swap3A_997 : vector<16xi32> to vector<16xi32>
    %swap3A_999 = vector.shape_cast %sub3A_995 : vector<16xi32> to vector<16xi32>
    tpu.vector_store %arg4[%swap3A_996], %swap3A_999 {strides = array<i32>} : memref<2048xi32, #tpu.memory_space<vmem>>, vector<16xi32>,
    %add3A_1000 = arith.constant 2048 : i32
    %add3A_1001 = arith.addi %add3A, %add3A_1000 : i32
    %sub3A_1002 = arith.constant 1600 : i32
    %sub3A_1003 = arith.subi %add3A_1001, %sub3A_1002 : i32
    %broadcast_in_dim3A_1004 = vector.broadcast %sub3A_1003 : i32 to vector<16xi32>
    %sub3A_1005 = arith.subi %broadcast_in_dim3A_1004, %iota3A : vector<16xi32>
    %swap3A_1006 = arith.constant 1600 : index
    %swap3A_1007 = tpu.vector_load %arg4[%swap3A_1006] {strides = array<i32>} : memref<2048xi32, #tpu.memory_space<vmem>>, vector<16xi32>,
    %swap3A_1008 = vector.shape_cast %swap3A_1007 : vector<16xi32> to vector<16xi32>
    %swap3A_1009 = vector.shape_cast %sub3A_1005 : vector<16xi32> to vector<16xi32>
    tpu.vector_store %arg4[%swap3A_1006], %swap3A_1009 {strides = array<i32>} : memref<2048xi32, #tpu.memory_space<vmem>>, vector<16xi32>,
    %add3A_1010 = arith.constant 2048 : i32
    %add3A_1011 = arith.addi %add3A, %add3A_1010 : i32
    %sub3A_1012 = arith.constant 1616 : i32
    %sub3A_1013 = arith.subi %add3A_1011, %sub3A_1012 : i32
    %broadcast_in_dim3A_1014 = vector.broadcast %sub3A_1013 : i32 to vector<16xi32>
    %sub3A_1015 = arith.subi %broadcast_in_dim3A_1014, %iota3A : vector<16xi32>
    %swap3A_1016 = arith.constant 1616 : index
    %swap3A_1017 = tpu.vector_load %arg4[%swap3A_1016] {strides = array<i32>} : memref<2048xi32, #tpu.memory_space<vmem>>, vector<16xi32>,
    %swap3A_1018 = vector.shape_cast %swap3A_1017 : vector<16xi32> to vector<16xi32>
    %swap3A_1019 = vector.shape_cast %sub3A_1015 : vector<16xi32> to vector<16xi32>
    tpu.vector_store %arg4[%swap3A_1016], %swap3A_1019 {strides = array<i32>} : memref<2048xi32, #tpu.memory_space<vmem>>, vector<16xi32>,
    %add3A_1020 = arith.constant 2048 : i32
    %add3A_1021 = arith.addi %add3A, %add3A_1020 : i32
    %sub3A_1022 = arith.constant 1632 : i32
    %sub3A_1023 = arith.subi %add3A_1021, %sub3A_1022 : i32
    %broadcast_in_dim3A_1024 = vector.broadcast %sub3A_1023 : i32 to vector<16xi32>
    %sub3A_1025 = arith.subi %broadcast_in_dim3A_1024, %iota3A : vector<16xi32>
    %swap3A_1026 = arith.constant 1632 : index
    %swap3A_1027 = tpu.vector_load %arg4[%swap3A_1026] {strides = array<i32>} : memref<2048xi32, #tpu.memory_space<vmem>>, vector<16xi32>,
    %swap3A_1028 = vector.shape_cast %swap3A_1027 : vector<16xi32> to vector<16xi32>
    %swap3A_1029 = vector.shape_cast %sub3A_1025 : vector<16xi32> to vector<16xi32>
    tpu.vector_store %arg4[%swap3A_1026], %swap3A_1029 {strides = array<i32>} : memref<2048xi32, #tpu.memory_space<vmem>>, vector<16xi32>,
    %add3A_1030 = arith.constant 2048 : i32
    %add3A_1031 = arith.addi %add3A, %add3A_1030 : i32
    %sub3A_1032 = arith.constant 1648 : i32
    %sub3A_1033 = arith.subi %add3A_1031, %sub3A_1032 : i32
    %broadcast_in_dim3A_1034 = vector.broadcast %sub3A_1033 : i32 to vector<16xi32>
    %sub3A_1035 = arith.subi %broadcast_in_dim3A_1034, %iota3A : vector<16xi32>
    %swap3A_1036 = arith.constant 1648 : index
    %swap3A_1037 = tpu.vector_load %arg4[%swap3A_1036] {strides = array<i32>} : memref<2048xi32, #tpu.memory_space<vmem>>, vector<16xi32>,
    %swap3A_1038 = vector.shape_cast %swap3A_1037 : vector<16xi32> to vector<16xi32>
    %swap3A_1039 = vector.shape_cast %sub3A_1035 : vector<16xi32> to vector<16xi32>
    tpu.vector_store %arg4[%swap3A_1036], %swap3A_1039 {strides = array<i32>} : memref<2048xi32, #tpu.memory_space<vmem>>, vector<16xi32>,
    %add3A_1040 = arith.constant 2048 : i32
    %add3A_1041 = arith.addi %add3A, %add3A_1040 : i32
    %sub3A_1042 = arith.constant 1664 : i32
    %sub3A_1043 = arith.subi %add3A_1041, %sub3A_1042 : i32
    %broadcast_in_dim3A_1044 = vector.broadcast %sub3A_1043 : i32 to vector<16xi32>
    %sub3A_1045 = arith.subi %broadcast_in_dim3A_1044, %iota3A : vector<16xi32>
    %swap3A_1046 = arith.constant 1664 : index
    %swap3A_1047 = tpu.vector_load %arg4[%swap3A_1046] {strides = array<i32>} : memref<2048xi32, #tpu.memory_space<vmem>>, vector<16xi32>,
    %swap3A_1048 = vector.shape_cast %swap3A_1047 : vector<16xi32> to vector<16xi32>
    %swap3A_1049 = vector.shape_cast %sub3A_1045 : vector<16xi32> to vector<16xi32>
    tpu.vector_store %arg4[%swap3A_1046], %swap3A_1049 {strides = array<i32>} : memref<2048xi32, #tpu.memory_space<vmem>>, vector<16xi32>,
    %add3A_1050 = arith.constant 2048 : i32
    %add3A_1051 = arith.addi %add3A, %add3A_1050 : i32
    %sub3A_1052 = arith.constant 1680 : i32
    %sub3A_1053 = arith.subi %add3A_1051, %sub3A_1052 : i32
    %broadcast_in_dim3A_1054 = vector.broadcast %sub3A_1053 : i32 to vector<16xi32>
    %sub3A_1055 = arith.subi %broadcast_in_dim3A_1054, %iota3A : vector<16xi32>
    %swap3A_1056 = arith.constant 1680 : index
    %swap3A_1057 = tpu.vector_load %arg4[%swap3A_1056] {strides = array<i32>} : memref<2048xi32, #tpu.memory_space<vmem>>, vector<16xi32>,
    %swap3A_1058 = vector.shape_cast %swap3A_1057 : vector<16xi32> to vector<16xi32>
    %swap3A_1059 = vector.shape_cast %sub3A_1055 : vector<16xi32> to vector<16xi32>
    tpu.vector_store %arg4[%swap3A_1056], %swap3A_1059 {strides = array<i32>} : memref<2048xi32, #tpu.memory_space<vmem>>, vector<16xi32>,
    %add3A_1060 = arith.constant 2048 : i32
    %add3A_1061 = arith.addi %add3A, %add3A_1060 : i32
    %sub3A_1062 = arith.constant 1696 : i32
    %sub3A_1063 = arith.subi %add3A_1061, %sub3A_1062 : i32
    %broadcast_in_dim3A_1064 = vector.broadcast %sub3A_1063 : i32 to vector<16xi32>
    %sub3A_1065 = arith.subi %broadcast_in_dim3A_1064, %iota3A : vector<16xi32>
    %swap3A_1066 = arith.constant 1696 : index
    %swap3A_1067 = tpu.vector_load %arg4[%swap3A_1066] {strides = array<i32>} : memref<2048xi32, #tpu.memory_space<vmem>>, vector<16xi32>,
    %swap3A_1068 = vector.shape_cast %swap3A_1067 : vector<16xi32> to vector<16xi32>
    %swap3A_1069 = vector.shape_cast %sub3A_1065 : vector<16xi32> to vector<16xi32>
    tpu.vector_store %arg4[%swap3A_1066], %swap3A_1069 {strides = array<i32>} : memref<2048xi32, #tpu.memory_space<vmem>>, vector<16xi32>,
    %add3A_1070 = arith.constant 2048 : i32
    %add3A_1071 = arith.addi %add3A, %add3A_1070 : i32
    %sub3A_1072 = arith.constant 1712 : i32
    %sub3A_1073 = arith.subi %add3A_1071, %sub3A_1072 : i32
    %broadcast_in_dim3A_1074 = vector.broadcast %sub3A_1073 : i32 to vector<16xi32>
    %sub3A_1075 = arith.subi %broadcast_in_dim3A_1074, %iota3A : vector<16xi32>
    %swap3A_1076 = arith.constant 1712 : index
    %swap3A_1077 = tpu.vector_load %arg4[%swap3A_1076] {strides = array<i32>} : memref<2048xi32, #tpu.memory_space<vmem>>, vector<16xi32>,
    %swap3A_1078 = vector.shape_cast %swap3A_1077 : vector<16xi32> to vector<16xi32>
    %swap3A_1079 = vector.shape_cast %sub3A_1075 : vector<16xi32> to vector<16xi32>
    tpu.vector_store %arg4[%swap3A_1076], %swap3A_1079 {strides = array<i32>} : memref<2048xi32, #tpu.memory_space<vmem>>, vector<16xi32>,
    %add3A_1080 = arith.constant 2048 : i32
    %add3A_1081 = arith.addi %add3A, %add3A_1080 : i32
    %sub3A_1082 = arith.constant 1728 : i32
    %sub3A_1083 = arith.subi %add3A_1081, %sub3A_1082 : i32
    %broadcast_in_dim3A_1084 = vector.broadcast %sub3A_1083 : i32 to vector<16xi32>
    %sub3A_1085 = arith.subi %broadcast_in_dim3A_1084, %iota3A : vector<16xi32>
    %swap3A_1086 = arith.constant 1728 : index
    %swap3A_1087 = tpu.vector_load %arg4[%swap3A_1086] {strides = array<i32>} : memref<2048xi32, #tpu.memory_space<vmem>>, vector<16xi32>,
    %swap3A_1088 = vector.shape_cast %swap3A_1087 : vector<16xi32> to vector<16xi32>
    %swap3A_1089 = vector.shape_cast %sub3A_1085 : vector<16xi32> to vector<16xi32>
    tpu.vector_store %arg4[%swap3A_1086], %swap3A_1089 {strides = array<i32>} : memref<2048xi32, #tpu.memory_space<vmem>>, vector<16xi32>,
    %add3A_1090 = arith.constant 2048 : i32
    %add3A_1091 = arith.addi %add3A, %add3A_1090 : i32
    %sub3A_1092 = arith.constant 1744 : i32
    %sub3A_1093 = arith.subi %add3A_1091, %sub3A_1092 : i32
    %broadcast_in_dim3A_1094 = vector.broadcast %sub3A_1093 : i32 to vector<16xi32>
    %sub3A_1095 = arith.subi %broadcast_in_dim3A_1094, %iota3A : vector<16xi32>
    %swap3A_1096 = arith.constant 1744 : index
    %swap3A_1097 = tpu.vector_load %arg4[%swap3A_1096] {strides = array<i32>} : memref<2048xi32, #tpu.memory_space<vmem>>, vector<16xi32>,
    %swap3A_1098 = vector.shape_cast %swap3A_1097 : vector<16xi32> to vector<16xi32>
    %swap3A_1099 = vector.shape_cast %sub3A_1095 : vector<16xi32> to vector<16xi32>
    tpu.vector_store %arg4[%swap3A_1096], %swap3A_1099 {strides = array<i32>} : memref<2048xi32, #tpu.memory_space<vmem>>, vector<16xi32>,
    %add3A_1100 = arith.constant 2048 : i32
    %add3A_1101 = arith.addi %add3A, %add3A_1100 : i32
    %sub3A_1102 = arith.constant 1760 : i32
    %sub3A_1103 = arith.subi %add3A_1101, %sub3A_1102 : i32
    %broadcast_in_dim3A_1104 = vector.broadcast %sub3A_1103 : i32 to vector<16xi32>
    %sub3A_1105 = arith.subi %broadcast_in_dim3A_1104, %iota3A : vector<16xi32>
    %swap3A_1106 = arith.constant 1760 : index
    %swap3A_1107 = tpu.vector_load %arg4[%swap3A_1106] {strides = array<i32>} : memref<2048xi32, #tpu.memory_space<vmem>>, vector<16xi32>,
    %swap3A_1108 = vector.shape_cast %swap3A_1107 : vector<16xi32> to vector<16xi32>
    %swap3A_1109 = vector.shape_cast %sub3A_1105 : vector<16xi32> to vector<16xi32>
    tpu.vector_store %arg4[%swap3A_1106], %swap3A_1109 {strides = array<i32>} : memref<2048xi32, #tpu.memory_space<vmem>>, vector<16xi32>,
    %add3A_1110 = arith.constant 2048 : i32
    %add3A_1111 = arith.addi %add3A, %add3A_1110 : i32
    %sub3A_1112 = arith.constant 1776 : i32
    %sub3A_1113 = arith.subi %add3A_1111, %sub3A_1112 : i32
    %broadcast_in_dim3A_1114 = vector.broadcast %sub3A_1113 : i32 to vector<16xi32>
    %sub3A_1115 = arith.subi %broadcast_in_dim3A_1114, %iota3A : vector<16xi32>
    %swap3A_1116 = arith.constant 1776 : index
    %swap3A_1117 = tpu.vector_load %arg4[%swap3A_1116] {strides = array<i32>} : memref<2048xi32, #tpu.memory_space<vmem>>, vector<16xi32>,
    %swap3A_1118 = vector.shape_cast %swap3A_1117 : vector<16xi32> to vector<16xi32>
    %swap3A_1119 = vector.shape_cast %sub3A_1115 : vector<16xi32> to vector<16xi32>
    tpu.vector_store %arg4[%swap3A_1116], %swap3A_1119 {strides = array<i32>} : memref<2048xi32, #tpu.memory_space<vmem>>, vector<16xi32>,
    %add3A_1120 = arith.constant 2048 : i32
    %add3A_1121 = arith.addi %add3A, %add3A_1120 : i32
    %sub3A_1122 = arith.constant 1792 : i32
    %sub3A_1123 = arith.subi %add3A_1121, %sub3A_1122 : i32
    %broadcast_in_dim3A_1124 = vector.broadcast %sub3A_1123 : i32 to vector<16xi32>
    %sub3A_1125 = arith.subi %broadcast_in_dim3A_1124, %iota3A : vector<16xi32>
    %swap3A_1126 = arith.constant 1792 : index
    %swap3A_1127 = tpu.vector_load %arg4[%swap3A_1126] {strides = array<i32>} : memref<2048xi32, #tpu.memory_space<vmem>>, vector<16xi32>,
    %swap3A_1128 = vector.shape_cast %swap3A_1127 : vector<16xi32> to vector<16xi32>
    %swap3A_1129 = vector.shape_cast %sub3A_1125 : vector<16xi32> to vector<16xi32>
    tpu.vector_store %arg4[%swap3A_1126], %swap3A_1129 {strides = array<i32>} : memref<2048xi32, #tpu.memory_space<vmem>>, vector<16xi32>,
    %add3A_1130 = arith.constant 2048 : i32
    %add3A_1131 = arith.addi %add3A, %add3A_1130 : i32
    %sub3A_1132 = arith.constant 1808 : i32
    %sub3A_1133 = arith.subi %add3A_1131, %sub3A_1132 : i32
    %broadcast_in_dim3A_1134 = vector.broadcast %sub3A_1133 : i32 to vector<16xi32>
    %sub3A_1135 = arith.subi %broadcast_in_dim3A_1134, %iota3A : vector<16xi32>
    %swap3A_1136 = arith.constant 1808 : index
    %swap3A_1137 = tpu.vector_load %arg4[%swap3A_1136] {strides = array<i32>} : memref<2048xi32, #tpu.memory_space<vmem>>, vector<16xi32>,
    %swap3A_1138 = vector.shape_cast %swap3A_1137 : vector<16xi32> to vector<16xi32>
    %swap3A_1139 = vector.shape_cast %sub3A_1135 : vector<16xi32> to vector<16xi32>
    tpu.vector_store %arg4[%swap3A_1136], %swap3A_1139 {strides = array<i32>} : memref<2048xi32, #tpu.memory_space<vmem>>, vector<16xi32>,
    %add3A_1140 = arith.constant 2048 : i32
    %add3A_1141 = arith.addi %add3A, %add3A_1140 : i32
    %sub3A_1142 = arith.constant 1824 : i32
    %sub3A_1143 = arith.subi %add3A_1141, %sub3A_1142 : i32
    %broadcast_in_dim3A_1144 = vector.broadcast %sub3A_1143 : i32 to vector<16xi32>
    %sub3A_1145 = arith.subi %broadcast_in_dim3A_1144, %iota3A : vector<16xi32>
    %swap3A_1146 = arith.constant 1824 : index
    %swap3A_1147 = tpu.vector_load %arg4[%swap3A_1146] {strides = array<i32>} : memref<2048xi32, #tpu.memory_space<vmem>>, vector<16xi32>,
    %swap3A_1148 = vector.shape_cast %swap3A_1147 : vector<16xi32> to vector<16xi32>
    %swap3A_1149 = vector.shape_cast %sub3A_1145 : vector<16xi32> to vector<16xi32>
    tpu.vector_store %arg4[%swap3A_1146], %swap3A_1149 {strides = array<i32>} : memref<2048xi32, #tpu.memory_space<vmem>>, vector<16xi32>,
    %add3A_1150 = arith.constant 2048 : i32
    %add3A_1151 = arith.addi %add3A, %add3A_1150 : i32
    %sub3A_1152 = arith.constant 1840 : i32
    %sub3A_1153 = arith.subi %add3A_1151, %sub3A_1152 : i32
    %broadcast_in_dim3A_1154 = vector.broadcast %sub3A_1153 : i32 to vector<16xi32>
    %sub3A_1155 = arith.subi %broadcast_in_dim3A_1154, %iota3A : vector<16xi32>
    %swap3A_1156 = arith.constant 1840 : index
    %swap3A_1157 = tpu.vector_load %arg4[%swap3A_1156] {strides = array<i32>} : memref<2048xi32, #tpu.memory_space<vmem>>, vector<16xi32>,
    %swap3A_1158 = vector.shape_cast %swap3A_1157 : vector<16xi32> to vector<16xi32>
    %swap3A_1159 = vector.shape_cast %sub3A_1155 : vector<16xi32> to vector<16xi32>
    tpu.vector_store %arg4[%swap3A_1156], %swap3A_1159 {strides = array<i32>} : memref<2048xi32, #tpu.memory_space<vmem>>, vector<16xi32>,
    %add3A_1160 = arith.constant 2048 : i32
    %add3A_1161 = arith.addi %add3A, %add3A_1160 : i32
    %sub3A_1162 = arith.constant 1856 : i32
    %sub3A_1163 = arith.subi %add3A_1161, %sub3A_1162 : i32
    %broadcast_in_dim3A_1164 = vector.broadcast %sub3A_1163 : i32 to vector<16xi32>
    %sub3A_1165 = arith.subi %broadcast_in_dim3A_1164, %iota3A : vector<16xi32>
    %swap3A_1166 = arith.constant 1856 : index
    %swap3A_1167 = tpu.vector_load %arg4[%swap3A_1166] {strides = array<i32>} : memref<2048xi32, #tpu.memory_space<vmem>>, vector<16xi32>,
    %swap3A_1168 = vector.shape_cast %swap3A_1167 : vector<16xi32> to vector<16xi32>
    %swap3A_1169 = vector.shape_cast %sub3A_1165 : vector<16xi32> to vector<16xi32>
    tpu.vector_store %arg4[%swap3A_1166], %swap3A_1169 {strides = array<i32>} : memref<2048xi32, #tpu.memory_space<vmem>>, vector<16xi32>,
    %add3A_1170 = arith.constant 2048 : i32
    %add3A_1171 = arith.addi %add3A, %add3A_1170 : i32
    %sub3A_1172 = arith.constant 1872 : i32
    %sub3A_1173 = arith.subi %add3A_1171, %sub3A_1172 : i32
    %broadcast_in_dim3A_1174 = vector.broadcast %sub3A_1173 : i32 to vector<16xi32>
    %sub3A_1175 = arith.subi %broadcast_in_dim3A_1174, %iota3A : vector<16xi32>
    %swap3A_1176 = arith.constant 1872 : index
    %swap3A_1177 = tpu.vector_load %arg4[%swap3A_1176] {strides = array<i32>} : memref<2048xi32, #tpu.memory_space<vmem>>, vector<16xi32>,
    %swap3A_1178 = vector.shape_cast %swap3A_1177 : vector<16xi32> to vector<16xi32>
    %swap3A_1179 = vector.shape_cast %sub3A_1175 : vector<16xi32> to vector<16xi32>
    tpu.vector_store %arg4[%swap3A_1176], %swap3A_1179 {strides = array<i32>} : memref<2048xi32, #tpu.memory_space<vmem>>, vector<16xi32>,
    %add3A_1180 = arith.constant 2048 : i32
    %add3A_1181 = arith.addi %add3A, %add3A_1180 : i32
    %sub3A_1182 = arith.constant 1888 : i32
    %sub3A_1183 = arith.subi %add3A_1181, %sub3A_1182 : i32
    %broadcast_in_dim3A_1184 = vector.broadcast %sub3A_1183 : i32 to vector<16xi32>
    %sub3A_1185 = arith.subi %broadcast_in_dim3A_1184, %iota3A : vector<16xi32>
    %swap3A_1186 = arith.constant 1888 : index
    %swap3A_1187 = tpu.vector_load %arg4[%swap3A_1186] {strides = array<i32>} : memref<2048xi32, #tpu.memory_space<vmem>>, vector<16xi32>,
    %swap3A_1188 = vector.shape_cast %swap3A_1187 : vector<16xi32> to vector<16xi32>
    %swap3A_1189 = vector.shape_cast %sub3A_1185 : vector<16xi32> to vector<16xi32>
    tpu.vector_store %arg4[%swap3A_1186], %swap3A_1189 {strides = array<i32>} : memref<2048xi32, #tpu.memory_space<vmem>>, vector<16xi32>,
    %add3A_1190 = arith.constant 2048 : i32
    %add3A_1191 = arith.addi %add3A, %add3A_1190 : i32
    %sub3A_1192 = arith.constant 1904 : i32
    %sub3A_1193 = arith.subi %add3A_1191, %sub3A_1192 : i32
    %broadcast_in_dim3A_1194 = vector.broadcast %sub3A_1193 : i32 to vector<16xi32>
    %sub3A_1195 = arith.subi %broadcast_in_dim3A_1194, %iota3A : vector<16xi32>
    %swap3A_1196 = arith.constant 1904 : index
    %swap3A_1197 = tpu.vector_load %arg4[%swap3A_1196] {strides = array<i32>} : memref<2048xi32, #tpu.memory_space<vmem>>, vector<16xi32>,
    %swap3A_1198 = vector.shape_cast %swap3A_1197 : vector<16xi32> to vector<16xi32>
    %swap3A_1199 = vector.shape_cast %sub3A_1195 : vector<16xi32> to vector<16xi32>
    tpu.vector_store %arg4[%swap3A_1196], %swap3A_1199 {strides = array<i32>} : memref<2048xi32, #tpu.memory_space<vmem>>, vector<16xi32>,
    %add3A_1200 = arith.constant 2048 : i32
    %add3A_1201 = arith.addi %add3A, %add3A_1200 : i32
    %sub3A_1202 = arith.constant 1920 : i32
    %sub3A_1203 = arith.subi %add3A_1201, %sub3A_1202 : i32
    %broadcast_in_dim3A_1204 = vector.broadcast %sub3A_1203 : i32 to vector<16xi32>
    %sub3A_1205 = arith.subi %broadcast_in_dim3A_1204, %iota3A : vector<16xi32>
    %swap3A_1206 = arith.constant 1920 : index
    %swap3A_1207 = tpu.vector_load %arg4[%swap3A_1206] {strides = array<i32>} : memref<2048xi32, #tpu.memory_space<vmem>>, vector<16xi32>,
    %swap3A_1208 = vector.shape_cast %swap3A_1207 : vector<16xi32> to vector<16xi32>
    %swap3A_1209 = vector.shape_cast %sub3A_1205 : vector<16xi32> to vector<16xi32>
    tpu.vector_store %arg4[%swap3A_1206], %swap3A_1209 {strides = array<i32>} : memref<2048xi32, #tpu.memory_space<vmem>>, vector<16xi32>,
    %add3A_1210 = arith.constant 2048 : i32
    %add3A_1211 = arith.addi %add3A, %add3A_1210 : i32
    %sub3A_1212 = arith.constant 1936 : i32
    %sub3A_1213 = arith.subi %add3A_1211, %sub3A_1212 : i32
    %broadcast_in_dim3A_1214 = vector.broadcast %sub3A_1213 : i32 to vector<16xi32>
    %sub3A_1215 = arith.subi %broadcast_in_dim3A_1214, %iota3A : vector<16xi32>
    %swap3A_1216 = arith.constant 1936 : index
    %swap3A_1217 = tpu.vector_load %arg4[%swap3A_1216] {strides = array<i32>} : memref<2048xi32, #tpu.memory_space<vmem>>, vector<16xi32>,
    %swap3A_1218 = vector.shape_cast %swap3A_1217 : vector<16xi32> to vector<16xi32>
    %swap3A_1219 = vector.shape_cast %sub3A_1215 : vector<16xi32> to vector<16xi32>
    tpu.vector_store %arg4[%swap3A_1216], %swap3A_1219 {strides = array<i32>} : memref<2048xi32, #tpu.memory_space<vmem>>, vector<16xi32>,
    %add3A_1220 = arith.constant 2048 : i32
    %add3A_1221 = arith.addi %add3A, %add3A_1220 : i32
    %sub3A_1222 = arith.constant 1952 : i32
    %sub3A_1223 = arith.subi %add3A_1221, %sub3A_1222 : i32
    %broadcast_in_dim3A_1224 = vector.broadcast %sub3A_1223 : i32 to vector<16xi32>
    %sub3A_1225 = arith.subi %broadcast_in_dim3A_1224, %iota3A : vector<16xi32>
    %swap3A_1226 = arith.constant 1952 : index
    %swap3A_1227 = tpu.vector_load %arg4[%swap3A_1226] {strides = array<i32>} : memref<2048xi32, #tpu.memory_space<vmem>>, vector<16xi32>,
    %swap3A_1228 = vector.shape_cast %swap3A_1227 : vector<16xi32> to vector<16xi32>
    %swap3A_1229 = vector.shape_cast %sub3A_1225 : vector<16xi32> to vector<16xi32>
    tpu.vector_store %arg4[%swap3A_1226], %swap3A_1229 {strides = array<i32>} : memref<2048xi32, #tpu.memory_space<vmem>>, vector<16xi32>,
    %add3A_1230 = arith.constant 2048 : i32
    %add3A_1231 = arith.addi %add3A, %add3A_1230 : i32
    %sub3A_1232 = arith.constant 1968 : i32
    %sub3A_1233 = arith.subi %add3A_1231, %sub3A_1232 : i32
    %broadcast_in_dim3A_1234 = vector.broadcast %sub3A_1233 : i32 to vector<16xi32>
    %sub3A_1235 = arith.subi %broadcast_in_dim3A_1234, %iota3A : vector<16xi32>
    %swap3A_1236 = arith.constant 1968 : index
    %swap3A_1237 = tpu.vector_load %arg4[%swap3A_1236] {strides = array<i32>} : memref<2048xi32, #tpu.memory_space<vmem>>, vector<16xi32>,
    %swap3A_1238 = vector.shape_cast %swap3A_1237 : vector<16xi32> to vector<16xi32>
    %swap3A_1239 = vector.shape_cast %sub3A_1235 : vector<16xi32> to vector<16xi32>
    tpu.vector_store %arg4[%swap3A_1236], %swap3A_1239 {strides = array<i32>} : memref<2048xi32, #tpu.memory_space<vmem>>, vector<16xi32>,
    %add3A_1240 = arith.constant 2048 : i32
    %add3A_1241 = arith.addi %add3A, %add3A_1240 : i32
    %sub3A_1242 = arith.constant 1984 : i32
    %sub3A_1243 = arith.subi %add3A_1241, %sub3A_1242 : i32
    %broadcast_in_dim3A_1244 = vector.broadcast %sub3A_1243 : i32 to vector<16xi32>
    %sub3A_1245 = arith.subi %broadcast_in_dim3A_1244, %iota3A : vector<16xi32>
    %swap3A_1246 = arith.constant 1984 : index
    %swap3A_1247 = tpu.vector_load %arg4[%swap3A_1246] {strides = array<i32>} : memref<2048xi32, #tpu.memory_space<vmem>>, vector<16xi32>,
    %swap3A_1248 = vector.shape_cast %swap3A_1247 : vector<16xi32> to vector<16xi32>
    %swap3A_1249 = vector.shape_cast %sub3A_1245 : vector<16xi32> to vector<16xi32>
    tpu.vector_store %arg4[%swap3A_1246], %swap3A_1249 {strides = array<i32>} : memref<2048xi32, #tpu.memory_space<vmem>>, vector<16xi32>,
    %add3A_1250 = arith.constant 2048 : i32
    %add3A_1251 = arith.addi %add3A, %add3A_1250 : i32
    %sub3A_1252 = arith.constant 2000 : i32
    %sub3A_1253 = arith.subi %add3A_1251, %sub3A_1252 : i32
    %broadcast_in_dim3A_1254 = vector.broadcast %sub3A_1253 : i32 to vector<16xi32>
    %sub3A_1255 = arith.subi %broadcast_in_dim3A_1254, %iota3A : vector<16xi32>
    %swap3A_1256 = arith.constant 2000 : index
    %swap3A_1257 = tpu.vector_load %arg4[%swap3A_1256] {strides = array<i32>} : memref<2048xi32, #tpu.memory_space<vmem>>, vector<16xi32>,
    %swap3A_1258 = vector.shape_cast %swap3A_1257 : vector<16xi32> to vector<16xi32>
    %swap3A_1259 = vector.shape_cast %sub3A_1255 : vector<16xi32> to vector<16xi32>
    tpu.vector_store %arg4[%swap3A_1256], %swap3A_1259 {strides = array<i32>} : memref<2048xi32, #tpu.memory_space<vmem>>, vector<16xi32>,
    %add3A_1260 = arith.constant 2048 : i32
    %add3A_1261 = arith.addi %add3A, %add3A_1260 : i32
    %sub3A_1262 = arith.constant 2016 : i32
    %sub3A_1263 = arith.subi %add3A_1261, %sub3A_1262 : i32
    %broadcast_in_dim3A_1264 = vector.broadcast %sub3A_1263 : i32 to vector<16xi32>
    %sub3A_1265 = arith.subi %broadcast_in_dim3A_1264, %iota3A : vector<16xi32>
    %swap3A_1266 = arith.constant 2016 : index
    %swap3A_1267 = tpu.vector_load %arg4[%swap3A_1266] {strides = array<i32>} : memref<2048xi32, #tpu.memory_space<vmem>>, vector<16xi32>,
    %swap3A_1268 = vector.shape_cast %swap3A_1267 : vector<16xi32> to vector<16xi32>
    %swap3A_1269 = vector.shape_cast %sub3A_1265 : vector<16xi32> to vector<16xi32>
    tpu.vector_store %arg4[%swap3A_1266], %swap3A_1269 {strides = array<i32>} : memref<2048xi32, #tpu.memory_space<vmem>>, vector<16xi32>,
    %add3A_1270 = arith.constant 2048 : i32
    %add3A_1271 = arith.addi %add3A, %add3A_1270 : i32
    %sub3A_1272 = arith.constant 2032 : i32
    %sub3A_1273 = arith.subi %add3A_1271, %sub3A_1272 : i32
    %broadcast_in_dim3A_1274 = vector.broadcast %sub3A_1273 : i32 to vector<16xi32>
    %sub3A_1275 = arith.subi %broadcast_in_dim3A_1274, %iota3A : vector<16xi32>
    %swap3A_1276 = arith.constant 2032 : index
    %swap3A_1277 = tpu.vector_load %arg4[%swap3A_1276] {strides = array<i32>} : memref<2048xi32, #tpu.memory_space<vmem>>, vector<16xi32>,
    %swap3A_1278 = vector.shape_cast %swap3A_1277 : vector<16xi32> to vector<16xi32>
    %swap3A_1279 = vector.shape_cast %sub3A_1275 : vector<16xi32> to vector<16xi32>
    tpu.vector_store %arg4[%swap3A_1276], %swap3A_1279 {strides = array<i32>} : memref<2048xi32, #tpu.memory_space<vmem>>, vector<16xi32>,
    %dma_start3A = arith.constant 0 : i32
    %dma_start3A_1280 = arith.constant 0 : i32
    %dma_start3A_1281 = tpu.memref_slice %arg5[%dma_start3A, %dma_start3A_1280] : memref<96x1024xf32, #tpu.memory_space<vmem>> -> memref<32x1024xf32, #tpu.memory_space<vmem>>
    %dma_start3A_1282 = arith.constant 0 : i32
    %dma_start3A_1283 = tpu.memref_slice %arg4[%dma_start3A_1282] : memref<2048xi32, #tpu.memory_space<vmem>> -> memref<32xi32, #tpu.memory_space<vmem>>
    %dma_start3A_1284 = arith.constant 0 : i32
    %dma_start3A_1285 = arith.constant 0 : i32
    %dma_start3A_1286 = tpu.memref_slice %arg2[%dma_start3A_1284, %dma_start3A_1285] : memref<4096x1024xf32, #tpu.memory_space<hbm>> -> memref<4096x1024xf32, #tpu.memory_space<hbm>>
    tpu.enqueue_indirect_dma source(%dma_start3A_1286 : memref<4096x1024xf32, #tpu.memory_space<hbm>>) target(%dma_start3A_1281 : memref<32x1024xf32, #tpu.memory_space<vmem>>) offsets(%dma_start3A_1283 : memref<32xi32, #tpu.memory_space<vmem>>) semaphore(%arg6 : memref<!tpu.dma_semaphore, #tpu.memory_space<semaphore_mem>>)
    %dma_start3A_1287 = arith.constant 32 : i32
    %dma_start3A_1288 = arith.constant 0 : i32
    %dma_start3A_1289 = tpu.memref_slice %arg5[%dma_start3A_1287, %dma_start3A_1288] : memref<96x1024xf32, #tpu.memory_space<vmem>> -> memref<32x1024xf32, #tpu.memory_space<vmem>>
    %dma_start3A_1290 = arith.constant 32 : i32
    %dma_start3A_1291 = tpu.memref_slice %arg4[%dma_start3A_1290] : memref<2048xi32, #tpu.memory_space<vmem>> -> memref<32xi32, #tpu.memory_space<vmem>>
    %dma_start3A_1292 = arith.constant 0 : i32
    %dma_start3A_1293 = arith.constant 0 : i32
    %dma_start3A_1294 = tpu.memref_slice %arg2[%dma_start3A_1292, %dma_start3A_1293] : memref<4096x1024xf32, #tpu.memory_space<hbm>> -> memref<4096x1024xf32, #tpu.memory_space<hbm>>
    tpu.enqueue_indirect_dma source(%dma_start3A_1294 : memref<4096x1024xf32, #tpu.memory_space<hbm>>) target(%dma_start3A_1289 : memref<32x1024xf32, #tpu.memory_space<vmem>>) offsets(%dma_start3A_1291 : memref<32xi32, #tpu.memory_space<vmem>>) semaphore(%arg7 : memref<!tpu.dma_semaphore, #tpu.memory_space<semaphore_mem>>)
    %dma_start3A_1295 = arith.constant 64 : i32
    %dma_start3A_1296 = arith.constant 0 : i32
    %dma_start3A_1297 = tpu.memref_slice %arg5[%dma_start3A_1295, %dma_start3A_1296] : memref<96x1024xf32, #tpu.memory_space<vmem>> -> memref<32x1024xf32, #tpu.memory_space<vmem>>
    %dma_start3A_1298 = arith.constant 64 : i32
    %dma_start3A_1299 = tpu.memref_slice %arg4[%dma_start3A_1298] : memref<2048xi32, #tpu.memory_space<vmem>> -> memref<32xi32, #tpu.memory_space<vmem>>
    %dma_start3A_1300 = arith.constant 0 : i32
    %dma_start3A_1301 = arith.constant 0 : i32
    %dma_start3A_1302 = tpu.memref_slice %arg2[%dma_start3A_1300, %dma_start3A_1301] : memref<4096x1024xf32, #tpu.memory_space<hbm>> -> memref<4096x1024xf32, #tpu.memory_space<hbm>>
    tpu.enqueue_indirect_dma source(%dma_start3A_1302 : memref<4096x1024xf32, #tpu.memory_space<hbm>>) target(%dma_start3A_1297 : memref<32x1024xf32, #tpu.memory_space<vmem>>) offsets(%dma_start3A_1299 : memref<32xi32, #tpu.memory_space<vmem>>) semaphore(%arg8 : memref<!tpu.dma_semaphore, #tpu.memory_space<semaphore_mem>>)
    %scan3A = arith.constant 0 : i32
    %scan3A_1303 = arith.constant 0 : i32
    %scan3A_1304 = arith.constant 64 : i32
    %scan3A_1305 = arith.addi %scan3A_1303, %scan3A_1304 : i32
    %scan3A_1306 = arith.constant 1 : i32
    scf.for %scan3A_1343 = %scan3A_1303 to %scan3A_1305 step %scan3A_1306  : i32 {
      %rem3A = arith.constant 3 : i32
      %rem3A_1344 = arith.remsi %scan3A_1343, %rem3A : i32
      %add3A_1345 = arith.constant 3 : i32
      %add3A_1346 = arith.addi %scan3A_1343, %add3A_1345 : i32
      %sub3A_1347 = arith.constant 1 : i32
      %sub3A_1348 = arith.subi %add3A_1346, %sub3A_1347 : i32
      %rem3A_1349 = arith.constant 3 : i32
      %rem3A_1350 = arith.remsi %sub3A_1348, %rem3A_1349 : i32
      %eq3A = arith.constant 0 : i32
      %eq3A_1351 = arith.cmpi eq, %rem3A_1350, %eq3A : i32
      %ge3A = arith.constant 1 : i32
      %ge3A_1352 = arith.cmpi sge, %scan3A_1343, %ge3A : i32
      %le3A = arith.constant 61 : i32
      %le3A_1353 = arith.cmpi sle, %scan3A_1343, %le3A : i32
      %and3A = arith.andi %ge3A_1352, %le3A_1353 : i1
      %and3A_1354 = arith.andi %eq3A_1351, %and3A : i1
      %convert_element_type3A = arith.extui %and3A_1354 : i1 to i32
      %cond3A = arith.constant 0 : i32
      %cond3A_1355 = arith.cmpi ne, %convert_element_type3A, %cond3A : i32
      scf.if %cond3A_1355 {
        %dma_wait3A_1393 = arith.constant 0 : i32
        %dma_wait3A_1394 = arith.constant 0 : i32
        %dma_wait3A_1395 = tpu.memref_slice %arg5[%dma_wait3A_1393, %dma_wait3A_1394] : memref<96x1024xf32, #tpu.memory_space<vmem>> -> memref<32x1024xf32, #tpu.memory_space<vmem>>
        %dma_wait3A_1396 = arith.constant 0 : i32
        %dma_wait3A_1397 = arith.constant 0 : i32
        %dma_wait3A_1398 = tpu.memref_slice %arg3[%dma_wait3A_1396, %dma_wait3A_1397] : memref<65536x1024xf32, #tpu.memory_space<hbm>> -> memref<32x1024xf32, #tpu.memory_space<hbm>>
        %dma_wait3A_1399 = arith.constant 0 : i32
        %dma_wait3A_1400 = arith.constant 0 : i32
        %dma_wait3A_1401 = tpu.memref_slice %arg3[%dma_wait3A_1399, %dma_wait3A_1400] : memref<65536x1024xf32, #tpu.memory_space<hbm>> -> memref<32x1024xf32, #tpu.memory_space<hbm>>
        %dma_wait3A_1402 = arith.constant 0 : i32
        %dma_wait3A_1403 = arith.constant 0 : i32
        %dma_wait3A_1404 = tpu.memref_slice %arg5[%dma_wait3A_1402, %dma_wait3A_1403] : memref<96x1024xf32, #tpu.memory_space<vmem>> -> memref<32x1024xf32, #tpu.memory_space<vmem>>
        tpu.wait_dma2 semaphore(%arg9 : memref<!tpu.dma_semaphore, #tpu.memory_space<semaphore_mem>>) src(%dma_wait3A_1404 : memref<32x1024xf32, #tpu.memory_space<vmem>>) dst(%dma_wait3A_1401 : memref<32x1024xf32, #tpu.memory_space<hbm>>)
        %add3A_1405 = arith.constant 2 : i32
        %add3A_1406 = arith.addi %scan3A_1343, %add3A_1405 : i32
        %mul3A_1407 = arith.constant 32 : i32
        %mul3A_1408 = arith.muli %add3A_1406, %mul3A_1407 : i32
        %dma_start3A_1409 = arith.constant 0 : i32
        %dma_start3A_1410 = arith.constant 0 : i32
        %dma_start3A_1411 = tpu.memref_slice %arg5[%dma_start3A_1409, %dma_start3A_1410] : memref<96x1024xf32, #tpu.memory_space<vmem>> -> memref<32x1024xf32, #tpu.memory_space<vmem>>
        %dma_start3A_1412 = tpu.memref_slice %arg4[%mul3A_1408] : memref<2048xi32, #tpu.memory_space<vmem>> -> memref<32xi32, #tpu.memory_space<vmem>>
        %dma_start3A_1413 = arith.constant 0 : i32
        %dma_start3A_1414 = arith.constant 0 : i32
        %dma_start3A_1415 = tpu.memref_slice %arg2[%dma_start3A_1413, %dma_start3A_1414] : memref<4096x1024xf32, #tpu.memory_space<hbm>> -> memref<4096x1024xf32, #tpu.memory_space<hbm>>
        tpu.enqueue_indirect_dma source(%dma_start3A_1415 : memref<4096x1024xf32, #tpu.memory_space<hbm>>) target(%dma_start3A_1411 : memref<32x1024xf32, #tpu.memory_space<vmem>>) offsets(%dma_start3A_1412 : memref<32xi32, #tpu.memory_space<vmem>>) semaphore(%arg6 : memref<!tpu.dma_semaphore, #tpu.memory_space<semaphore_mem>>)
      } else {
      }
      %eq3A_1356 = arith.constant 0 : i32
      %eq3A_1357 = arith.cmpi eq, %rem3A_1344, %eq3A_1356 : i32
      %convert_element_type3A_1358 = arith.extui %eq3A_1357 : i1 to i32
      %cond3A_1359 = arith.constant 0 : i32
      %cond3A_1360 = arith.cmpi ne, %convert_element_type3A_1358, %cond3A_1359 : i32
      scf.if %cond3A_1360 {
        %dma_wait3A_1393 = arith.constant 0 : i32
        %dma_wait3A_1394 = arith.constant 0 : i32
        %dma_wait3A_1395 = tpu.memref_slice %arg5[%dma_wait3A_1393, %dma_wait3A_1394] : memref<96x1024xf32, #tpu.memory_space<vmem>> -> memref<32x1024xf32, #tpu.memory_space<vmem>>
        %dma_wait3A_1396 = arith.constant 0 : i32
        %dma_wait3A_1397 = arith.constant 0 : i32
        %dma_wait3A_1398 = tpu.memref_slice %arg2[%dma_wait3A_1396, %dma_wait3A_1397] : memref<4096x1024xf32, #tpu.memory_space<hbm>> -> memref<32x1024xf32, #tpu.memory_space<hbm>>
        %dma_wait3A_1399 = arith.constant 0 : i32
        %dma_wait3A_1400 = arith.constant 0 : i32
        %dma_wait3A_1401 = tpu.memref_slice %arg5[%dma_wait3A_1399, %dma_wait3A_1400] : memref<96x1024xf32, #tpu.memory_space<vmem>> -> memref<32x1024xf32, #tpu.memory_space<vmem>>
        %dma_wait3A_1402 = arith.constant 0 : i32
        %dma_wait3A_1403 = arith.constant 0 : i32
        %dma_wait3A_1404 = tpu.memref_slice %arg2[%dma_wait3A_1402, %dma_wait3A_1403] : memref<4096x1024xf32, #tpu.memory_space<hbm>> -> memref<32x1024xf32, #tpu.memory_space<hbm>>
        tpu.wait_dma2 semaphore(%arg6 : memref<!tpu.dma_semaphore, #tpu.memory_space<semaphore_mem>>) src(%dma_wait3A_1404 : memref<32x1024xf32, #tpu.memory_space<hbm>>) dst(%dma_wait3A_1401 : memref<32x1024xf32, #tpu.memory_space<vmem>>)
        %mul3A_1405 = arith.constant 32 : i32
        %mul3A_1406 = arith.muli %scan3A_1343, %mul3A_1405 : i32
        %add3A_1407 = arith.addi %mul3A_2, %mul3A_1406 : i32
        %multiple_of3A = tpu.assume_multiple %add3A_1407, 8 : i32
        %dma_start3A_1408 = arith.constant 0 : i32
        %dma_start3A_1409 = arith.constant 0 : i32
        %dma_start3A_1410 = tpu.memref_slice %arg5[%dma_start3A_1408, %dma_start3A_1409] : memref<96x1024xf32, #tpu.memory_space<vmem>> -> memref<32x1024xf32, #tpu.memory_space<vmem>>
        %dma_start3A_1411 = arith.constant 0 : i32
        %dma_start3A_1412 = tpu.memref_slice %arg3[%multiple_of3A, %dma_start3A_1411] : memref<65536x1024xf32, #tpu.memory_space<hbm>> -> memref<32x1024xf32, #tpu.memory_space<hbm>>
        %dma_start3A_1413 = arith.constant 0 : i32
        %dma_start3A_1414 = tpu.memref_slice %arg3[%multiple_of3A, %dma_start3A_1413] : memref<65536x1024xf32, #tpu.memory_space<hbm>> -> memref<32x1024xf32, #tpu.memory_space<hbm>>
        %dma_start3A_1415 = arith.constant 0 : i32
        %dma_start3A_1416 = arith.constant 0 : i32
        %dma_start3A_1417 = tpu.memref_slice %arg5[%dma_start3A_1415, %dma_start3A_1416] : memref<96x1024xf32, #tpu.memory_space<vmem>> -> memref<32x1024xf32, #tpu.memory_space<vmem>>
        tpu.enqueue_dma source(%dma_start3A_1417 : memref<32x1024xf32, #tpu.memory_space<vmem>>) target(%dma_start3A_1414 : memref<32x1024xf32, #tpu.memory_space<hbm>>) target_semaphore(%arg9 : memref<!tpu.dma_semaphore, #tpu.memory_space<semaphore_mem>>)
      } else {
      }
      %eq3A_1361 = arith.constant 1 : i32
      %eq3A_1362 = arith.cmpi eq, %rem3A_1350, %eq3A_1361 : i32
      %ge3A_1363 = arith.constant 1 : i32
      %ge3A_1364 = arith.cmpi sge, %scan3A_1343, %ge3A_1363 : i32
      %le3A_1365 = arith.constant 61 : i32
      %le3A_1366 = arith.cmpi sle, %scan3A_1343, %le3A_1365 : i32
      %and3A_1367 = arith.andi %ge3A_1364, %le3A_1366 : i1
      %and3A_1368 = arith.andi %eq3A_1362, %and3A_1367 : i1
      %convert_element_type3A_1369 = arith.extui %and3A_1368 : i1 to i32
      %cond3A_1370 = arith.constant 0 : i32
      %cond3A_1371 = arith.cmpi ne, %convert_element_type3A_1369, %cond3A_1370 : i32
      scf.if %cond3A_1371 {
        %dma_wait3A_1393 = arith.constant 0 : i32
        %dma_wait3A_1394 = arith.constant 0 : i32
        %dma_wait3A_1395 = tpu.memref_slice %arg5[%dma_wait3A_1393, %dma_wait3A_1394] : memref<96x1024xf32, #tpu.memory_space<vmem>> -> memref<32x1024xf32, #tpu.memory_space<vmem>>
        %dma_wait3A_1396 = arith.constant 0 : i32
        %dma_wait3A_1397 = arith.constant 0 : i32
        %dma_wait3A_1398 = tpu.memref_slice %arg3[%dma_wait3A_1396, %dma_wait3A_1397] : memref<65536x1024xf32, #tpu.memory_space<hbm>> -> memref<32x1024xf32, #tpu.memory_space<hbm>>
        %dma_wait3A_1399 = arith.constant 0 : i32
        %dma_wait3A_1400 = arith.constant 0 : i32
        %dma_wait3A_1401 = tpu.memref_slice %arg3[%dma_wait3A_1399, %dma_wait3A_1400] : memref<65536x1024xf32, #tpu.memory_space<hbm>> -> memref<32x1024xf32, #tpu.memory_space<hbm>>
        %dma_wait3A_1402 = arith.constant 0 : i32
        %dma_wait3A_1403 = arith.constant 0 : i32
        %dma_wait3A_1404 = tpu.memref_slice %arg5[%dma_wait3A_1402, %dma_wait3A_1403] : memref<96x1024xf32, #tpu.memory_space<vmem>> -> memref<32x1024xf32, #tpu.memory_space<vmem>>
        tpu.wait_dma2 semaphore(%arg10 : memref<!tpu.dma_semaphore, #tpu.memory_space<semaphore_mem>>) src(%dma_wait3A_1404 : memref<32x1024xf32, #tpu.memory_space<vmem>>) dst(%dma_wait3A_1401 : memref<32x1024xf32, #tpu.memory_space<hbm>>)
        %add3A_1405 = arith.constant 2 : i32
        %add3A_1406 = arith.addi %scan3A_1343, %add3A_1405 : i32
        %mul3A_1407 = arith.constant 32 : i32
        %mul3A_1408 = arith.muli %add3A_1406, %mul3A_1407 : i32
        %dma_start3A_1409 = arith.constant 32 : i32
        %dma_start3A_1410 = arith.constant 0 : i32
        %dma_start3A_1411 = tpu.memref_slice %arg5[%dma_start3A_1409, %dma_start3A_1410] : memref<96x1024xf32, #tpu.memory_space<vmem>> -> memref<32x1024xf32, #tpu.memory_space<vmem>>
        %dma_start3A_1412 = tpu.memref_slice %arg4[%mul3A_1408] : memref<2048xi32, #tpu.memory_space<vmem>> -> memref<32xi32, #tpu.memory_space<vmem>>
        %dma_start3A_1413 = arith.constant 0 : i32
        %dma_start3A_1414 = arith.constant 0 : i32
        %dma_start3A_1415 = tpu.memref_slice %arg2[%dma_start3A_1413, %dma_start3A_1414] : memref<4096x1024xf32, #tpu.memory_space<hbm>> -> memref<4096x1024xf32, #tpu.memory_space<hbm>>
        tpu.enqueue_indirect_dma source(%dma_start3A_1415 : memref<4096x1024xf32, #tpu.memory_space<hbm>>) target(%dma_start3A_1411 : memref<32x1024xf32, #tpu.memory_space<vmem>>) offsets(%dma_start3A_1412 : memref<32xi32, #tpu.memory_space<vmem>>) semaphore(%arg7 : memref<!tpu.dma_semaphore, #tpu.memory_space<semaphore_mem>>)
      } else {
      }
      %eq3A_1372 = arith.constant 1 : i32
      %eq3A_1373 = arith.cmpi eq, %rem3A_1344, %eq3A_1372 : i32
      %convert_element_type3A_1374 = arith.extui %eq3A_1373 : i1 to i32
      %cond3A_1375 = arith.constant 0 : i32
      %cond3A_1376 = arith.cmpi ne, %convert_element_type3A_1374, %cond3A_1375 : i32
      scf.if %cond3A_1376 {
        %dma_wait3A_1393 = arith.constant 0 : i32
        %dma_wait3A_1394 = arith.constant 0 : i32
        %dma_wait3A_1395 = tpu.memref_slice %arg5[%dma_wait3A_1393, %dma_wait3A_1394] : memref<96x1024xf32, #tpu.memory_space<vmem>> -> memref<32x1024xf32, #tpu.memory_space<vmem>>
        %dma_wait3A_1396 = arith.constant 0 : i32
        %dma_wait3A_1397 = arith.constant 0 : i32
        %dma_wait3A_1398 = tpu.memref_slice %arg2[%dma_wait3A_1396, %dma_wait3A_1397] : memref<4096x1024xf32, #tpu.memory_space<hbm>> -> memref<32x1024xf32, #tpu.memory_space<hbm>>
        %dma_wait3A_1399 = arith.constant 0 : i32
        %dma_wait3A_1400 = arith.constant 0 : i32
        %dma_wait3A_1401 = tpu.memref_slice %arg5[%dma_wait3A_1399, %dma_wait3A_1400] : memref<96x1024xf32, #tpu.memory_space<vmem>> -> memref<32x1024xf32, #tpu.memory_space<vmem>>
        %dma_wait3A_1402 = arith.constant 0 : i32
        %dma_wait3A_1403 = arith.constant 0 : i32
        %dma_wait3A_1404 = tpu.memref_slice %arg2[%dma_wait3A_1402, %dma_wait3A_1403] : memref<4096x1024xf32, #tpu.memory_space<hbm>> -> memref<32x1024xf32, #tpu.memory_space<hbm>>
        tpu.wait_dma2 semaphore(%arg7 : memref<!tpu.dma_semaphore, #tpu.memory_space<semaphore_mem>>) src(%dma_wait3A_1404 : memref<32x1024xf32, #tpu.memory_space<hbm>>) dst(%dma_wait3A_1401 : memref<32x1024xf32, #tpu.memory_space<vmem>>)
        %mul3A_1405 = arith.constant 32 : i32
        %mul3A_1406 = arith.muli %scan3A_1343, %mul3A_1405 : i32
        %add3A_1407 = arith.addi %mul3A_2, %mul3A_1406 : i32
        %multiple_of3A = tpu.assume_multiple %add3A_1407, 8 : i32
        %dma_start3A_1408 = arith.constant 32 : i32
        %dma_start3A_1409 = arith.constant 0 : i32
        %dma_start3A_1410 = tpu.memref_slice %arg5[%dma_start3A_1408, %dma_start3A_1409] : memref<96x1024xf32, #tpu.memory_space<vmem>> -> memref<32x1024xf32, #tpu.memory_space<vmem>>
        %dma_start3A_1411 = arith.constant 0 : i32
        %dma_start3A_1412 = tpu.memref_slice %arg3[%multiple_of3A, %dma_start3A_1411] : memref<65536x1024xf32, #tpu.memory_space<hbm>> -> memref<32x1024xf32, #tpu.memory_space<hbm>>
        %dma_start3A_1413 = arith.constant 0 : i32
        %dma_start3A_1414 = tpu.memref_slice %arg3[%multiple_of3A, %dma_start3A_1413] : memref<65536x1024xf32, #tpu.memory_space<hbm>> -> memref<32x1024xf32, #tpu.memory_space<hbm>>
        %dma_start3A_1415 = arith.constant 32 : i32
        %dma_start3A_1416 = arith.constant 0 : i32
        %dma_start3A_1417 = tpu.memref_slice %arg5[%dma_start3A_1415, %dma_start3A_1416] : memref<96x1024xf32, #tpu.memory_space<vmem>> -> memref<32x1024xf32, #tpu.memory_space<vmem>>
        tpu.enqueue_dma source(%dma_start3A_1417 : memref<32x1024xf32, #tpu.memory_space<vmem>>) target(%dma_start3A_1414 : memref<32x1024xf32, #tpu.memory_space<hbm>>) target_semaphore(%arg10 : memref<!tpu.dma_semaphore, #tpu.memory_space<semaphore_mem>>)
      } else {
      }
      %eq3A_1377 = arith.constant 2 : i32
      %eq3A_1378 = arith.cmpi eq, %rem3A_1350, %eq3A_1377 : i32
      %ge3A_1379 = arith.constant 1 : i32
      %ge3A_1380 = arith.cmpi sge, %scan3A_1343, %ge3A_1379 : i32
      %le3A_1381 = arith.constant 61 : i32
      %le3A_1382 = arith.cmpi sle, %scan3A_1343, %le3A_1381 : i32
      %and3A_1383 = arith.andi %ge3A_1380, %le3A_1382 : i1
      %and3A_1384 = arith.andi %eq3A_1378, %and3A_1383 : i1
      %convert_element_type3A_1385 = arith.extui %and3A_1384 : i1 to i32
      %cond3A_1386 = arith.constant 0 : i32
      %cond3A_1387 = arith.cmpi ne, %convert_element_type3A_1385, %cond3A_1386 : i32
      scf.if %cond3A_1387 {
        %dma_wait3A_1393 = arith.constant 0 : i32
        %dma_wait3A_1394 = arith.constant 0 : i32
        %dma_wait3A_1395 = tpu.memref_slice %arg5[%dma_wait3A_1393, %dma_wait3A_1394] : memref<96x1024xf32, #tpu.memory_space<vmem>> -> memref<32x1024xf32, #tpu.memory_space<vmem>>
        %dma_wait3A_1396 = arith.constant 0 : i32
        %dma_wait3A_1397 = arith.constant 0 : i32
        %dma_wait3A_1398 = tpu.memref_slice %arg3[%dma_wait3A_1396, %dma_wait3A_1397] : memref<65536x1024xf32, #tpu.memory_space<hbm>> -> memref<32x1024xf32, #tpu.memory_space<hbm>>
        %dma_wait3A_1399 = arith.constant 0 : i32
        %dma_wait3A_1400 = arith.constant 0 : i32
        %dma_wait3A_1401 = tpu.memref_slice %arg3[%dma_wait3A_1399, %dma_wait3A_1400] : memref<65536x1024xf32, #tpu.memory_space<hbm>> -> memref<32x1024xf32, #tpu.memory_space<hbm>>
        %dma_wait3A_1402 = arith.constant 0 : i32
        %dma_wait3A_1403 = arith.constant 0 : i32
        %dma_wait3A_1404 = tpu.memref_slice %arg5[%dma_wait3A_1402, %dma_wait3A_1403] : memref<96x1024xf32, #tpu.memory_space<vmem>> -> memref<32x1024xf32, #tpu.memory_space<vmem>>
        tpu.wait_dma2 semaphore(%arg11 : memref<!tpu.dma_semaphore, #tpu.memory_space<semaphore_mem>>) src(%dma_wait3A_1404 : memref<32x1024xf32, #tpu.memory_space<vmem>>) dst(%dma_wait3A_1401 : memref<32x1024xf32, #tpu.memory_space<hbm>>)
        %add3A_1405 = arith.constant 2 : i32
        %add3A_1406 = arith.addi %scan3A_1343, %add3A_1405 : i32
        %mul3A_1407 = arith.constant 32 : i32
        %mul3A_1408 = arith.muli %add3A_1406, %mul3A_1407 : i32
        %dma_start3A_1409 = arith.constant 64 : i32
        %dma_start3A_1410 = arith.constant 0 : i32
        %dma_start3A_1411 = tpu.memref_slice %arg5[%dma_start3A_1409, %dma_start3A_1410] : memref<96x1024xf32, #tpu.memory_space<vmem>> -> memref<32x1024xf32, #tpu.memory_space<vmem>>
        %dma_start3A_1412 = tpu.memref_slice %arg4[%mul3A_1408] : memref<2048xi32, #tpu.memory_space<vmem>> -> memref<32xi32, #tpu.memory_space<vmem>>
        %dma_start3A_1413 = arith.constant 0 : i32
        %dma_start3A_1414 = arith.constant 0 : i32
        %dma_start3A_1415 = tpu.memref_slice %arg2[%dma_start3A_1413, %dma_start3A_1414] : memref<4096x1024xf32, #tpu.memory_space<hbm>> -> memref<4096x1024xf32, #tpu.memory_space<hbm>>
        tpu.enqueue_indirect_dma source(%dma_start3A_1415 : memref<4096x1024xf32, #tpu.memory_space<hbm>>) target(%dma_start3A_1411 : memref<32x1024xf32, #tpu.memory_space<vmem>>) offsets(%dma_start3A_1412 : memref<32xi32, #tpu.memory_space<vmem>>) semaphore(%arg8 : memref<!tpu.dma_semaphore, #tpu.memory_space<semaphore_mem>>)
      } else {
      }
      %eq3A_1388 = arith.constant 2 : i32
      %eq3A_1389 = arith.cmpi eq, %rem3A_1344, %eq3A_1388 : i32
      %convert_element_type3A_1390 = arith.extui %eq3A_1389 : i1 to i32
      %cond3A_1391 = arith.constant 0 : i32
      %cond3A_1392 = arith.cmpi ne, %convert_element_type3A_1390, %cond3A_1391 : i32
      scf.if %cond3A_1392 {
        %dma_wait3A_1393 = arith.constant 0 : i32
        %dma_wait3A_1394 = arith.constant 0 : i32
        %dma_wait3A_1395 = tpu.memref_slice %arg5[%dma_wait3A_1393, %dma_wait3A_1394] : memref<96x1024xf32, #tpu.memory_space<vmem>> -> memref<32x1024xf32, #tpu.memory_space<vmem>>
        %dma_wait3A_1396 = arith.constant 0 : i32
        %dma_wait3A_1397 = arith.constant 0 : i32
        %dma_wait3A_1398 = tpu.memref_slice %arg2[%dma_wait3A_1396, %dma_wait3A_1397] : memref<4096x1024xf32, #tpu.memory_space<hbm>> -> memref<32x1024xf32, #tpu.memory_space<hbm>>
        %dma_wait3A_1399 = arith.constant 0 : i32
        %dma_wait3A_1400 = arith.constant 0 : i32
        %dma_wait3A_1401 = tpu.memref_slice %arg5[%dma_wait3A_1399, %dma_wait3A_1400] : memref<96x1024xf32, #tpu.memory_space<vmem>> -> memref<32x1024xf32, #tpu.memory_space<vmem>>
        %dma_wait3A_1402 = arith.constant 0 : i32
        %dma_wait3A_1403 = arith.constant 0 : i32
        %dma_wait3A_1404 = tpu.memref_slice %arg2[%dma_wait3A_1402, %dma_wait3A_1403] : memref<4096x1024xf32, #tpu.memory_space<hbm>> -> memref<32x1024xf32, #tpu.memory_space<hbm>>
        tpu.wait_dma2 semaphore(%arg8 : memref<!tpu.dma_semaphore, #tpu.memory_space<semaphore_mem>>) src(%dma_wait3A_1404 : memref<32x1024xf32, #tpu.memory_space<hbm>>) dst(%dma_wait3A_1401 : memref<32x1024xf32, #tpu.memory_space<vmem>>)
        %mul3A_1405 = arith.constant 32 : i32
        %mul3A_1406 = arith.muli %scan3A_1343, %mul3A_1405 : i32
        %add3A_1407 = arith.addi %mul3A_2, %mul3A_1406 : i32
        %multiple_of3A = tpu.assume_multiple %add3A_1407, 8 : i32
        %dma_start3A_1408 = arith.constant 64 : i32
        %dma_start3A_1409 = arith.constant 0 : i32
        %dma_start3A_1410 = tpu.memref_slice %arg5[%dma_start3A_1408, %dma_start3A_1409] : memref<96x1024xf32, #tpu.memory_space<vmem>> -> memref<32x1024xf32, #tpu.memory_space<vmem>>
        %dma_start3A_1411 = arith.constant 0 : i32
        %dma_start3A_1412 = tpu.memref_slice %arg3[%multiple_of3A, %dma_start3A_1411] : memref<65536x1024xf32, #tpu.memory_space<hbm>> -> memref<32x1024xf32, #tpu.memory_space<hbm>>
        %dma_start3A_1413 = arith.constant 0 : i32
        %dma_start3A_1414 = tpu.memref_slice %arg3[%multiple_of3A, %dma_start3A_1413] : memref<65536x1024xf32, #tpu.memory_space<hbm>> -> memref<32x1024xf32, #tpu.memory_space<hbm>>
        %dma_start3A_1415 = arith.constant 64 : i32
        %dma_start3A_1416 = arith.constant 0 : i32
        %dma_start3A_1417 = tpu.memref_slice %arg5[%dma_start3A_1415, %dma_start3A_1416] : memref<96x1024xf32, #tpu.memory_space<vmem>> -> memref<32x1024xf32, #tpu.memory_space<vmem>>
        tpu.enqueue_dma source(%dma_start3A_1417 : memref<32x1024xf32, #tpu.memory_space<vmem>>) target(%dma_start3A_1414 : memref<32x1024xf32, #tpu.memory_space<hbm>>) target_semaphore(%arg11 : memref<!tpu.dma_semaphore, #tpu.memory_space<semaphore_mem>>)
      } else {
      }
    }
    %scan3A_1307 = arith.constant 64 : i32
    %dma_wait3A = arith.constant 0 : i32
    %dma_wait3A_1308 = arith.constant 0 : i32
    %dma_wait3A_1309 = tpu.memref_slice %arg5[%dma_wait3A, %dma_wait3A_1308] : memref<96x1024xf32, #tpu.memory_space<vmem>> -> memref<32x1024xf32, #tpu.memory_space<vmem>>
    %dma_wait3A_1310 = arith.constant 0 : i32
    %dma_wait3A_1311 = arith.constant 0 : i32
    %dma_wait3A_1312 = tpu.memref_slice %arg3[%dma_wait3A_1310, %dma_wait3A_1311] : memref<65536x1024xf32, #tpu.memory_space<hbm>> -> memref<32x1024xf32, #tpu.memory_space<hbm>>
    %dma_wait3A_1313 = arith.constant 0 : i32
    %dma_wait3A_1314 = arith.constant 0 : i32
    %dma_wait3A_1315 = tpu.memref_slice %arg3[%dma_wait3A_1313, %dma_wait3A_1314] : memref<65536x1024xf32, #tpu.memory_space<hbm>> -> memref<32x1024xf32, #tpu.memory_space<hbm>>
    %dma_wait3A_1316 = arith.constant 0 : i32
    %dma_wait3A_1317 = arith.constant 0 : i32
    %dma_wait3A_1318 = tpu.memref_slice %arg5[%dma_wait3A_1316, %dma_wait3A_1317] : memref<96x1024xf32, #tpu.memory_space<vmem>> -> memref<32x1024xf32, #tpu.memory_space<vmem>>
    tpu.wait_dma2 semaphore(%arg9 : memref<!tpu.dma_semaphore, #tpu.memory_space<semaphore_mem>>) src(%dma_wait3A_1318 : memref<32x1024xf32, #tpu.memory_space<vmem>>) dst(%dma_wait3A_1315 : memref<32x1024xf32, #tpu.memory_space<hbm>>)
    %dma_wait3A_1319 = arith.constant 0 : i32
    %dma_wait3A_1320 = arith.constant 0 : i32
    %dma_wait3A_1321 = tpu.memref_slice %arg5[%dma_wait3A_1319, %dma_wait3A_1320] : memref<96x1024xf32, #tpu.memory_space<vmem>> -> memref<32x1024xf32, #tpu.memory_space<vmem>>
    %dma_wait3A_1322 = arith.constant 0 : i32
    %dma_wait3A_1323 = arith.constant 0 : i32
    %dma_wait3A_1324 = tpu.memref_slice %arg3[%dma_wait3A_1322, %dma_wait3A_1323] : memref<65536x1024xf32, #tpu.memory_space<hbm>> -> memref<32x1024xf32, #tpu.memory_space<hbm>>
    %dma_wait3A_1325 = arith.constant 0 : i32
    %dma_wait3A_1326 = arith.constant 0 : i32
    %dma_wait3A_1327 = tpu.memref_slice %arg3[%dma_wait3A_1325, %dma_wait3A_1326] : memref<65536x1024xf32, #tpu.memory_space<hbm>> -> memref<32x1024xf32, #tpu.memory_space<hbm>>
    %dma_wait3A_1328 = arith.constant 0 : i32
    %dma_wait3A_1329 = arith.constant 0 : i32
    %dma_wait3A_1330 = tpu.memref_slice %arg5[%dma_wait3A_1328, %dma_wait3A_1329] : memref<96x1024xf32, #tpu.memory_space<vmem>> -> memref<32x1024xf32, #tpu.memory_space<vmem>>
    tpu.wait_dma2 semaphore(%arg10 : memref<!tpu.dma_semaphore, #tpu.memory_space<semaphore_mem>>) src(%dma_wait3A_1330 : memref<32x1024xf32, #tpu.memory_space<vmem>>) dst(%dma_wait3A_1327 : memref<32x1024xf32, #tpu.memory_space<hbm>>)
    %dma_wait3A_1331 = arith.constant 0 : i32
    %dma_wait3A_1332 = arith.constant 0 : i32
    %dma_wait3A_1333 = tpu.memref_slice %arg5[%dma_wait3A_1331, %dma_wait3A_1332] : memref<96x1024xf32, #tpu.memory_space<vmem>> -> memref<32x1024xf32, #tpu.memory_space<vmem>>
    %dma_wait3A_1334 = arith.constant 0 : i32
    %dma_wait3A_1335 = arith.constant 0 : i32
    %dma_wait3A_1336 = tpu.memref_slice %arg3[%dma_wait3A_1334, %dma_wait3A_1335] : memref<65536x1024xf32, #tpu.memory_space<hbm>> -> memref<32x1024xf32, #tpu.memory_space<hbm>>
    %dma_wait3A_1337 = arith.constant 0 : i32
    %dma_wait3A_1338 = arith.constant 0 : i32
    %dma_wait3A_1339 = tpu.memref_slice %arg3[%dma_wait3A_1337, %dma_wait3A_1338] : memref<65536x1024xf32, #tpu.memory_space<hbm>> -> memref<32x1024xf32, #tpu.memory_space<hbm>>
    %dma_wait3A_1340 = arith.constant 0 : i32
    %dma_wait3A_1341 = arith.constant 0 : i32
    %dma_wait3A_1342 = tpu.memref_slice %arg5[%dma_wait3A_1340, %dma_wait3A_1341] : memref<96x1024xf32, #tpu.memory_space<vmem>> -> memref<32x1024xf32, #tpu.memory_space<vmem>>
    tpu.wait_dma2 semaphore(%arg11 : memref<!tpu.dma_semaphore, #tpu.memory_space<semaphore_mem>>) src(%dma_wait3A_1342 : memref<32x1024xf32, #tpu.memory_space<vmem>>) dst(%dma_wait3A_1339 : memref<32x1024xf32, #tpu.memory_space<hbm>>)
    return
  }
}

</mosaic_0001>

<sc_bundles>
// kernel: _sc_gather.3.cloned.1.call-start
scs
__scs_entry_jumppad:
0x0: {  	(pc) =	sbr.rel $0x88, $3  }
0x1: {  	(tag) =	ssettag $0x0;
	lr =	simm.s32 $0x1  }
0x2: {  	[smem:$0x3FA0] =	sst lr;
	_ =	strace $0xD0000000  }
0x3: {  	_ = 	snop  }
0x4: {  	_ = 	snop  }
0x5: {  	_ = 	snop  }
0x6: {  	_ = 	snop  }
0x7: {  	_ = 	snop  }
__scs_overlays_trampoline_lowered:
0x8: {  	[smem:$0x3FAF] =	sst s0  }
0x9: {  	[smem:$0x3FB0] =	sst s1  }
0xa: {  	[smem:$0x3FB1] =	sst s2  }
0xb: {  	[smem:$0x3FB2] =	sst s3  }
0xc: {  	[smem:$0x3FB3] =	sst s4  }
0xd: {  	[smem:$0x3FB4] =	sst s5  }
0xe: {  	[smem:$0x3FB5] =	sst s6  }
0xf: {  	[smem:$0x3FB6] =	sst s7  }
0x10: {  	[smem:$0x3FB7] =	sst s8  }
0x11: {  	[smem:$0x3FB8] =	sst s9;
	s0 =	simm.s32 @!p0 $0x0  }
0x12: {  	s1 =	sld [smem:$0x3F9E];
	s0 =	simm.s32 @p0 $0x1  }
0x13: {  	[smem:$0x3FB9] =	sst s0;
	s0 =	simm.s32 @!p1 $0x0  }
0x14: {  	s2 =	sld [smem:$0x3F9D];
	s0 =	simm.s32 @p1 $0x1  }
0x15: {  	[smem:$0x3FBA] =	sst s0;
	s0 =	simm.s32 @!p2 $0x0  }
0x16: {  	s3 =	sld [smem:$0x3FDB];
	s0 =	simm.s32 @p2 $0x1  }
0x17: {  	s4 =	simm.s32 $0x1BF5;
	[smem:$0x3FBC] =	sst s0  }
0x18: {  	s0 =	sld [smem:$0x3F9F];
	_ =	swait.ge [sflag:s4], $0x0  }
0x19: {  	s7 =	sld [smem:$0x3FA0]  }
0x1a: {  	s8 =	sadd.s32 $0xFFFFE003, lr  }
0x1b: {  	s9 =	sadd.s32 $0xFFFFFEF7, lr;
	s5 =	simm.s32 $0xFFFFFFFF;
	p2 =	slt.u32 s8, $0xFFFFF086  }
0x1c: {  	p1 =	slt.u32 s9, $0xF7A;
	s5 =	simm.s32 @!p2 $0x0  }
0x1d: {  	s5 =	simm.s32 @p1 $0x1;
	p0 =	seq.s32 s7, s2  }
0x1e: {  	s7 =	smul.u32 @!p0 $0xF7A, s2;
	p2 =	seq.s32 @!p0 s5, $0x0  }
0x1f: {  	s9 =	smul.u32 $0xF7A, s1;
	s8 =	simm.s32 @!p0 $0x1BF5;
	p2 =	por !p2, p0  }
0x20: {  	[sflag:s8] =	ssyncset.s32 @!p0 $0xFFFFF086;
	s6 =	sadd.s32 @!p0 s3, s7;
	s7 =	simm.s32 @!p0 $0x108  }
0x21: {  	s3 =	sadd.s32 s3, s9;
	s6 =	sadd.s32 @!p0 $0x88, s6;
	s7 =	simm.s32 @p2 $0x1082  }
0x22: {  	[simem:s7], [sflag:s8] =	dma.local @!p0 [hbm:s6], $0xF7A  }
0x23: {  	s9 =	sor.u32 $0xD0000000, s2;
	s6 =	simm.s32 $0x108;
	_ =	swait.ge @!p0 [sflag:s8], $0x0  }
0x24: {  	s3 =	sadd.s32 $0x88, s3;
	s6 =	simm.s32 @!p1 $0x1082;
	[sflag:s4] =	ssyncset.s32 $0xFFFFF086  }
0x25: {  	[simem:s6], [sflag:s4] =	dma.local [hbm:s3], $0xF7A  }
0x26: {  	[smem:$0x3FA0] =	sst s1;
	(tag) =	ssettag s2;
	_ =	strace s9  }
0x27: {  	s1 =	sld [smem:$0x3FB0]  }
0x28: {  	s2 =	sld [smem:$0x3FB1]  }
0x29: {  	s4 =	sld [smem:$0x3FB3]  }
0x2a: {  	p0 =	seq.s32 s5, $0x0;
	s5 =	sld [smem:$0x3FB4]  }
0x2b: {  	s6 =	sld [smem:$0x3FB5]  }
0x2c: {  	s7 =	sld [smem:$0x3FB6]  }
0x2d: {  	s3 =	simm.s32 $0x108;
	s8 =	sld [smem:$0x3FB7]  }
0x2e: {  	s3 =	simm.s32 @!p0 $0x1082;
	s9 =	sld [smem:$0x3FB8]  }
0x2f: {  	lr =	sadd.s32 s0, s3;
	s0 =	sld [smem:$0x3FAF]  }
0x30: {  	s3 =	sld [smem:$0x3FB2]  }
0x31: {  	[smem:$0x3FBB] =	sst s10  }
0x32: {  	s10 =	sld [smem:$0x3FB9];
	_ =	sdelay $0x3  }
0x33: {  	p0 =	seq.s32 s10, $0x1;
	s10 =	sld [smem:$0x3FBB];
	_ =	sdelay $0x3  }
0x34: {  	[smem:$0x3FBB] =	sst s10  }
0x35: {  	s10 =	sld [smem:$0x3FBA];
	_ =	sdelay $0x3  }
0x36: {  	p1 =	seq.s32 s10, $0x1;
	s10 =	sld [smem:$0x3FBB];
	_ =	sdelay $0x3  }
0x37: {  	[smem:$0x3FBB] =	sst s10  }
0x38: {  	s10 =	sld [smem:$0x3FBC]  }
0x39: {  	_ = 	snop;
	(pc) =	sbr.ind lr, $3  }
0x3a: {  	_ = 	snop  }
0x3b: {  	_ = 	snop  }
0x3c: {  	p2 =	seq.s32 s10, $0x1;
	s10 =	sld [smem:$0x3FBB]  }
0x3d: {  	_ =	shalt  }
0x3e: {  	_ =	shalt  }
0x3f: {  	_ =	shalt  }
0x40: {  	_ =	shalt  }
0x41: {  	_ =	shalt  }
0x42: {  	_ =	shalt  }
0x43: {  	_ =	shalt  }
0x44: {  	_ =	shalt  }
0x45: {  	_ =	shalt  }
0x46: {  	_ =	shalt  }
0x47: {  	_ =	shalt  }
0x48: {  	_ =	shalt  }
0x49: {  	_ =	shalt  }
0x4a: {  	_ =	shalt  }
0x4b: {  	_ =	shalt  }
0x4c: {  	_ =	shalt  }
0x4d: {  	_ =	shalt  }
0x4e: {  	_ =	shalt  }
0x4f: {  	_ =	shalt  }
0x50: {  	_ =	shalt  }
0x51: {  	_ =	shalt  }
0x52: {  	_ =	shalt  }
0x53: {  	_ =	shalt  }
0x54: {  	_ =	shalt  }
0x55: {  	_ =	shalt  }
0x56: {  	_ =	shalt  }
0x57: {  	_ =	shalt  }
0x58: {  	_ =	shalt  }
0x59: {  	_ =	shalt  }
0x5a: {  	_ =	shalt  }
0x5b: {  	_ =	shalt  }
0x5c: {  	_ =	shalt  }
0x5d: {  	_ =	shalt  }
0x5e: {  	_ =	shalt  }
0x5f: {  	_ =	shalt  }
0x60: {  	_ =	shalt  }
0x61: {  	_ =	shalt  }
0x62: {  	_ =	shalt  }
0x63: {  	_ =	shalt  }
0x64: {  	_ =	shalt  }
0x65: {  	_ =	shalt  }
0x66: {  	_ =	shalt  }
0x67: {  	_ =	shalt  }
0x68: {  	_ =	shalt  }
0x69: {  	_ =	shalt  }
0x6a: {  	_ =	shalt  }
0x6b: {  	_ =	shalt  }
0x6c: {  	_ =	shalt  }
0x6d: {  	_ =	shalt  }
0x6e: {  	_ =	shalt  }
0x6f: {  	_ =	shalt  }
0x70: {  	_ =	shalt  }
0x71: {  	_ =	shalt  }
0x72: {  	_ =	shalt  }
0x73: {  	_ =	shalt  }
0x74: {  	_ =	shalt  }
0x75: {  	_ =	shalt  }
0x76: {  	_ =	shalt  }
0x77: {  	_ =	shalt  }
0x78: {  	_ =	shalt  }
0x79: {  	_ =	shalt  }
0x7a: {  	_ =	shalt  }
0x7b: {  	_ =	shalt  }
0x7c: {  	_ =	shalt  }
0x7d: {  	_ =	shalt  }
0x7e: {  	_ =	shalt  }
0x7f: {  	_ =	shalt  }
0x80: {  	_ =	shalt  }
0x81: {  	_ =	shalt  }
0x82: {  	_ =	shalt  }
0x83: {  	_ =	shalt  }
0x84: {  	_ =	shalt  }
0x85: {  	_ =	shalt  }
0x86: {  	_ =	shalt  }
0x87: {  	_ =	shalt  }
.Lfunc_end0:
.L_simem_size_0:
called_computation_lowered:
.L_overlay_start_0:
0x88: {  	s2 =	sld [smem:$0x3FD9]  }
0x89: {  	s3 =	sld [smem:$0x3FFE];
	_ =	sdelay $0x1  }
0x8a: {  	s1 =	srdreg.scid  }
0x8b: {  	s0 =	sand.u32 $0x1, s1  }
0x8c: {  	s18 =	sshll.u32 s0, $0xA;
	s2 =	sadd.s32 s3, s2  }
0x8d: {  	s2 =	sadd.s32 s2, s18  }
0x8e: {  	[smem:$0x3FC7] =	sst s2  }
0x8f: {  	_ = 	snop  }
0x90: {  	s2 =	sld [smem:$0x3FC9]  }
0x91: {  	s19 =	sld [smem:$0x3FD0];
	(tm) =	ssettm $0x1  }
0x92: {  	s4 =	sld [smem:$0x3FFB];
	_ =	sdelay $0x3  }
0x93: {  	_ =	strace s4  }
0x94: {  	s4 =	sld [smem:$0x3FFC];
	_ =	sdelay $0x3  }
0x95: {  	_ =	strace s4  }
0x96: {  	s4 =	sld [smem:$0x3FFD];
	_ =	sdelay $0x3  }
0x97: {  	_ =	strace s4  }
0x98: {  	_ =	strace $0x8FFFFFFF  }
0x99: {  	s20 =	sld [smem:$0x3FDB];
	_ =	sdelay $0x1  }
0x9a: {  	s5 =	simm.s32 $_scs_section_size  }
0x9b: {  	s6 =	simm.s32 $_size__tile_overlayer_lowered;
	s7 =	simm.s32 $_tile_overlayer_lowered  }
0x9c: {  	s23 =	simm.s32 $0x1BFF;
	s22 =	sshll.u32 s7, $0x1;
	s4 =	sadd.s32 s5, s20  }
0x9d: {  	s8 =	simm.s32 $0x0;
	s21 =	sshll.u32 s6, $0x1;
	s6 =	sadd.s32 s22, s4  }
0x9e: {  	[timem:s8], [sflag:s23] =	dma.local [hbm:s6], s21  }
0x9f: {  	_ =	swait.ge [sflag:s23], s21  }
0xa0: {  	s5 =	ssub.s32 $0x0, s21;
	[sflag:s23] =	ssyncset.done $0x0  }
0xa1: {  	[sflag:s23] =	ssyncadd.s32 s5;
	_ =	sdelay $0x1  }
0xa2: {  	s24 =	simm.s32 $0x1B8B  }
0xa3: {  	_ =	swait.ge [sflag:s24], $0x1  }
0xa4: {  	[sflag:s24] =	ssyncset.done $0x0  }
0xa5: {  	s25 =	simm.s32 $0x1B8E;
	[sflag:s24] =	ssyncadd.s32 $0xFFFFFFFF  }
0xa6: {  	s26 =	simm.s32 $execute0_lowered;
	[smem:$0x3FD2] =	sst s25  }
0xa7: {  	s5 =	sshll.u32 s26, $0x1;
	_ =	strace $0x80000046;
	[dreg:$0x1] =	wrdreg $0xFFFFFFFF  }
0xa8: {  	s28 =	simm.s32 $_size_execute0_lowered;
	s4 =	sadd.s32 s4, s5;
	[dreg:$0x0] =	wrdreg $0x0  }
0xa9: {  	s5 =	sshll.u32 s28, $0x1;
	[dreg:$0x2] =	wrdreg s4  }
0xaa: {  	[dreg:$0x3] =	wrdreg s5  }
0xab: {  	[dreg:$0x4] =	wrdreg $0xC0  }
0xac: {  	_ =	task [dreg:s8], $0x5FFFF  }
0xad: {  	[dreg:$0x1] =	wrdreg $0xFFFFFFFF  }
0xae: {  	[dreg:$0x0] =	wrdreg $0x60  }
0xaf: {  	[dreg:$0x2] =	wrdreg s2  }
0xb0: {  	[dreg:$0x3] =	wrdreg s19  }
0xb1: {  	[dreg:$0x4] =	wrdreg $0x9  }
0xb2: {  	_ =	task.clear_ibuf [dreg:s8], $0x5FFFF;
	_ =	strace $0x90000046  }
0xb3: {  	s29 =	simm.s32 $0x9;
	_ =	strace $0x80000048  }
0xb4: {  	_ =	swait.ge [sflag:s29], $0x1  }
0xb5: {  	[sflag:s29] =	ssyncadd.s32 $0xFFFFFFFF  }
0xb6: {  	_ =	strace $0x90000048  }
0xb7: {  	_ =	sfence  }
0xb8: {  	s30 =	sld [smem:$0x0];
	_ =	sdelay $0x2  }
0xb9: {  	s31 =	sshll.u32 s1, $0xD;
	s1 =	sshrl.u32 s1, $0x2  }
0xba: {  	s3 =	sand.u32 $0x4000, s31;
	s1 =	sadd.s32 s1, s30  }
0xbb: {  	s0 =	sor.u32 s3, s0;
	s1 =	sshll.u32 s1, $0x11  }
0xbc: {  	s0 =	sor.u32 s1, s0  }
0xbd: {  	s0 =	sadd.s32 $0x8F2B, s0  }
0xbe: {  	[sflag:s0] =	ssyncadd.remote.s32 $0x1  }
0xbf: {  	_ =	sfence.sel $0xFFFF  }
0xc0: {  	[dreg:$0x0] =	wrdreg $0xFFFFFFFF;
	(pc) =	sbr.abs _section_cstart, $3  }
0xc1: {  	[dreg:$0x1] =	wrdreg $0xFFFFFFFF  }
0xc2: {  	_ =	task.clear_ibuf [dreg:s8], $0x2FFFF;
	_ =	strace $0x9FFFFFFF  }
0xc3: {  	(tm) =	ssettm $0x7FFFFFFF  }
tec
execute0_lowered:
.L_overlay_start_1:
0x0: {  	(tag) =	ssettag $0x1  }
0x1: {  	s1 =	rddreg [dreg:$0x0]  }
0x2: {  	s0 =	srdreg.scid;
	s19 =	stileid.u32  }
0x3: {  	s15 =	rddreg [dreg:$0x1];
	s17 =	sand.u32 $0x1, s0;
	s2 =	sshll.u32 s19, $0x1  }
0x4: {  	s3 =	simm.s32 $0x0;
	s0 =	ssub.s32 $0x2, s17;
	s2 =	sor.u32 s17, s2  }
0x5: {  	[smem:$0x7FF] =	sst s3;
	s4 =	sshrl.u32 s0, $0x1;
	s31 =	sor.u32 $0x660, s2  }
0x6: {  	_ =	strace $0x80000047;
	s0 =	ssub.s32 s0, s4;
	[smem:$0x7D6] =	sst s31  }
0x7: {  	v0 =	vlaneseq.u32;
	s31 =	sadd.s32 $0x650, s2;
	[dreg:$0x3] =	wrdreg s0  }
0x8: {  	v2 =	vmul.u32 $0xFFFFFFFF, v0;
	[smem:$0x7D7] =	sst s31;
	s31 =	sor.u32 $0x640, s2  }
0x9: {  	s0 =	sor.u32 $0x800, s2;
	[smem:$0x7D8] =	sst s31;
	s31 =	sadd.s32 $0x630, s2  }
0xa: {  	s4 =	sadd.s32 $0x7F0, s2;
	v1 =	vadd.s32 s0, v2;
	[smem:$0x7D9] =	sst s31;
	s31 =	sor.u32 $0x620, s2  }
0xb: {  	[tilespmem:$0x1FBA0] =	vst v1;
	v1 =	vadd.s32 s4, v2;
	s4 =	sadd.s32 $0x490, s2;
	[smem:$0x7DA] =	sst s31  }
0xc: {  	s6 =	sor.u32 $0x7E0, s2;
	s31 =	sadd.s32 $0x610, s2;
	[smem:$0x7F2] =	sst s4  }
0xd: {  	s7 =	sadd.s32 $0x7D0, s2;
	[tilespmem:$0x1FBB0] =	vst v1;
	v1 =	vadd.s32 s6, v2;
	[smem:$0x7DB] =	sst s31;
	s31 =	sor.u32 $0x600, s2  }
0xe: {  	[tilespmem:$0x1FBC0] =	vst v1;
	v1 =	vadd.s32 s7, v2;
	s7 =	sor.u32 $0x460, s2;
	[smem:$0x7DC] =	sst s31  }
0xf: {  	s5 =	sor.u32 $0x7C0, s2;
	s31 =	sadd.s32 $0x5F0, s2;
	[smem:$0x7F3] =	sst s7  }
0x10: {  	s9 =	sadd.s32 $0x7B0, s2;
	[tilespmem:$0x1FBD0] =	vst v1;
	v1 =	vadd.s32 s5, v2;
	[smem:$0x7DD] =	sst s31;
	s31 =	sor.u32 $0x5E0, s2  }
0x11: {  	s10 =	sor.u32 $0x7A0, s2;
	[tilespmem:$0x1FBE0] =	vst v1;
	v1 =	vadd.s32 s9, v2;
	[smem:$0x7DE] =	sst s31;
	s31 =	sadd.s32 $0x5D0, s2  }
0x12: {  	[tilespmem:$0x1FBF0] =	vst v1;
	v1 =	vadd.s32 s10, v2;
	s10 =	sadd.s32 $0x430, s2;
	[smem:$0x7DF] =	sst s31  }
0x13: {  	s8 =	sadd.s32 $0x790, s2;
	s31 =	sor.u32 $0x5C0, s2;
	[smem:$0x7F4] =	sst s10  }
0x14: {  	s12 =	sor.u32 $0x780, s2;
	[tilespmem:$0x1FC00] =	vst v1;
	v1 =	vadd.s32 s8, v2;
	[smem:$0x7E0] =	sst s31;
	s31 =	sadd.s32 $0x5B0, s2  }
0x15: {  	s13 =	sadd.s32 $0x770, s2;
	[tilespmem:$0x1FC10] =	vst v1;
	v1 =	vadd.s32 s12, v2;
	[smem:$0x7E1] =	sst s31;
	s31 =	sor.u32 $0x5A0, s2  }
0x16: {  	[tilespmem:$0x1FC20] =	vst v1;
	v1 =	vadd.s32 s13, v2;
	s13 =	sor.u32 $0x400, s2;
	[smem:$0x7E2] =	sst s31  }
0x17: {  	s11 =	sor.u32 $0x760, s2;
	s31 =	sadd.s32 $0x590, s2;
	[smem:$0x7F5] =	sst s13  }
0x18: {  	s16 =	sadd.s32 $0x750, s2;
	[tilespmem:$0x1FC30] =	vst v1;
	v1 =	vadd.s32 s11, v2;
	[smem:$0x7E3] =	sst s31;
	s31 =	sor.u32 $0x580, s2  }
0x19: {  	[tilespmem:$0x1FC40] =	vst v1;
	v1 =	vadd.s32 s16, v2;
	s16 =	sadd.s32 $0x370, s2;
	[smem:$0x7E4] =	sst s31  }
0x1a: {  	s18 =	sor.u32 $0x740, s2;
	s31 =	sadd.s32 $0x570, s2;
	[smem:$0x7F8] =	sst s16  }
0x1b: {  	[tilespmem:$0x1FC50] =	vst v1;
	v1 =	vadd.s32 s18, v2;
	s18 =	sadd.s32 $0x3D0, s2;
	[smem:$0x7E5] =	sst s31  }
0x1c: {  	s16 =	sor.u32 $0x2E0, s2;
	[smem:$0x7F6] =	sst s18  }
0x1d: {  	[smem:$0x7FB] =	sst s16  }
0x1e: {  	s31 =	sor.u32 $0x560, s2;
	s16 =	sld [smem:$0x7DD]  }
0x1f: {  	s18 =	sadd.s32 $0x350, s2;
	[smem:$0x7E6] =	sst s31  }
0x20: {  	s14 =	sadd.s32 $0x730, s2;
	[dreg:$0x6] =	wrdreg s18  }
0x21: {  	s22 =	sor.u32 $0x720, s2;
	[tilespmem:$0x1FC60] =	vst v1;
	v1 =	vadd.s32 s14, v2;
	s31 =	sadd.s32 $0x550, s2;
	s18 =	sld [smem:$0x7DA]  }
0x22: {  	[tilespmem:$0x1FC70] =	vst v1;
	v1 =	vadd.s32 s22, v2;
	s22 =	sor.u32 $0x3A0, s2;
	[smem:$0x7E7] =	sst s31  }
0x23: {  	[smem:$0x7F7] =	sst s22  }
0x24: {  	s23 =	sadd.s32 $0x710, s2;
	s31 =	sor.u32 $0x540, s2;
	s22 =	sld [smem:$0x7D7]  }
0x25: {  	[tilespmem:$0x1FC80] =	vst v1;
	v1 =	vadd.s32 s23, v2;
	s23 =	sor.u32 $0x380, s2;
	[smem:$0x7E8] =	sst s31  }
0x26: {  	s20 =	sshll.u32 s19, $0x13;
	[dreg:$0x4] =	wrdreg s23  }
0x27: {  	s19 =	sor.u32 $0x700, s2;
	s31 =	sadd.s32 $0x530, s2;
	s23 =	sld [smem:$0x7D8]  }
0x28: {  	[tilespmem:$0x1FC90] =	vst v1;
	v1 =	vadd.s32 s19, v2;
	s19 =	sor.u32 $0x340, s2;
	[smem:$0x7E9] =	sst s31  }
0x29: {  	s21 =	sadd.s32 $0x6F0, s2;
	[smem:$0x7F9] =	sst s19  }
0x2a: {  	s15 =	sadd.s32 s20, s15;
	[tilespmem:$0x1FCA0] =	vst v1;
	v1 =	vadd.s32 s21, v2;
	s21 =	sld [smem:$0x7D6]  }
0x2b: {  	s17 =	sshll.u32 s17, $0x12;
	s13 =	sadd.s32 $0x390, s2;
	s19 =	sld [smem:$0x7DB]  }
0x2c: {  	s15 =	sadd.s32 s17, s15;
	v9 =	vadd.s32 s13, v2;
	s31 =	sor.u32 $0x520, s2;
	s13 =	rddreg [dreg:$0x4]  }
0x2d: {  	s17 =	sor.u32 $0x6E0, s2;
	[smem:$0x7EA] =	sst s31;
	s31 =	sadd.s32 $0x510, s2  }
0x2e: {  	[tilespmem:$0x1FCB0] =	vst v1;
	v1 =	vadd.s32 s17, v2;
	s17 =	sor.u32 $0x360, s2;
	[smem:$0x7EB] =	sst s31  }
0x2f: {  	[dreg:$0x5] =	wrdreg s17  }
0x30: {  	s20 =	sadd.s32 $0x6D0, s2;
	s31 =	sor.u32 $0x500, s2;
	s17 =	sld [smem:$0x7D9]  }
0x31: {  	[tilespmem:$0x1FCC0] =	vst v1;
	v1 =	vadd.s32 s20, v2;
	s20 =	sadd.s32 $0x310, s2;
	[smem:$0x7EC] =	sst s31  }
0x32: {  	s31 =	sadd.s32 $0x4F0, s2;
	[smem:$0x7FA] =	sst s20  }
0x33: {  	s20 =	sadd.s32 $0x2B0, s2;
	[smem:$0x7ED] =	sst s31  }
0x34: {  	s25 =	sor.u32 $0x6C0, s2;
	[smem:$0x7FC] =	sst s20  }
0x35: {  	[tilespmem:$0x1FCD0] =	vst v1;
	v1 =	vadd.s32 s25, v2;
	s25 =	sor.u32 $0x320, s2;
	s20 =	sld [smem:$0x7DF]  }
0x36: {  	s26 =	sadd.s32 $0x6B0, s2;
	s31 =	sor.u32 $0x4E0, s2;
	v16 =	vadd.s32 s25, v2;
	s25 =	sld [smem:$0x7FA]  }
0x37: {  	s24 =	sor.u32 $0x6A0, s2;
	[tilespmem:$0x1FCE0] =	vst v1;
	v1 =	vadd.s32 s26, v2;
	[smem:$0x7EE] =	sst s31;
	s31 =	sadd.s32 $0x4D0, s2  }
0x38: {  	[tilespmem:$0x1FCF0] =	vst v1;
	v1 =	vadd.s32 s24, v2;
	s24 =	sadd.s32 $0x330, s2;
	[smem:$0x7EF] =	sst s31  }
0x39: {  	s29 =	sadd.s32 $0x690, s2;
	s31 =	sor.u32 $0x4C0, s2;
	v15 =	vadd.s32 s24, v2;
	s24 =	sld [smem:$0x7FB]  }
0x3a: {  	s30 =	sor.u32 $0x680, s2;
	[tilespmem:$0x1FD00] =	vst v1;
	v1 =	vadd.s32 s29, v2;
	[smem:$0x7F0] =	sst s31  }
0x3b: {  	s28 =	sadd.s32 $0x670, s2;
	s31 =	sadd.s32 $0x4B0, s2;
	[tilespmem:$0x1FD10] =	vst v1;
	v1 =	vadd.s32 s30, v2;
	v17 =	vadd.s32 s25, v2;
	s25 =	sld [smem:$0x7FC]  }
0x3c: {  	[dreg:$0x1f] =	wrdreg s31;
	s31 =	sor.u32 $0x4A0, s2;
	[tilespmem:$0x1FD20] =	vst v1;
	v1 =	vadd.s32 s28, v2  }
0x3d: {  	[smem:$0x7F1] =	sst s31;
	[tilespmem:$0x1FD30] =	vst v1;
	v1 =	vadd.s32 s21, v2;
	s21 =	sor.u32 $0x2A0, s2  }
0x3e: {  	[dreg:$0x7] =	wrdreg s21  }
0x3f: {  	[tilespmem:$0x1FD40] =	vst v1;
	v1 =	vadd.s32 s22, v2;
	s22 =	sadd.s32 $0x290, s2;
	s21 =	sld [smem:$0x7E0]  }
0x40: {  	[dreg:$0x8] =	wrdreg s22  }
0x41: {  	[tilespmem:$0x1FD50] =	vst v1;
	v1 =	vadd.s32 s23, v2;
	s23 =	sld [smem:$0x7DC]  }
0x42: {  	s26 =	sor.u32 $0x300, s2;
	s22 =	sld [smem:$0x7E1]  }
0x43: {  	v18 =	vadd.s32 s26, v2;
	s26 =	rddreg [dreg:$0x7]  }
0x44: {  	[tilespmem:$0x1FD60] =	vst v1;
	v1 =	vadd.s32 s17, v2;
	s17 =	sld [smem:$0x7DE]  }
0x45: {  	v20 =	vadd.s32 s24, v2;
	s24 =	rddreg [dreg:$0x8];
	[tilespmem:$0x1FD70] =	vst v1;
	v1 =	vadd.s32 s18, v2;
	s18 =	sadd.s32 $0x270, s2  }
0x46: {  	[tilespmem:$0x1FD80] =	vst v1;
	v1 =	vadd.s32 s19, v2;
	[dreg:$0x9] =	wrdreg s18;
	s19 =	sor.u32 $0x260, s2  }
0x47: {  	s18 =	sadd.s32 $0x230, s2;
	[dreg:$0xa] =	wrdreg s19  }
0x48: {  	[dreg:$0xc] =	wrdreg s18  }
0x49: {  	s19 =	sld [smem:$0x7E2]  }
0x4a: {  	v23 =	vadd.s32 s25, v2;
	[tilespmem:$0x1FD90] =	vst v1;
	v1 =	vadd.s32 s23, v2;
	s23 =	sor.u32 $0x240, s2;
	s25 =	rddreg [dreg:$0x9]  }
0x4b: {  	[dreg:$0xb] =	wrdreg s23  }
0x4c: {  	v24 =	vadd.s32 s26, v2;
	s23 =	sor.u32 $0x200, s2;
	s26 =	rddreg [dreg:$0xa]  }
0x4d: {  	s14 =	sor.u32 $0x280, s2;
	[dreg:$0xe] =	wrdreg s23  }
0x4e: {  	v26 =	vadd.s32 s14, v2;
	[tilespmem:$0x1FDA0] =	vst v1;
	v1 =	vadd.s32 s16, v2;
	s16 =	sadd.s32 $0x250, s2;
	s14 =	rddreg [dreg:$0xb]  }
0x4f: {  	[tilespmem:$0x1FDB0] =	vst v1;
	v1 =	vadd.s32 s17, v2;
	v29 =	vadd.s32 s16, v2;
	s16 =	rddreg [dreg:$0xc]  }
0x50: {  	s23 =	sadd.s32 $0x1D0, s2;
	[tilespmem:$0x1FDC0] =	vst v1;
	v1 =	vadd.s32 s20, v2;
	s20 =	sld [smem:$0x7E3]  }
0x51: {  	[dreg:$0x10] =	wrdreg s23  }
0x52: {  	v27 =	vadd.s32 s25, v2;
	s25 =	rddreg [dreg:$0xe]  }
0x53: {  	s23 =	sadd.s32 $0x1B0, s2;
	[tilespmem:$0x1FDD0] =	vst v1;
	v1 =	vadd.s32 s21, v2;
	s21 =	sld [smem:$0x7E4]  }
0x54: {  	[dreg:$0x11] =	wrdreg s23;
	[tilespmem:$0x1FDE0] =	vst v1;
	v1 =	vadd.s32 s22, v2;
	s22 =	sadd.s32 $0x210, s2  }
0x55: {  	[dreg:$0xd] =	wrdreg s22  }
0x56: {  	[tilespmem:$0x1FDF0] =	vst v1;
	v1 =	vadd.s32 s19, v2;
	s19 =	sld [smem:$0x7E5]  }
0x57: {  	[tilespmem:$0x1FE00] =	vst v1;
	v1 =	vadd.s32 s20, v2;
	s20 =	sld [smem:$0x7E6]  }
0x58: {  	s22 =	sor.u32 $0x1E0, s2;
	[tilespmem:$0x1FE10] =	vst v1;
	v1 =	vadd.s32 s21, v2;
	s21 =	sld [smem:$0x7E7]  }
0x59: {  	[dreg:$0xf] =	wrdreg s22;
	[tilespmem:$0x1FE20] =	vst v1;
	v1 =	vadd.s32 s19, v2  }
0x5a: {  	[tilespmem:$0x1FE30] =	vst v1;
	v1 =	vadd.s32 s20, v2;
	s20 =	sld [smem:$0x7E8]  }
0x5b: {  	[tilespmem:$0x1FE40] =	vst v1;
	v1 =	vadd.s32 s21, v2;
	s21 =	sld [smem:$0x7E9]  }
0x5c: {  	s22 =	sld [smem:$0x7EA]  }
0x5d: {  	s23 =	sld [smem:$0x7EC];
	[tilespmem:$0x1FE50] =	vst v1;
	v1 =	vadd.s32 s20, v2  }
0x5e: {  	v30 =	vadd.s32 s14, v2;
	s14 =	rddreg [dreg:$0x10];
	[tilespmem:$0x1FE60] =	vst v1;
	v1 =	vadd.s32 s21, v2  }
0x5f: {  	[tilespmem:$0x1FE70] =	vst v1;
	v1 =	vadd.s32 s22, v2;
	s22 =	sld [smem:$0x7EB]  }
0x60: {  	v31 =	vadd.s32 s16, v2;
	s16 =	rddreg [dreg:$0x11];
	s21 =	sor.u32 $0x1A0, s2  }
0x61: {  	[dreg:$0x12] =	wrdreg s21  }
0x62: {  	s21 =	sld [smem:$0x7ED];
	[tilespmem:$0x1FE80] =	vst v1;
	v1 =	vadd.s32 s22, v2;
	s22 =	sor.u32 $0x180, s2  }
0x63: {  	[dreg:$0x13] =	wrdreg s22  }
0x64: {  	[tilespmem:$0x1FE90] =	vst v1;
	v1 =	vadd.s32 s23, v2;
	s23 =	sadd.s32 $0x170, s2;
	s22 =	sld [smem:$0x7EE]  }
0x65: {  	[dreg:$0x14] =	wrdreg s23  }
0x66: {  	s23 =	sld [smem:$0x7EF]  }
0x67: {  	v25 =	vadd.s32 s24, v2;
	s24 =	rddreg [dreg:$0xd];
	[tilespmem:$0x1FEA0] =	vst v1;
	v1 =	vadd.s32 s21, v2  }
0x68: {  	v28 =	vadd.s32 s26, v2;
	s26 =	rddreg [dreg:$0xf];
	[tilespmem:$0x1FEB0] =	vst v1;
	v1 =	vadd.s32 s22, v2  }
0x69: {  	s22 =	sld [smem:$0x7F0];
	[tilespmem:$0x1FEC0] =	vst v1;
	v1 =	vadd.s32 s23, v2;
	s23 =	sadd.s32 $0x150, s2  }
0x6a: {  	[dreg:$0x15] =	wrdreg s23;
	s23 =	sor.u32 $0x140, s2  }
0x6b: {  	[dreg:$0x16] =	wrdreg s23  }
0x6c: {  	[tilespmem:$0x1FED0] =	vst v1;
	v1 =	vadd.s32 s22, v2;
	s23 =	rddreg [dreg:$0x1f]  }
0x6d: {  	s17 =	sor.u32 $0x220, s2;
	[tilespmem:$0x1FEE0] =	vst v1;
	v1 =	vadd.s32 s23, v2;
	s23 =	sld [smem:$0x7F1]  }
0x6e: {  	s18 =	sadd.s32 $0x1F0, s2;
	v32 =	vadd.s32 s17, v2;
	s17 =	rddreg [dreg:$0x12]  }
0x6f: {  	v35 =	vadd.s32 s18, v2;
	s18 =	rddreg [dreg:$0x13]  }
0x70: {  	s19 =	sor.u32 $0x1C0, s2;
	[tilespmem:$0x1FEF0] =	vst v1;
	v1 =	vadd.s32 s23, v2;
	s23 =	sld [smem:$0x7F2]  }
0x71: {  	v38 =	vadd.s32 s19, v2;
	s20 =	sadd.s32 $0x190, s2;
	s19 =	rddreg [dreg:$0x14]  }
0x72: {  	v41 =	vadd.s32 s20, v2;
	s21 =	sor.u32 $0x160, s2;
	s20 =	rddreg [dreg:$0x15]  }
0x73: {  	v44 =	vadd.s32 s21, v2;
	s21 =	rddreg [dreg:$0x16];
	[tilespmem:$0x1FF00] =	vst v1;
	v1 =	vadd.s32 s23, v2;
	s23 =	sor.u32 $0x120, s2  }
0x74: {  	[dreg:$0x17] =	wrdreg s23;
	s23 =	sadd.s32 $0x110, s2  }
0x75: {  	s0 =	sor.u32 $0x480, s2;
	[dreg:$0x18] =	wrdreg s23  }
0x76: {  	s4 =	sadd.s32 $0x470, s2;
	s22 =	sadd.s32 $0x130, s2;
	[tilespmem:$0x1FF10] =	vst v1;
	v1 =	vadd.s32 s0, v2;
	s23 =	sld [smem:$0x7F3]  }
0x77: {  	v47 =	vadd.s32 s22, v2;
	[tilespmem:$0x1FF20] =	vst v1;
	v1 =	vadd.s32 s4, v2;
	s4 =	sadd.s32 $0xF0, s2;
	s22 =	rddreg [dreg:$0x17]  }
0x78: {  	[dreg:$0x19] =	wrdreg s4  }
0x79: {  	v33 =	vadd.s32 s24, v2;
	s4 =	sor.u32 $0xE0, s2;
	s24 =	rddreg [dreg:$0x18]  }
0x7a: {  	[dreg:$0x1a] =	wrdreg s4  }
0x7b: {  	s5 =	sadd.s32 $0x450, s2;
	v34 =	vadd.s32 s25, v2;
	[tilespmem:$0x1FF30] =	vst v1;
	s25 =	rddreg [dreg:$0x19];
	v1 =	vadd.s32 s23, v2  }
0x7c: {  	s6 =	sor.u32 $0x440, s2;
	v36 =	vadd.s32 s26, v2;
	s26 =	rddreg [dreg:$0x1a];
	[tilespmem:$0x1FF40] =	vst v1;
	v1 =	vadd.s32 s5, v2  }
0x7d: {  	s5 =	sld [smem:$0x7F4];
	[tilespmem:$0x1FF50] =	vst v1;
	v1 =	vadd.s32 s6, v2;
	s6 =	sor.u32 $0xC0, s2  }
0x7e: {  	[dreg:$0x1b] =	wrdreg s6  }
0x7f: {  	s7 =	sor.u32 $0x420, s2;
	s9 =	sadd.s32 $0x3F0, s2;
	s6 =	sld [smem:$0x7F5]  }
0x80: {  	s8 =	sadd.s32 $0x410, s2;
	v37 =	vadd.s32 s14, v2;
	[tilespmem:$0x1FF60] =	vst v1;
	v1 =	vadd.s32 s5, v2;
	s5 =	sadd.s32 $0xB0, s2;
	s14 =	rddreg [dreg:$0x1b]  }
0x81: {  	s10 =	sor.u32 $0x3E0, s2;
	[tilespmem:$0x1FF70] =	vst v1;
	[dreg:$0x1c] =	wrdreg s5;
	v1 =	vadd.s32 s7, v2;
	s7 =	sadd.s32 $0x90, s2  }
0x82: {  	s12 =	sadd.s32 $0x3B0, s2;
	s11 =	sor.u32 $0x3C0, s2;
	[dreg:$0x1d] =	wrdreg s7  }
0x83: {  	v10 =	vadd.s32 s13, v2;
	s13 =	sadd.s32 $0x10, s2;
	s29 =	sadd.s32 $0x70, s2;
	s7 =	rddreg [dreg:$0x3]  }
0x84: {  	s30 =	sadd.s32 $0x2D0, s2;
	v39 =	vadd.s32 s16, v2;
	[tilespmem:$0x1FF80] =	vst v1;
	v1 =	vadd.s32 s8, v2;
	s8 =	sor.u32 $0x80, s2;
	s16 =	rddreg [dreg:$0x1c]  }
0x85: {  	v59 =	vadd.s32 s29, v2;
	s29 =	simm.s32 $0x16000;
	s28 =	sadd.s32 $0x2F0, s2;
	[dreg:$0x1e] =	wrdreg s8  }
0x86: {  	v21 =	vadd.s32 s30, v2;
	s30 =	simm.s32 $0x16800;
	s31 =	sor.u32 $0x2C0, s2;
	[tilespmem:$0x1FF90] =	vst v1;
	v1 =	vadd.s32 s6, v2;
	s6 =	sld [smem:$0x7F8]  }
0x87: {  	v19 =	vadd.s32 s28, v2;
	s28 =	simm.s32 $0x15800;
	v22 =	vadd.s32 s31, v2;
	s31 =	simm.s32 $0x17000;
	s8 =	rddreg [dreg:$0x5];
	[tilespmem:$0x1FFA0] =	vst v1;
	v1 =	vadd.s32 s9, v2  }
0x88: {  	v45 =	vadd.s32 s20, v2;
	s20 =	simm.s32 $0x12000;
	v46 =	vadd.s32 s21, v2;
	s21 =	simm.s32 $0x12800;
	[tilespmem:$0x1FFB0] =	vst v1;
	v1 =	vadd.s32 s10, v2;
	s10 =	sld [smem:$0x7F6]  }
0x89: {  	v40 =	vadd.s32 s17, v2;
	s0 =	sadd.s32 $0xD0, s2;
	s5 =	smax.u32 s7, $0x1;
	s7 =	rddreg [dreg:$0x6]  }
0x8a: {  	v42 =	vadd.s32 s18, v2;
	v53 =	vadd.s32 s0, v2;
	s0 =	simm.s32 $0x17800;
	v48 =	vadd.s32 s22, v2;
	s22 =	simm.s32 $0x13000;
	s17 =	rddreg [dreg:$0x1d]  }
0x8b: {  	s4 =	sor.u32 $0xA0, s2;
	v49 =	vadd.s32 s24, v2;
	s24 =	simm.s32 $0x14000;
	v12 =	vadd.s32 s8, v2;
	s8 =	sld [smem:$0x7F9];
	[tilespmem:$0x1FFC0] =	vst v1;
	v1 =	vadd.s32 s10, v2  }
0x8c: {  	v43 =	vadd.s32 s19, v2;
	s23 =	sor.u32 $0x100, s2;
	v51 =	vadd.s32 s25, v2;
	s25 =	simm.s32 $0x14800;
	s18 =	rddreg [dreg:$0x1e];
	[tilespmem:$0x1FFD0] =	vst v1;
	v1 =	vadd.s32 s11, v2  }
0x8d: {  	v56 =	vadd.s32 s4, v2;
	v50 =	vadd.s32 s23, v2;
	s23 =	simm.s32 $0x13800;
	s11 =	sld [smem:$0x7F7];
	[tilespmem:$0x1FFE0] =	vst v1;
	v1 =	vadd.s32 s12, v2;
	s12 =	sor.u32 $0x40, s2  }
0x8e: {  	v52 =	vadd.s32 s26, v2;
	s26 =	simm.s32 $0x15000;
	v54 =	vadd.s32 s14, v2;
	v55 =	vadd.s32 s16, v2;
	s9 =	sor.u32 $0x60, s2;
	[smem:$0x7FD] =	sst s12  }
0x8f: {  	v13 =	vadd.s32 s7, v2;
	s7 =	sadd.s32 $0x200, s1;
	v57 =	vadd.s32 s17, v2;
	v60 =	vadd.s32 s9, v2;
	s9 =	simm.s32 $0x4;
	s19 =	sld [smem:$0x7FD]  }
0x90: {  	v58 =	vadd.s32 s18, v2;
	v11 =	vadd.s32 s6, v2;
	s6 =	sadd.s32 $0x100, s1;
	v14 =	vadd.s32 s8, v2;
	s10 =	sadd.s32 $0x50, s2;
	s12 =	sor.u32 $0x20, s2  }
0x91: {  	s8 =	sadd.s32 $0x300, s1;
	v61 =	vadd.s32 s10, v2;
	s10 =	simm.s32 $0x5;
	[tilespmem:$0x1FFF0] =	vst v1;
	v8 =	vadd.s32 s11, v2;
	s11 =	sadd.s32 $0x30, s2;
	v1 =	vadd.s32 s12, v2  }
0x92: {  	s2 =	simm.s32 $0x18000;
	s12 =	simm.s32 $0x0;
	v63 =	vadd.s32 s11, v2;
	s11 =	simm.s32 $0x6;
	v62 =	vadd.s32 s19, v2;
	v2 =	vadd.s32 s13, v2  }
.LBB2_1:
0x93: {  	v3 =	vld [tilespmem:$0x1FBA0];
	_ =	sdelay $0x4  }
0x94: {  	[tilespmem:$0x0] =	vst v3;
	v3 =	vld [tilespmem:$0x1FBB0];
	_ =	sdelay $0x4  }
0x95: {  	[tilespmem:$0x10] =	vst v3;
	v3 =	vld [tilespmem:$0x1FBC0];
	_ =	sdelay $0x4  }
0x96: {  	[tilespmem:$0x20] =	vst v3;
	v3 =	vld [tilespmem:$0x1FBD0];
	_ =	sdelay $0x4  }
0x97: {  	[tilespmem:$0x30] =	vst v3;
	v3 =	vld [tilespmem:$0x1FBE0];
	_ =	sdelay $0x4  }
0x98: {  	[tilespmem:$0x40] =	vst v3;
	v3 =	vld [tilespmem:$0x1FBF0];
	_ =	sdelay $0x4  }
0x99: {  	[tilespmem:$0x50] =	vst v3;
	v3 =	vld [tilespmem:$0x1FC00];
	_ =	sdelay $0x4  }
0x9a: {  	[tilespmem:$0x60] =	vst v3;
	v3 =	vld [tilespmem:$0x1FC10];
	_ =	sdelay $0x4  }
0x9b: {  	[tilespmem:$0x70] =	vst v3;
	v3 =	vld [tilespmem:$0x1FC20];
	_ =	sdelay $0x4  }
0x9c: {  	[tilespmem:$0x80] =	vst v3;
	v3 =	vld [tilespmem:$0x1FC30];
	_ =	sdelay $0x4  }
0x9d: {  	[tilespmem:$0x90] =	vst v3;
	v3 =	vld [tilespmem:$0x1FC40];
	_ =	sdelay $0x4  }
0x9e: {  	[tilespmem:$0xA0] =	vst v3;
	v3 =	vld [tilespmem:$0x1FC50];
	_ =	sdelay $0x4  }
0x9f: {  	[tilespmem:$0xB0] =	vst v3;
	v3 =	vld [tilespmem:$0x1FC60];
	_ =	sdelay $0x4  }
0xa0: {  	[tilespmem:$0xC0] =	vst v3;
	v3 =	vld [tilespmem:$0x1FC70];
	_ =	sdelay $0x4  }
0xa1: {  	[tilespmem:$0xD0] =	vst v3;
	v3 =	vld [tilespmem:$0x1FC80];
	_ =	sdelay $0x4  }
0xa2: {  	[tilespmem:$0xE0] =	vst v3;
	v3 =	vld [tilespmem:$0x1FC90];
	_ =	sdelay $0x4  }
0xa3: {  	[tilespmem:$0xF0] =	vst v3;
	v3 =	vld [tilespmem:$0x1FCA0];
	_ =	sdelay $0x4  }
0xa4: {  	[tilespmem:$0x100] =	vst v3;
	v3 =	vld [tilespmem:$0x1FCB0];
	_ =	sdelay $0x4  }
0xa5: {  	[tilespmem:$0x110] =	vst v3;
	v3 =	vld [tilespmem:$0x1FCC0];
	_ =	sdelay $0x4  }
0xa6: {  	[tilespmem:$0x120] =	vst v3;
	v3 =	vld [tilespmem:$0x1FCD0];
	_ =	sdelay $0x4  }
0xa7: {  	[tilespmem:$0x130] =	vst v3;
	v3 =	vld [tilespmem:$0x1FCE0];
	_ =	sdelay $0x4  }
0xa8: {  	[tilespmem:$0x140] =	vst v3;
	v3 =	vld [tilespmem:$0x1FCF0];
	_ =	sdelay $0x4  }
0xa9: {  	[tilespmem:$0x150] =	vst v3;
	v3 =	vld [tilespmem:$0x1FD00];
	_ =	sdelay $0x4  }
0xaa: {  	[tilespmem:$0x160] =	vst v3;
	v3 =	vld [tilespmem:$0x1FD10];
	_ =	sdelay $0x4  }
0xab: {  	[tilespmem:$0x170] =	vst v3;
	v3 =	vld [tilespmem:$0x1FD20];
	_ =	sdelay $0x4  }
0xac: {  	[tilespmem:$0x180] =	vst v3;
	v3 =	vld [tilespmem:$0x1FD30];
	_ =	sdelay $0x4  }
0xad: {  	[tilespmem:$0x190] =	vst v3;
	v3 =	vld [tilespmem:$0x1FD40];
	_ =	sdelay $0x4  }
0xae: {  	[tilespmem:$0x1A0] =	vst v3;
	v3 =	vld [tilespmem:$0x1FD50];
	_ =	sdelay $0x4  }
0xaf: {  	[tilespmem:$0x1B0] =	vst v3;
	v3 =	vld [tilespmem:$0x1FD60];
	_ =	sdelay $0x4  }
0xb0: {  	[tilespmem:$0x1C0] =	vst v3;
	v3 =	vld [tilespmem:$0x1FD70];
	_ =	sdelay $0x4  }
0xb1: {  	[tilespmem:$0x1D0] =	vst v3;
	v3 =	vld [tilespmem:$0x1FD80];
	_ =	sdelay $0x4  }
0xb2: {  	[tilespmem:$0x1E0] =	vst v3;
	v3 =	vld [tilespmem:$0x1FD90];
	_ =	sdelay $0x4  }
0xb3: {  	[tilespmem:$0x1F0] =	vst v3;
	v3 =	vld [tilespmem:$0x1FDA0];
	_ =	sdelay $0x4  }
0xb4: {  	[tilespmem:$0x200] =	vst v3;
	v3 =	vld [tilespmem:$0x1FDB0];
	_ =	sdelay $0x4  }
0xb5: {  	[tilespmem:$0x210] =	vst v3;
	v3 =	vld [tilespmem:$0x1FDC0];
	_ =	sdelay $0x4  }
0xb6: {  	[tilespmem:$0x220] =	vst v3;
	v3 =	vld [tilespmem:$0x1FDD0];
	_ =	sdelay $0x4  }
0xb7: {  	[tilespmem:$0x230] =	vst v3;
	v3 =	vld [tilespmem:$0x1FDE0];
	_ =	sdelay $0x4  }
0xb8: {  	[tilespmem:$0x240] =	vst v3;
	v3 =	vld [tilespmem:$0x1FDF0];
	_ =	sdelay $0x4  }
0xb9: {  	[tilespmem:$0x250] =	vst v3;
	v3 =	vld [tilespmem:$0x1FE00];
	_ =	sdelay $0x4  }
0xba: {  	[tilespmem:$0x260] =	vst v3;
	v3 =	vld [tilespmem:$0x1FE10];
	_ =	sdelay $0x4  }
0xbb: {  	[tilespmem:$0x270] =	vst v3;
	v3 =	vld [tilespmem:$0x1FE20];
	_ =	sdelay $0x4  }
0xbc: {  	[tilespmem:$0x280] =	vst v3;
	v3 =	vld [tilespmem:$0x1FE30];
	_ =	sdelay $0x4  }
0xbd: {  	[tilespmem:$0x290] =	vst v3;
	v3 =	vld [tilespmem:$0x1FE40];
	_ =	sdelay $0x4  }
0xbe: {  	[tilespmem:$0x2A0] =	vst v3;
	v3 =	vld [tilespmem:$0x1FE50];
	_ =	sdelay $0x4  }
0xbf: {  	[tilespmem:$0x2B0] =	vst v3;
	v3 =	vld [tilespmem:$0x1FE60];
	_ =	sdelay $0x4  }
0xc0: {  	[tilespmem:$0x2C0] =	vst v3;
	v3 =	vld [tilespmem:$0x1FE70];
	_ =	sdelay $0x4  }
0xc1: {  	[tilespmem:$0x2D0] =	vst v3;
	v3 =	vld [tilespmem:$0x1FE80];
	_ =	sdelay $0x4  }
0xc2: {  	[tilespmem:$0x2E0] =	vst v3;
	v3 =	vld [tilespmem:$0x1FE90];
	_ =	sdelay $0x4  }
0xc3: {  	[tilespmem:$0x2F0] =	vst v3;
	v3 =	vld [tilespmem:$0x1FEA0];
	_ =	sdelay $0x4  }
0xc4: {  	[tilespmem:$0x300] =	vst v3;
	v3 =	vld [tilespmem:$0x1FEB0];
	_ =	sdelay $0x4  }
0xc5: {  	[tilespmem:$0x310] =	vst v3;
	v3 =	vld [tilespmem:$0x1FEC0];
	_ =	sdelay $0x4  }
0xc6: {  	[tilespmem:$0x320] =	vst v3;
	v3 =	vld [tilespmem:$0x1FED0];
	_ =	sdelay $0x4  }
0xc7: {  	[tilespmem:$0x330] =	vst v3;
	v3 =	vld [tilespmem:$0x1FEE0];
	_ =	sdelay $0x4  }
0xc8: {  	[tilespmem:$0x340] =	vst v3;
	v3 =	vld [tilespmem:$0x1FEF0];
	_ =	sdelay $0x4  }
0xc9: {  	[tilespmem:$0x350] =	vst v3;
	v3 =	vld [tilespmem:$0x1FF00];
	_ =	sdelay $0x4  }
0xca: {  	[tilespmem:$0x360] =	vst v3;
	v3 =	vld [tilespmem:$0x1FF10];
	_ =	sdelay $0x4  }
0xcb: {  	[tilespmem:$0x370] =	vst v3;
	v3 =	vld [tilespmem:$0x1FF20];
	_ =	sdelay $0x4  }
0xcc: {  	[tilespmem:$0x380] =	vst v3;
	v3 =	vld [tilespmem:$0x1FF30];
	_ =	sdelay $0x4  }
0xcd: {  	[tilespmem:$0x390] =	vst v3;
	v3 =	vld [tilespmem:$0x1FF40];
	_ =	sdelay $0x4  }
0xce: {  	[tilespmem:$0x3A0] =	vst v3;
	v3 =	vld [tilespmem:$0x1FF50]  }
0xcf: {  	[tilespmem:$0x460] =	vst v8  }
0xd0: {  	[tilespmem:$0x470] =	vst v9  }
0xd1: {  	[tilespmem:$0x480] =	vst v10  }
0xd2: {  	[tilespmem:$0x490] =	vst v11  }
0xd3: {  	[tilespmem:$0x3B0] =	vst v3;
	v3 =	vld [tilespmem:$0x1FF60]  }
0xd4: {  	[tilespmem:$0x4A0] =	vst v12  }
0xd5: {  	[tilespmem:$0x4B0] =	vst v13  }
0xd6: {  	[tilespmem:$0x4C0] =	vst v14  }
0xd7: {  	[tilespmem:$0x4D0] =	vst v15  }
0xd8: {  	[tilespmem:$0x3C0] =	vst v3;
	v3 =	vld [tilespmem:$0x1FF70]  }
0xd9: {  	[tilespmem:$0x4E0] =	vst v16  }
0xda: {  	[tilespmem:$0x4F0] =	vst v17  }
0xdb: {  	[tilespmem:$0x500] =	vst v18  }
0xdc: {  	[tilespmem:$0x510] =	vst v19  }
0xdd: {  	[tilespmem:$0x3D0] =	vst v3;
	v3 =	vld [tilespmem:$0x1FF80]  }
0xde: {  	[tilespmem:$0x520] =	vst v20  }
0xdf: {  	[tilespmem:$0x530] =	vst v21  }
0xe0: {  	[tilespmem:$0x540] =	vst v22  }
0xe1: {  	[tilespmem:$0x550] =	vst v23  }
0xe2: {  	[tilespmem:$0x3E0] =	vst v3;
	v3 =	vld [tilespmem:$0x1FF90]  }
0xe3: {  	[tilespmem:$0x560] =	vst v24  }
0xe4: {  	[tilespmem:$0x570] =	vst v25  }
0xe5: {  	[tilespmem:$0x580] =	vst v26  }
0xe6: {  	[tilespmem:$0x590] =	vst v27  }
0xe7: {  	[tilespmem:$0x3F0] =	vst v3;
	v3 =	vld [tilespmem:$0x1FFA0]  }
0xe8: {  	[tilespmem:$0x5A0] =	vst v28  }
0xe9: {  	[tilespmem:$0x5B0] =	vst v29  }
0xea: {  	[tilespmem:$0x5C0] =	vst v30  }
0xeb: {  	[tilespmem:$0x5D0] =	vst v31  }
0xec: {  	[tilespmem:$0x400] =	vst v3;
	v3 =	vld [tilespmem:$0x1FFB0]  }
0xed: {  	[tilespmem:$0x5E0] =	vst v32  }
0xee: {  	[tilespmem:$0x5F0] =	vst v33  }
0xef: {  	[tilespmem:$0x600] =	vst v34  }
0xf0: {  	[tilespmem:$0x610] =	vst v35  }
0xf1: {  	[tilespmem:$0x410] =	vst v3;
	v3 =	vld [tilespmem:$0x1FFC0]  }
0xf2: {  	[tilespmem:$0x620] =	vst v36  }
0xf3: {  	[tilespmem:$0x630] =	vst v37  }
0xf4: {  	[tilespmem:$0x640] =	vst v38  }
0xf5: {  	[tilespmem:$0x650] =	vst v39  }
0xf6: {  	[tilespmem:$0x420] =	vst v3;
	v3 =	vld [tilespmem:$0x1FFD0]  }
0xf7: {  	[tilespmem:$0x660] =	vst v40  }
0xf8: {  	[tilespmem:$0x670] =	vst v41  }
0xf9: {  	[tilespmem:$0x680] =	vst v42  }
0xfa: {  	[tilespmem:$0x690] =	vst v43  }
0xfb: {  	[tilespmem:$0x430] =	vst v3;
	v3 =	vld [tilespmem:$0x1FFE0]  }
0xfc: {  	[tilespmem:$0x6A0] =	vst v44  }
0xfd: {  	[tilespmem:$0x6B0] =	vst v45  }
0xfe: {  	[tilespmem:$0x6C0] =	vst v46  }
0xff: {  	[tilespmem:$0x6D0] =	vst v47  }
0x100: {  	[tilespmem:$0x440] =	vst v3;
	v3 =	vld [tilespmem:$0x1FFF0]  }
0x101: {  	[tilespmem:$0x6E0] =	vst v48  }
0x102: {  	[tilespmem:$0x6F0] =	vst v49  }
0x103: {  	[tilespmem:$0x700] =	vst v50  }
0x104: {  	[tilespmem:$0x710] =	vst v51  }
0x105: {  	[tilespmem:$0x450] =	vst v3;
	v3 =	vld [tilespmem:$0x0]  }
0x106: {  	[tilespmem:$0x720] =	vst v52  }
0x107: {  	[tilespmem:$0x730] =	vst v53  }
0x108: {  	[tilespmem:$0x740] =	vst v54  }
0x109: {  	[tilespmem:$0x750] =	vst v55  }
0x10a: {  	[tilespmem:$0x760] =	vst v56;
	v4 =	vshll.u32 v3, $0x3  }
0x10b: {  	[tilespmem:$0x770] =	vst v57;
	v3 =	vand.u32 $0x7, v3;
	v4 =	vand.u32 $0xFFFFFFC0, v4  }
0x10c: {  	[tilespmem:$0x780] =	vst v58;
	v5 =	vshrl.u32 v0, $0x3;
	v3 =	vor.u32 v3, v4;
	v4 =	vand.u32 $0x7, v0  }
0x10d: {  	[tilespmem:$0x790] =	vst v59;
	v5 =	vmul.u32 $0x8, v5;
	v6 =	vperm.xlane v3, v4  }
0x10e: {  	[tilespmem:$0x7A0] =	vst v60  }
0x10f: {  	[tilespmem:$0x7B0] =	vst v61;
	v6 =	vadd.s32 v5, v6  }
0x110: {  	[tilespmem:$0x7C0] =	vst v62  }
0x111: {  	[tilespmem:$0x7D0] =	vst v63  }
0x112: {  	[tilespmem:$0x7E0] =	vst v1  }
0x113: {  	[tilespmem:$0x7F0] =	vst v2;
	vm0 =	vmmov $0xffff;
	s4 =	simm.s32 $0x800  }
0x114: {  	v7 =	vor.u32 $0x8, v0;
	[tilespmem:s4], [sflag:$0x1] =	stream.indirect_vreg.gather [hbm4b:s1+s3], $0x80, v6, vm0, $0xb8;
	[tilespmem:$0x18800] =	vst v63  }
0x115: {  	s16 =	simm.s32 $0x1000;
	v3 =	vperm.xlane v3, v7  }
0x116: {  	[tilespmem:s16], [sflag:$0x1] =	stream.indirect_vreg.gather [hbm4b:s6+s3], $0x80, v6, vm0, $0xb8;
	[tilespmem:$0x18800] =	vst v63  }
0x117: {  	s17 =	simm.s32 $0x1800;
	v3 =	vadd.s32 v5, v3  }
0x118: {  	[tilespmem:s17], [sflag:$0x1] =	stream.indirect_vreg.gather [hbm4b:s7+s3], $0x80, v6, vm0, $0xb8;
	[tilespmem:$0x18800] =	vst v63  }
0x119: {  	s18 =	simm.s32 $0x2000  }
0x11a: {  	[tilespmem:s18], [sflag:$0x1] =	stream.indirect_vreg.gather [hbm4b:s8+s3], $0x80, v6, vm0, $0xb8;
	[tilespmem:$0x18800] =	vst v63  }
0x11b: {  	s19 =	simm.s32 $0x2800  }
0x11c: {  	[tilespmem:s19], [sflag:$0x1] =	stream.indirect_vreg.gather [hbm4b:s1+s3], $0x80, v3, vm0, $0xb8;
	[tilespmem:$0x18800] =	vst v63  }
0x11d: {  	s13 =	simm.s32 $0x3000  }
0x11e: {  	[tilespmem:s13], [sflag:$0x1] =	stream.indirect_vreg.gather [hbm4b:s6+s3], $0x80, v3, vm0, $0xb8;
	[tilespmem:$0x18800] =	vst v63  }
0x11f: {  	s14 =	simm.s32 $0x3800  }
0x120: {  	[tilespmem:s14], [sflag:$0x1] =	stream.indirect_vreg.gather [hbm4b:s7+s3], $0x80, v3, vm0, $0xb8;
	[tilespmem:$0x18800] =	vst v63  }
0x121: {  	s16 =	simm.s32 $0x4000  }
0x122: {  	[tilespmem:s16], [sflag:$0x1] =	stream.indirect_vreg.gather [hbm4b:s8+s3], $0x80, v3, vm0, $0xb8;
	[tilespmem:$0x18800] =	vst v63  }
0x123: {  	v3 =	vld [tilespmem:$0x10];
	_ =	sdelay $0x4  }
0x124: {  	v6 =	vshll.u32 v3, $0x3  }
0x125: {  	v3 =	vand.u32 $0x7, v3;
	v6 =	vand.u32 $0xFFFFFFC0, v6  }
0x126: {  	v3 =	vor.u32 v3, v6  }
0x127: {  	v6 =	vperm.xlane v3, v4;
	_ =	sdelay $0x1  }
0x128: {  	v6 =	vadd.s32 v5, v6;
	_ =	sdelay $0x3  }
0x129: {  	s17 =	simm.s32 $0x4800  }
0x12a: {  	[tilespmem:s17], [sflag:$0x1] =	stream.indirect_vreg.gather [hbm4b:s1+s3], $0x80, v6, vm0, $0xb8;
	[tilespmem:$0x18800] =	vst v63  }
0x12b: {  	s18 =	simm.s32 $0x5000;
	v3 =	vperm.xlane v3, v7  }
0x12c: {  	[tilespmem:s18], [sflag:$0x1] =	stream.indirect_vreg.gather [hbm4b:s6+s3], $0x80, v6, vm0, $0xb8;
	[tilespmem:$0x18800] =	vst v63  }
0x12d: {  	s19 =	simm.s32 $0x5800;
	v3 =	vadd.s32 v5, v3  }
0x12e: {  	[tilespmem:s19], [sflag:$0x1] =	stream.indirect_vreg.gather [hbm4b:s7+s3], $0x80, v6, vm0, $0xb8;
	[tilespmem:$0x18800] =	vst v63  }
0x12f: {  	s13 =	simm.s32 $0x6000  }
0x130: {  	[tilespmem:s13], [sflag:$0x1] =	stream.indirect_vreg.gather [hbm4b:s8+s3], $0x80, v6, vm0, $0xb8;
	[tilespmem:$0x18800] =	vst v63  }
0x131: {  	s14 =	simm.s32 $0x6800  }
0x132: {  	[tilespmem:s14], [sflag:$0x1] =	stream.indirect_vreg.gather [hbm4b:s1+s3], $0x80, v3, vm0, $0xb8;
	[tilespmem:$0x18800] =	vst v63  }
0x133: {  	s16 =	simm.s32 $0x7000  }
0x134: {  	[tilespmem:s16], [sflag:$0x1] =	stream.indirect_vreg.gather [hbm4b:s6+s3], $0x80, v3, vm0, $0xb8;
	[tilespmem:$0x18800] =	vst v63  }
0x135: {  	s17 =	simm.s32 $0x7800  }
0x136: {  	[tilespmem:s17], [sflag:$0x1] =	stream.indirect_vreg.gather [hbm4b:s7+s3], $0x80, v3, vm0, $0xb8;
	[tilespmem:$0x18800] =	vst v63  }
0x137: {  	s18 =	simm.s32 $0x8000  }
0x138: {  	[tilespmem:s18], [sflag:$0x1] =	stream.indirect_vreg.gather [hbm4b:s8+s3], $0x80, v3, vm0, $0xb8;
	[tilespmem:$0x18800] =	vst v63  }
0x139: {  	v3 =	vld [tilespmem:$0x20];
	_ =	sdelay $0x4  }
0x13a: {  	v6 =	vshll.u32 v3, $0x3  }
0x13b: {  	v3 =	vand.u32 $0x7, v3;
	v6 =	vand.u32 $0xFFFFFFC0, v6  }
0x13c: {  	v3 =	vor.u32 v3, v6  }
0x13d: {  	v6 =	vperm.xlane v3, v4;
	_ =	sdelay $0x1  }
0x13e: {  	v6 =	vadd.s32 v5, v6;
	_ =	sdelay $0x3  }
0x13f: {  	s19 =	simm.s32 $0x8800  }
0x140: {  	[tilespmem:s19], [sflag:$0x2] =	stream.indirect_vreg.gather [hbm4b:s1+s3], $0x80, v6, vm0, $0xb8;
	[tilespmem:$0x18800] =	vst v63  }
0x141: {  	s13 =	simm.s32 $0x9000;
	v3 =	vperm.xlane v3, v7  }
0x142: {  	[tilespmem:s13], [sflag:$0x2] =	stream.indirect_vreg.gather [hbm4b:s6+s3], $0x80, v6, vm0, $0xb8;
	[tilespmem:$0x18800] =	vst v63  }
0x143: {  	s14 =	simm.s32 $0x9800;
	v3 =	vadd.s32 v5, v3  }
0x144: {  	[tilespmem:s14], [sflag:$0x2] =	stream.indirect_vreg.gather [hbm4b:s7+s3], $0x80, v6, vm0, $0xb8;
	[tilespmem:$0x18800] =	vst v63  }
0x145: {  	s16 =	simm.s32 $0xA000  }
0x146: {  	[tilespmem:s16], [sflag:$0x2] =	stream.indirect_vreg.gather [hbm4b:s8+s3], $0x80, v6, vm0, $0xb8;
	[tilespmem:$0x18800] =	vst v63  }
0x147: {  	s17 =	simm.s32 $0xA800  }
0x148: {  	[tilespmem:s17], [sflag:$0x2] =	stream.indirect_vreg.gather [hbm4b:s1+s3], $0x80, v3, vm0, $0xb8;
	[tilespmem:$0x18800] =	vst v63  }
0x149: {  	s18 =	simm.s32 $0xB000  }
0x14a: {  	[tilespmem:s18], [sflag:$0x2] =	stream.indirect_vreg.gather [hbm4b:s6+s3], $0x80, v3, vm0, $0xb8;
	[tilespmem:$0x18800] =	vst v63  }
0x14b: {  	s19 =	simm.s32 $0xB800  }
0x14c: {  	[tilespmem:s19], [sflag:$0x2] =	stream.indirect_vreg.gather [hbm4b:s7+s3], $0x80, v3, vm0, $0xb8;
	[tilespmem:$0x18800] =	vst v63  }
0x14d: {  	s13 =	simm.s32 $0xC000  }
0x14e: {  	[tilespmem:s13], [sflag:$0x2] =	stream.indirect_vreg.gather [hbm4b:s8+s3], $0x80, v3, vm0, $0xb8;
	[tilespmem:$0x18800] =	vst v63  }
0x14f: {  	v3 =	vld [tilespmem:$0x30];
	_ =	sdelay $0x4  }
0x150: {  	v6 =	vshll.u32 v3, $0x3  }
0x151: {  	v3 =	vand.u32 $0x7, v3;
	v6 =	vand.u32 $0xFFFFFFC0, v6  }
0x152: {  	v3 =	vor.u32 v3, v6  }
0x153: {  	v6 =	vperm.xlane v3, v4;
	_ =	sdelay $0x1  }
0x154: {  	v6 =	vadd.s32 v5, v6;
	_ =	sdelay $0x3  }
0x155: {  	s14 =	simm.s32 $0xC800  }
0x156: {  	[tilespmem:s14], [sflag:$0x2] =	stream.indirect_vreg.gather [hbm4b:s1+s3], $0x80, v6, vm0, $0xb8;
	[tilespmem:$0x18800] =	vst v63  }
0x157: {  	s16 =	simm.s32 $0xD000;
	v3 =	vperm.xlane v3, v7  }
0x158: {  	[tilespmem:s16], [sflag:$0x2] =	stream.indirect_vreg.gather [hbm4b:s6+s3], $0x80, v6, vm0, $0xb8;
	[tilespmem:$0x18800] =	vst v63  }
0x159: {  	s17 =	simm.s32 $0xD800;
	v3 =	vadd.s32 v5, v3  }
0x15a: {  	[tilespmem:s17], [sflag:$0x2] =	stream.indirect_vreg.gather [hbm4b:s7+s3], $0x80, v6, vm0, $0xb8;
	[tilespmem:$0x18800] =	vst v63  }
0x15b: {  	s18 =	simm.s32 $0xE000  }
0x15c: {  	[tilespmem:s18], [sflag:$0x2] =	stream.indirect_vreg.gather [hbm4b:s8+s3], $0x80, v6, vm0, $0xb8;
	[tilespmem:$0x18800] =	vst v63  }
0x15d: {  	s19 =	simm.s32 $0xE800  }
0x15e: {  	[tilespmem:s19], [sflag:$0x2] =	stream.indirect_vreg.gather [hbm4b:s1+s3], $0x80, v3, vm0, $0xb8;
	[tilespmem:$0x18800] =	vst v63  }
0x15f: {  	s13 =	simm.s32 $0xF000  }
0x160: {  	[tilespmem:s13], [sflag:$0x2] =	stream.indirect_vreg.gather [hbm4b:s6+s3], $0x80, v3, vm0, $0xb8;
	[tilespmem:$0x18800] =	vst v63  }
0x161: {  	s14 =	simm.s32 $0xF800  }
0x162: {  	[tilespmem:s14], [sflag:$0x2] =	stream.indirect_vreg.gather [hbm4b:s7+s3], $0x80, v3, vm0, $0xb8;
	[tilespmem:$0x18800] =	vst v63  }
0x163: {  	s16 =	simm.s32 $0x10000  }
0x164: {  	[tilespmem:s16], [sflag:$0x2] =	stream.indirect_vreg.gather [hbm4b:s8+s3], $0x80, v3, vm0, $0xb8;
	[tilespmem:$0x18800] =	vst v63  }
0x165: {  	v3 =	vld [tilespmem:$0x40];
	_ =	sdelay $0x4  }
0x166: {  	v6 =	vshll.u32 v3, $0x3  }
0x167: {  	v3 =	vand.u32 $0x7, v3;
	v6 =	vand.u32 $0xFFFFFFC0, v6  }
0x168: {  	v3 =	vor.u32 v3, v6  }
0x169: {  	v6 =	vperm.xlane v3, v4;
	_ =	sdelay $0x1  }
0x16a: {  	v6 =	vadd.s32 v5, v6;
	_ =	sdelay $0x3  }
0x16b: {  	s17 =	simm.s32 $0x10800  }
0x16c: {  	[tilespmem:s17], [sflag:$0x3] =	stream.indirect_vreg.gather [hbm4b:s1+s3], $0x80, v6, vm0, $0xb8;
	[tilespmem:$0x18800] =	vst v63  }
0x16d: {  	s18 =	simm.s32 $0x11000;
	v3 =	vperm.xlane v3, v7  }
0x16e: {  	[tilespmem:s18], [sflag:$0x3] =	stream.indirect_vreg.gather [hbm4b:s6+s3], $0x80, v6, vm0, $0xb8;
	[tilespmem:$0x18800] =	vst v63  }
0x16f: {  	s19 =	simm.s32 $0x11800;
	v3 =	vadd.s32 v5, v3  }
0x170: {  	[tilespmem:s19], [sflag:$0x3] =	stream.indirect_vreg.gather [hbm4b:s7+s3], $0x80, v6, vm0, $0xb8;
	[tilespmem:$0x18800] =	vst v63  }
0x171: {  	_ = 	snop  }
0x172: {  	[tilespmem:s20], [sflag:$0x3] =	stream.indirect_vreg.gather [hbm4b:s8+s3], $0x80, v6, vm0, $0xb8;
	[tilespmem:$0x18800] =	vst v63  }
0x173: {  	_ = 	snop  }
0x174: {  	[tilespmem:s21], [sflag:$0x3] =	stream.indirect_vreg.gather [hbm4b:s1+s3], $0x80, v3, vm0, $0xb8;
	[tilespmem:$0x18800] =	vst v63  }
0x175: {  	_ = 	snop  }
0x176: {  	[tilespmem:s22], [sflag:$0x3] =	stream.indirect_vreg.gather [hbm4b:s6+s3], $0x80, v3, vm0, $0xb8;
	[tilespmem:$0x18800] =	vst v63  }
0x177: {  	_ = 	snop  }
0x178: {  	[tilespmem:s23], [sflag:$0x3] =	stream.indirect_vreg.gather [hbm4b:s7+s3], $0x80, v3, vm0, $0xb8;
	[tilespmem:$0x18800] =	vst v63  }
0x179: {  	_ = 	snop  }
0x17a: {  	[tilespmem:s24], [sflag:$0x3] =	stream.indirect_vreg.gather [hbm4b:s8+s3], $0x80, v3, vm0, $0xb8;
	[tilespmem:$0x18800] =	vst v63  }
0x17b: {  	v3 =	vld [tilespmem:$0x50];
	_ =	sdelay $0x4  }
0x17c: {  	v6 =	vshll.u32 v3, $0x3  }
0x17d: {  	v3 =	vand.u32 $0x7, v3;
	v6 =	vand.u32 $0xFFFFFFC0, v6  }
0x17e: {  	v3 =	vor.u32 v3, v6  }
0x17f: {  	v4 =	vperm.xlane v3, v4;
	_ =	sdelay $0x1  }
0x180: {  	v4 =	vadd.s32 v5, v4;
	_ =	sdelay $0x4  }
0x181: {  	[tilespmem:s25], [sflag:$0x3] =	stream.indirect_vreg.gather [hbm4b:s1+s3], $0x80, v4, vm0, $0xb8;
	[tilespmem:$0x18800] =	vst v63  }
0x182: {  	v3 =	vperm.xlane v3, v7  }
0x183: {  	[tilespmem:s26], [sflag:$0x3] =	stream.indirect_vreg.gather [hbm4b:s6+s3], $0x80, v4, vm0, $0xb8;
	[tilespmem:$0x18800] =	vst v63  }
0x184: {  	v3 =	vadd.s32 v5, v3  }
0x185: {  	[tilespmem:s28], [sflag:$0x3] =	stream.indirect_vreg.gather [hbm4b:s7+s3], $0x80, v4, vm0, $0xb8;
	[tilespmem:$0x18800] =	vst v63  }
0x186: {  	_ = 	snop  }
0x187: {  	[tilespmem:s29], [sflag:$0x3] =	stream.indirect_vreg.gather [hbm4b:s8+s3], $0x80, v4, vm0, $0xb8;
	[tilespmem:$0x18800] =	vst v63  }
0x188: {  	_ = 	snop  }
0x189: {  	[tilespmem:s30], [sflag:$0x3] =	stream.indirect_vreg.gather [hbm4b:s1+s3], $0x80, v3, vm0, $0xb8;
	[tilespmem:$0x18800] =	vst v63  }
0x18a: {  	_ = 	snop  }
0x18b: {  	[tilespmem:s31], [sflag:$0x3] =	stream.indirect_vreg.gather [hbm4b:s6+s3], $0x80, v3, vm0, $0xb8;
	[tilespmem:$0x18800] =	vst v63  }
0x18c: {  	_ = 	snop  }
0x18d: {  	[tilespmem:s0], [sflag:$0x3] =	stream.indirect_vreg.gather [hbm4b:s7+s3], $0x80, v3, vm0, $0xb8;
	[tilespmem:$0x18800] =	vst v63  }
0x18e: {  	s4 =	smov.u32 s15;
	s13 =	simm.s32 $0xFFFFFFFF;
	s14 =	simm.s32 $0x50  }
0x18f: {  	[tilespmem:s2], [sflag:$0x3] =	stream.indirect_vreg.gather [hbm4b:s8+s3], $0x80, v3, vm0, $0xb8;
	[tilespmem:$0x18800] =	vst v63  }
.LBB2_2:
0x190: {  	s17 =	smul.u32 $0xAB, s13;
	_ =	sdelay $0x1  }
0x191: {  	s16 =	sadd.s32 $0x201, s17  }
0x192: {  	s16 =	sshrl.u32 s16, $0x9  }
0x193: {  	s16 =	sand.u32 $0x7F, s16  }
0x194: {  	s16 =	smul.u32 $0x3, s16;
	_ =	sdelay $0x1  }
0x195: {  	s16 =	ssub.s32 s13, s16  }
0x196: {  	p0 =	sgt.u32 s13, $0x3C;
	s16 =	sadd.s32 $0x3, s16  }
0x197: {  	s16 =	sand.u32 @!p0 $0xFF, s16  }
0x198: {  	p1 =	sne.s32 @!p0 s16, $0x0  }
0x199: {  	p1 =	por p1, p0  }
0x19a: {  	s18 =	simm.s32 @!p1 $0x4  }
0x19b: {  	_ =	swait.ge @!p1 [sflag:s18], $0x8000  }
0x19c: {  	[sflag:s18] =	ssyncset.done @!p1 $0x0  }
0x19d: {  	[sflag:s18] =	ssyncadd.s32 @!p1 $0xFFFF8000  }
0x19e: {  	v3 =	vld @!p1 [tilespmem:s14+$0xFFFFFFF0];
	_ =	sdelay $0x4  }
0x19f: {  	v4 =	vshll.u32 @!p1 v3, $0x3  }
0x1a0: {  	v5 =	vlaneseq.u32 @!p1;
	v3 =	vand.u32 @!p1 $0x7, v3;
	v4 =	vand.u32 @!p1 $0xFFFFFFC0, v4  }
0x1a1: {  	v6 =	vshrl.u32 @!p1 v5, $0x3;
	v3 =	vor.u32 @!p1 v3, v4;
	v4 =	vand.u32 @!p1 $0x7, v5  }
0x1a2: {  	v6 =	vmul.u32 @!p1 $0x8, v6;
	v7 =	vperm.xlane @!p1 v3, v4;
	_ =	sdelay $0x1  }
0x1a3: {  	v7 =	vadd.s32 @!p1 v6, v7;
	_ =	sdelay $0x3  }
0x1a4: {  	vm0 =	vmmov @!p1 $0xffff;
	s19 =	simm.s32 @!p1 $0x800;
	s18 =	simm.s32 @!p1 $0x0  }
0x1a5: {  	v5 =	vor.u32 @!p1 $0x8, v5;
	[tilespmem:s19], [sflag:$0x1] =	stream.indirect_vreg.gather @!p1 [hbm4b:s1+s18], $0x80, v7, vm0, $0xb8;
	[tilespmem:$0x18800] =	vst v63  }
0x1a6: {  	v3 =	vperm.xlane @!p1 v3, v5;
	s19 =	simm.s32 @!p1 $0x1000  }
0x1a7: {  	[tilespmem:s19], [sflag:$0x1] =	stream.indirect_vreg.gather @!p1 [hbm4b:s6+s18], $0x80, v7, vm0, $0xb8;
	[tilespmem:$0x18800] =	vst v63  }
0x1a8: {  	v3 =	vadd.s32 @!p1 v6, v3;
	s19 =	simm.s32 @!p1 $0x1800  }
0x1a9: {  	[tilespmem:s19], [sflag:$0x1] =	stream.indirect_vreg.gather @!p1 [hbm4b:s7+s18], $0x80, v7, vm0, $0xb8;
	[tilespmem:$0x18800] =	vst v63  }
0x1aa: {  	s19 =	simm.s32 @!p1 $0x2000  }
0x1ab: {  	[tilespmem:s19], [sflag:$0x1] =	stream.indirect_vreg.gather @!p1 [hbm4b:s8+s18], $0x80, v7, vm0, $0xb8;
	[tilespmem:$0x18800] =	vst v63  }
0x1ac: {  	s19 =	simm.s32 @!p1 $0x2800  }
0x1ad: {  	[tilespmem:s19], [sflag:$0x1] =	stream.indirect_vreg.gather @!p1 [hbm4b:s1+s18], $0x80, v3, vm0, $0xb8;
	[tilespmem:$0x18800] =	vst v63  }
0x1ae: {  	s19 =	simm.s32 @!p1 $0x3000  }
0x1af: {  	[tilespmem:s19], [sflag:$0x1] =	stream.indirect_vreg.gather @!p1 [hbm4b:s6+s18], $0x80, v3, vm0, $0xb8;
	[tilespmem:$0x18800] =	vst v63  }
0x1b0: {  	s19 =	simm.s32 @!p1 $0x3800  }
0x1b1: {  	[tilespmem:s19], [sflag:$0x1] =	stream.indirect_vreg.gather @!p1 [hbm4b:s7+s18], $0x80, v3, vm0, $0xb8;
	[tilespmem:$0x18800] =	vst v63  }
0x1b2: {  	s19 =	simm.s32 @!p1 $0x4000  }
0x1b3: {  	[tilespmem:s19], [sflag:$0x1] =	stream.indirect_vreg.gather @!p1 [hbm4b:s8+s18], $0x80, v3, vm0, $0xb8;
	[tilespmem:$0x18800] =	vst v63  }
0x1b4: {  	v3 =	vld @!p1 [tilespmem:s14+$0x0];
	_ =	sdelay $0x4  }
0x1b5: {  	v7 =	vshll.u32 @!p1 v3, $0x3  }
0x1b6: {  	v3 =	vand.u32 @!p1 $0x7, v3;
	v7 =	vand.u32 @!p1 $0xFFFFFFC0, v7  }
0x1b7: {  	v3 =	vor.u32 @!p1 v3, v7  }
0x1b8: {  	v4 =	vperm.xlane @!p1 v3, v4;
	_ =	sdelay $0x1  }
0x1b9: {  	v4 =	vadd.s32 @!p1 v6, v4;
	_ =	sdelay $0x3  }
0x1ba: {  	s19 =	simm.s32 @!p1 $0x4800  }
0x1bb: {  	[tilespmem:s19], [sflag:$0x1] =	stream.indirect_vreg.gather @!p1 [hbm4b:s1+s18], $0x80, v4, vm0, $0xb8;
	[tilespmem:$0x18800] =	vst v63  }
0x1bc: {  	s17 =	sadd.s32 $0xAB, s17;
	v3 =	vperm.xlane @!p1 v3, v5;
	s19 =	simm.s32 @!p1 $0x5000  }
0x1bd: {  	[tilespmem:s19], [sflag:$0x1] =	stream.indirect_vreg.gather @!p1 [hbm4b:s6+s18], $0x80, v4, vm0, $0xb8;
	[tilespmem:$0x18800] =	vst v63  }
0x1be: {  	s17 =	sshrl.u32 s17, $0x9;
	v3 =	vadd.s32 @!p1 v6, v3;
	s19 =	simm.s32 @!p1 $0x5800  }
0x1bf: {  	[tilespmem:s19], [sflag:$0x1] =	stream.indirect_vreg.gather @!p1 [hbm4b:s7+s18], $0x80, v4, vm0, $0xb8;
	[tilespmem:$0x18800] =	vst v63  }
0x1c0: {  	s17 =	sand.u32 $0x7F, s17;
	s19 =	simm.s32 @!p1 $0x6000  }
0x1c1: {  	[tilespmem:s19], [sflag:$0x1] =	stream.indirect_vreg.gather @!p1 [hbm4b:s8+s18], $0x80, v4, vm0, $0xb8;
	[tilespmem:$0x18800] =	vst v63  }
0x1c2: {  	s17 =	smul.u32 $0x3, s17;
	s19 =	simm.s32 @!p1 $0x6800  }
0x1c3: {  	[tilespmem:s19], [sflag:$0x1] =	stream.indirect_vreg.gather @!p1 [hbm4b:s1+s18], $0x80, v3, vm0, $0xb8;
	[tilespmem:$0x18800] =	vst v63  }
0x1c4: {  	s17 =	ssub.s32 s13, s17;
	s19 =	simm.s32 @!p1 $0x7000  }
0x1c5: {  	[tilespmem:s19], [sflag:$0x1] =	stream.indirect_vreg.gather @!p1 [hbm4b:s6+s18], $0x80, v3, vm0, $0xb8;
	[tilespmem:$0x18800] =	vst v63  }
0x1c6: {  	s17 =	sadd.s32 $0x1, s17;
	s19 =	simm.s32 @!p1 $0x7800  }
0x1c7: {  	[tilespmem:s19], [sflag:$0x1] =	stream.indirect_vreg.gather @!p1 [hbm4b:s7+s18], $0x80, v3, vm0, $0xb8;
	[tilespmem:$0x18800] =	vst v63  }
0x1c8: {  	s17 =	sand.u32 $0xFF, s17;
	s19 =	simm.s32 @!p1 $0x8000  }
0x1c9: {  	[tilespmem:s19], [sflag:$0x1] =	stream.indirect_vreg.gather @!p1 [hbm4b:s8+s18], $0x80, v3, vm0, $0xb8;
	[tilespmem:$0x18800] =	vst v63  }
0x1ca: {  	p1 =	sne.s32 s17, $0x0  }
0x1cb: {  	s18 =	simm.s32 @!p1 $0x1  }
0x1cc: {  	_ =	swait.ge @!p1 [sflag:s18], $0x8000  }
0x1cd: {  	[sflag:s18] =	ssyncset.done @!p1 $0x0  }
0x1ce: {  	s19 =	simm.s32 @!p1 $0x800;
	[sflag:s18] =	ssyncadd.s32 @!p1 $0xFFFF8000;
	s18 =	simm.s32 @!p1 $0x0  }
0x1cf: {  	[hbm4b:s4+s18] =	stream.linear.scatter @!p1 [tilespmem:s19], [sflag:$0x4], $0x8000, $0x38;
	[tilespmem:$0x18800] =	vst v63  }
0x1d0: {  	p1 =	sne.s32 @!p0 s16, $0x1  }
0x1d1: {  	p1 =	por p1, p0  }
0x1d2: {  	s18 =	simm.s32 @!p1 $0x5  }
0x1d3: {  	_ =	swait.ge @!p1 [sflag:s18], $0x8000  }
0x1d4: {  	[sflag:s18] =	ssyncset.done @!p1 $0x0  }
0x1d5: {  	[sflag:s18] =	ssyncadd.s32 @!p1 $0xFFFF8000  }
0x1d6: {  	v3 =	vld @!p1 [tilespmem:s14+$0xFFFFFFF0];
	_ =	sdelay $0x4  }
0x1d7: {  	v4 =	vshll.u32 @!p1 v3, $0x3  }
0x1d8: {  	v5 =	vlaneseq.u32 @!p1;
	v3 =	vand.u32 @!p1 $0x7, v3;
	v4 =	vand.u32 @!p1 $0xFFFFFFC0, v4  }
0x1d9: {  	v6 =	vshrl.u32 @!p1 v5, $0x3;
	v3 =	vor.u32 @!p1 v3, v4;
	v4 =	vand.u32 @!p1 $0x7, v5  }
0x1da: {  	v6 =	vmul.u32 @!p1 $0x8, v6;
	v7 =	vperm.xlane @!p1 v3, v4;
	_ =	sdelay $0x1  }
0x1db: {  	v7 =	vadd.s32 @!p1 v6, v7;
	_ =	sdelay $0x3  }
0x1dc: {  	vm0 =	vmmov @!p1 $0xffff;
	s19 =	simm.s32 @!p1 $0x8800;
	s18 =	simm.s32 @!p1 $0x0  }
0x1dd: {  	v5 =	vor.u32 @!p1 $0x8, v5;
	[tilespmem:s19], [sflag:$0x2] =	stream.indirect_vreg.gather @!p1 [hbm4b:s1+s18], $0x80, v7, vm0, $0xb8;
	[tilespmem:$0x18800] =	vst v63  }
0x1de: {  	v3 =	vperm.xlane @!p1 v3, v5;
	s19 =	simm.s32 @!p1 $0x9000  }
0x1df: {  	[tilespmem:s19], [sflag:$0x2] =	stream.indirect_vreg.gather @!p1 [hbm4b:s6+s18], $0x80, v7, vm0, $0xb8;
	[tilespmem:$0x18800] =	vst v63  }
0x1e0: {  	v3 =	vadd.s32 @!p1 v6, v3;
	s19 =	simm.s32 @!p1 $0x9800  }
0x1e1: {  	[tilespmem:s19], [sflag:$0x2] =	stream.indirect_vreg.gather @!p1 [hbm4b:s7+s18], $0x80, v7, vm0, $0xb8;
	[tilespmem:$0x18800] =	vst v63  }
0x1e2: {  	s19 =	simm.s32 @!p1 $0xA000  }
0x1e3: {  	[tilespmem:s19], [sflag:$0x2] =	stream.indirect_vreg.gather @!p1 [hbm4b:s8+s18], $0x80, v7, vm0, $0xb8;
	[tilespmem:$0x18800] =	vst v63  }
0x1e4: {  	s19 =	simm.s32 @!p1 $0xA800  }
0x1e5: {  	[tilespmem:s19], [sflag:$0x2] =	stream.indirect_vreg.gather @!p1 [hbm4b:s1+s18], $0x80, v3, vm0, $0xb8;
	[tilespmem:$0x18800] =	vst v63  }
0x1e6: {  	s19 =	simm.s32 @!p1 $0xB000  }
0x1e7: {  	[tilespmem:s19], [sflag:$0x2] =	stream.indirect_vreg.gather @!p1 [hbm4b:s6+s18], $0x80, v3, vm0, $0xb8;
	[tilespmem:$0x18800] =	vst v63  }
0x1e8: {  	s19 =	simm.s32 @!p1 $0xB800  }
0x1e9: {  	[tilespmem:s19], [sflag:$0x2] =	stream.indirect_vreg.gather @!p1 [hbm4b:s7+s18], $0x80, v3, vm0, $0xb8;
	[tilespmem:$0x18800] =	vst v63  }
0x1ea: {  	s19 =	simm.s32 @!p1 $0xC000  }
0x1eb: {  	[tilespmem:s19], [sflag:$0x2] =	stream.indirect_vreg.gather @!p1 [hbm4b:s8+s18], $0x80, v3, vm0, $0xb8;
	[tilespmem:$0x18800] =	vst v63  }
0x1ec: {  	v3 =	vld @!p1 [tilespmem:s14+$0x0];
	_ =	sdelay $0x4  }
0x1ed: {  	v7 =	vshll.u32 @!p1 v3, $0x3  }
0x1ee: {  	v3 =	vand.u32 @!p1 $0x7, v3;
	v7 =	vand.u32 @!p1 $0xFFFFFFC0, v7  }
0x1ef: {  	v3 =	vor.u32 @!p1 v3, v7  }
0x1f0: {  	v4 =	vperm.xlane @!p1 v3, v4;
	_ =	sdelay $0x1  }
0x1f1: {  	v4 =	vadd.s32 @!p1 v6, v4;
	_ =	sdelay $0x3  }
0x1f2: {  	s19 =	simm.s32 @!p1 $0xC800  }
0x1f3: {  	[tilespmem:s19], [sflag:$0x2] =	stream.indirect_vreg.gather @!p1 [hbm4b:s1+s18], $0x80, v4, vm0, $0xb8;
	[tilespmem:$0x18800] =	vst v63  }
0x1f4: {  	v3 =	vperm.xlane @!p1 v3, v5;
	s19 =	simm.s32 @!p1 $0xD000  }
0x1f5: {  	[tilespmem:s19], [sflag:$0x2] =	stream.indirect_vreg.gather @!p1 [hbm4b:s6+s18], $0x80, v4, vm0, $0xb8;
	[tilespmem:$0x18800] =	vst v63  }
0x1f6: {  	v3 =	vadd.s32 @!p1 v6, v3;
	s19 =	simm.s32 @!p1 $0xD800  }
0x1f7: {  	[tilespmem:s19], [sflag:$0x2] =	stream.indirect_vreg.gather @!p1 [hbm4b:s7+s18], $0x80, v4, vm0, $0xb8;
	[tilespmem:$0x18800] =	vst v63  }
0x1f8: {  	s19 =	simm.s32 @!p1 $0xE000  }
0x1f9: {  	[tilespmem:s19], [sflag:$0x2] =	stream.indirect_vreg.gather @!p1 [hbm4b:s8+s18], $0x80, v4, vm0, $0xb8;
	[tilespmem:$0x18800] =	vst v63  }
0x1fa: {  	s19 =	simm.s32 @!p1 $0xE800  }
0x1fb: {  	[tilespmem:s19], [sflag:$0x2] =	stream.indirect_vreg.gather @!p1 [hbm4b:s1+s18], $0x80, v3, vm0, $0xb8;
	[tilespmem:$0x18800] =	vst v63  }
0x1fc: {  	s19 =	simm.s32 @!p1 $0xF000  }
0x1fd: {  	[tilespmem:s19], [sflag:$0x2] =	stream.indirect_vreg.gather @!p1 [hbm4b:s6+s18], $0x80, v3, vm0, $0xb8;
	[tilespmem:$0x18800] =	vst v63  }
0x1fe: {  	s19 =	simm.s32 @!p1 $0xF800  }
0x1ff: {  	[tilespmem:s19], [sflag:$0x2] =	stream.indirect_vreg.gather @!p1 [hbm4b:s7+s18], $0x80, v3, vm0, $0xb8;
	[tilespmem:$0x18800] =	vst v63  }
0x200: {  	s19 =	simm.s32 @!p1 $0x10000  }
0x201: {  	[tilespmem:s19], [sflag:$0x2] =	stream.indirect_vreg.gather @!p1 [hbm4b:s8+s18], $0x80, v3, vm0, $0xb8;
	[tilespmem:$0x18800] =	vst v63  }
0x202: {  	p1 =	sne.s32 s17, $0x1  }
0x203: {  	s18 =	simm.s32 @!p1 $0x2  }
0x204: {  	_ =	swait.ge @!p1 [sflag:s18], $0x8000  }
0x205: {  	[sflag:s18] =	ssyncset.done @!p1 $0x0  }
0x206: {  	s19 =	simm.s32 @!p1 $0x8800;
	[sflag:s18] =	ssyncadd.s32 @!p1 $0xFFFF8000;
	s18 =	simm.s32 @!p1 $0x0  }
0x207: {  	[hbm4b:s4+s18] =	stream.linear.scatter @!p1 [tilespmem:s19], [sflag:$0x5], $0x8000, $0x38;
	[tilespmem:$0x18800] =	vst v63  }
0x208: {  	p1 =	sne.s32 @!p0 s16, $0x2  }
0x209: {  	p0 =	por p1, p0  }
0x20a: {  	s16 =	simm.s32 @!p0 $0x6  }
0x20b: {  	_ =	swait.ge @!p0 [sflag:s16], $0x8000  }
0x20c: {  	[sflag:s16] =	ssyncset.done @!p0 $0x0  }
0x20d: {  	[sflag:s16] =	ssyncadd.s32 @!p0 $0xFFFF8000  }
0x20e: {  	v3 =	vld @!p0 [tilespmem:s14+$0xFFFFFFF0];
	_ =	sdelay $0x4  }
0x20f: {  	v4 =	vshll.u32 @!p0 v3, $0x3  }
0x210: {  	v5 =	vlaneseq.u32 @!p0;
	v3 =	vand.u32 @!p0 $0x7, v3;
	v4 =	vand.u32 @!p0 $0xFFFFFFC0, v4  }
0x211: {  	v6 =	vshrl.u32 @!p0 v5, $0x3;
	v3 =	vor.u32 @!p0 v3, v4;
	v4 =	vand.u32 @!p0 $0x7, v5  }
0x212: {  	v6 =	vmul.u32 @!p0 $0x8, v6;
	v7 =	vperm.xlane @!p0 v3, v4;
	_ =	sdelay $0x1  }
0x213: {  	v7 =	vadd.s32 @!p0 v6, v7;
	_ =	sdelay $0x3  }
0x214: {  	vm0 =	vmmov @!p0 $0xffff;
	s18 =	simm.s32 @!p0 $0x10800;
	s16 =	simm.s32 @!p0 $0x0  }
0x215: {  	v5 =	vor.u32 @!p0 $0x8, v5;
	[tilespmem:s18], [sflag:$0x3] =	stream.indirect_vreg.gather @!p0 [hbm4b:s1+s16], $0x80, v7, vm0, $0xb8;
	[tilespmem:$0x18800] =	vst v63  }
0x216: {  	v3 =	vperm.xlane @!p0 v3, v5;
	s18 =	simm.s32 @!p0 $0x11000  }
0x217: {  	[tilespmem:s18], [sflag:$0x3] =	stream.indirect_vreg.gather @!p0 [hbm4b:s6+s16], $0x80, v7, vm0, $0xb8;
	[tilespmem:$0x18800] =	vst v63  }
0x218: {  	v3 =	vadd.s32 @!p0 v6, v3;
	s18 =	simm.s32 @!p0 $0x11800  }
0x219: {  	[tilespmem:s18], [sflag:$0x3] =	stream.indirect_vreg.gather @!p0 [hbm4b:s7+s16], $0x80, v7, vm0, $0xb8;
	[tilespmem:$0x18800] =	vst v63  }
0x21a: {  	s18 =	simm.s32 @!p0 $0x12000  }
0x21b: {  	[tilespmem:s18], [sflag:$0x3] =	stream.indirect_vreg.gather @!p0 [hbm4b:s8+s16], $0x80, v7, vm0, $0xb8;
	[tilespmem:$0x18800] =	vst v63  }
0x21c: {  	s18 =	simm.s32 @!p0 $0x12800  }
0x21d: {  	[tilespmem:s18], [sflag:$0x3] =	stream.indirect_vreg.gather @!p0 [hbm4b:s1+s16], $0x80, v3, vm0, $0xb8;
	[tilespmem:$0x18800] =	vst v63  }
0x21e: {  	s18 =	simm.s32 @!p0 $0x13000  }
0x21f: {  	[tilespmem:s18], [sflag:$0x3] =	stream.indirect_vreg.gather @!p0 [hbm4b:s6+s16], $0x80, v3, vm0, $0xb8;
	[tilespmem:$0x18800] =	vst v63  }
0x220: {  	s18 =	simm.s32 @!p0 $0x13800  }
0x221: {  	[tilespmem:s18], [sflag:$0x3] =	stream.indirect_vreg.gather @!p0 [hbm4b:s7+s16], $0x80, v3, vm0, $0xb8;
	[tilespmem:$0x18800] =	vst v63  }
0x222: {  	s18 =	simm.s32 @!p0 $0x14000  }
0x223: {  	[tilespmem:s18], [sflag:$0x3] =	stream.indirect_vreg.gather @!p0 [hbm4b:s8+s16], $0x80, v3, vm0, $0xb8;
	[tilespmem:$0x18800] =	vst v63  }
0x224: {  	v3 =	vld @!p0 [tilespmem:s14+$0x0];
	_ =	sdelay $0x4  }
0x225: {  	v7 =	vshll.u32 @!p0 v3, $0x3  }
0x226: {  	v3 =	vand.u32 @!p0 $0x7, v3;
	v7 =	vand.u32 @!p0 $0xFFFFFFC0, v7  }
0x227: {  	v3 =	vor.u32 @!p0 v3, v7  }
0x228: {  	v4 =	vperm.xlane @!p0 v3, v4;
	_ =	sdelay $0x1  }
0x229: {  	v4 =	vadd.s32 @!p0 v6, v4;
	_ =	sdelay $0x3  }
0x22a: {  	s18 =	simm.s32 @!p0 $0x14800  }
0x22b: {  	[tilespmem:s18], [sflag:$0x3] =	stream.indirect_vreg.gather @!p0 [hbm4b:s1+s16], $0x80, v4, vm0, $0xb8;
	[tilespmem:$0x18800] =	vst v63  }
0x22c: {  	v3 =	vperm.xlane @!p0 v3, v5;
	s18 =	simm.s32 @!p0 $0x15000  }
0x22d: {  	[tilespmem:s18], [sflag:$0x3] =	stream.indirect_vreg.gather @!p0 [hbm4b:s6+s16], $0x80, v4, vm0, $0xb8;
	[tilespmem:$0x18800] =	vst v63  }
0x22e: {  	v3 =	vadd.s32 @!p0 v6, v3;
	s18 =	simm.s32 @!p0 $0x15800  }
0x22f: {  	[tilespmem:s18], [sflag:$0x3] =	stream.indirect_vreg.gather @!p0 [hbm4b:s7+s16], $0x80, v4, vm0, $0xb8;
	[tilespmem:$0x18800] =	vst v63  }
0x230: {  	s18 =	simm.s32 @!p0 $0x16000  }
0x231: {  	[tilespmem:s18], [sflag:$0x3] =	stream.indirect_vreg.gather @!p0 [hbm4b:s8+s16], $0x80, v4, vm0, $0xb8;
	[tilespmem:$0x18800] =	vst v63  }
0x232: {  	s18 =	simm.s32 @!p0 $0x16800  }
0x233: {  	[tilespmem:s18], [sflag:$0x3] =	stream.indirect_vreg.gather @!p0 [hbm4b:s1+s16], $0x80, v3, vm0, $0xb8;
	[tilespmem:$0x18800] =	vst v63  }
0x234: {  	s18 =	simm.s32 @!p0 $0x17000  }
0x235: {  	[tilespmem:s18], [sflag:$0x3] =	stream.indirect_vreg.gather @!p0 [hbm4b:s6+s16], $0x80, v3, vm0, $0xb8;
	[tilespmem:$0x18800] =	vst v63  }
0x236: {  	s18 =	simm.s32 @!p0 $0x17800  }
0x237: {  	[tilespmem:s18], [sflag:$0x3] =	stream.indirect_vreg.gather @!p0 [hbm4b:s7+s16], $0x80, v3, vm0, $0xb8;
	[tilespmem:$0x18800] =	vst v63  }
0x238: {  	s18 =	simm.s32 @!p0 $0x18000  }
0x239: {  	[tilespmem:s18], [sflag:$0x3] =	stream.indirect_vreg.gather @!p0 [hbm4b:s8+s16], $0x80, v3, vm0, $0xb8;
	[tilespmem:$0x18800] =	vst v63  }
0x23a: {  	p0 =	sne.s32 s17, $0x2  }
0x23b: {  	s16 =	simm.s32 @!p0 $0x3  }
0x23c: {  	_ =	swait.ge @!p0 [sflag:s16], $0x8000  }
0x23d: {  	s13 =	sadd.s32 $0x1, s13;
	[sflag:s16] =	ssyncset.done @!p0 $0x0  }
0x23e: {  	s17 =	simm.s32 @!p0 $0x10800;
	[sflag:s16] =	ssyncadd.s32 @!p0 $0xFFFF8000;
	s16 =	simm.s32 @!p0 $0x0  }
0x23f: {  	[hbm4b:s4+s16] =	stream.linear.scatter @!p0 [tilespmem:s17], [sflag:$0x6], $0x8000, $0x38;
	[tilespmem:$0x18800] =	vst v63  }
0x240: {  	p0 =	sne.s32 s13, $0x3F  }
.Ltmp0:
0x241: {  	_ = 	snop;
	(pc) =	sbr.rel @p0 .LBB2_2-.Ltmp0, $2  }
0x242: {  	_ =	sdelay $0x2  }
0x243: {  	s14 =	sadd.s32 $0x20, s14;
	s4 =	sadd.s32 $0x1000, s4  }
0x244: {  	_ =	swait.ge [sflag:s9], $0x8000  }
0x245: {  	[sflag:s9] =	ssyncset.done $0x0  }
0x246: {  	s12 =	sadd.s32 $0x1, s12;
	[sflag:s9] =	ssyncadd.s32 $0xFFFF8000  }
0x247: {  	p0 =	sne.s32 s12, s5;
	_ =	swait.ge [sflag:s10], $0x8000  }
.Ltmp1:
0x248: {  	[sflag:s10] =	ssyncset.done $0x0;
	(pc) =	sbr.rel @p0 .LBB2_1-.Ltmp1, $4  }
0x249: {  	[sflag:s10] =	ssyncadd.s32 $0xFFFF8000  }
0x24a: {  	_ =	swait.ge [sflag:s11], $0x8000  }
0x24b: {  	[sflag:s11] =	ssyncset.done $0x0  }
0x24c: {  	[sflag:s11] =	ssyncadd.s32 $0xFFFF8000  }
0x24d: {  	_ =	sfence.sel $0x180000  }
0x24e: {  	[bflag:$0x0] =	sbarrier.arrive $0xFFFF  }
0x24f: {  	_ =	strace $0x90000047  }
0x250: {  	s0 =	stileid.u32;
	[bflag:$0x2] =	sbarrier.arrive $0xFFFF  }
0x251: {  	p0 =	sne.s32 s0, $0x0;
	s0 =	rddreg [dreg:$0x2]  }
0x252: {  	s0 =	sadd.s32 @!p0 $0x100000, s0  }
0x253: {  	[sflag:s0] =	ssyncadd.tile.s32 @!p0 $0x1;
	_ =	shalt  }
.Lfunc_end2:
_tile_overlayer_lowered:
.L_overlay_start_2:
0x254: {  	(tag) =	ssettag $0x2  }
0x255: {  	s0 =	rddreg [dreg:$0x0];
	s2 =	stileid.u32  }
0x256: {  	s1 =	rddreg [dreg:$0x1];
	p0 =	sne.s32 s2, $0x0  }
0x257: {  	s3 =	rddreg [dreg:$0x2];
	[bflag:$0x3] =	sbarrier.arrive $0xFFFF;
	s2 =	simm.s32 @!p0 $0x1C07  }
0x258: {  	[timem:s3], [sflag:s2] =	dma.local @!p0 [hbm:s0], s1  }
0x259: {  	s0 =	simm.s32 @!p0 $0x7  }
0x25a: {  	_ =	swait.ge @!p0 [sflag:s0], s1  }
0x25b: {  	s1 =	ssub.s32 @!p0 $0x0, s1;
	[sflag:s0] =	ssyncset.done @!p0 $0x0  }
0x25c: {  	[sflag:s0] =	ssyncadd.s32 @!p0 s1  }
0x25d: {  	[bflag:$0x3] =	sbarrier.arrive $0xFFFF  }
0x25e: {  	_ =	shalt  }

</sc_bundles>
